<compile_context>
chip_gen: v7x
topology: tpu7x:2x2x1
jax: 0.10.2.dev20260603
libtpu: 0.0.44.dev20260713+nightly
codegen_flags: <defaults>
</compile_context>

<pallas_src>
import jax
import jax.numpy as jnp
from jax import lax
from jax.experimental import pallas as pl
from jax.experimental.pallas import tpu as pltpu
from jax.experimental.pallas import tpu_sc as plsc
from jax._src.pallas import mpmd as _mpmd

_FEATURE = 1024
_QSIZE = 256
_NCLASS = 100
_BATCH = 4096

_NC = 2
_NS = 16
_L = 16
_NW = _NC * _NS
_CPAD = 128
_CHUNK = 64


_QBLK = 1600
_EBLK = 256
_QSTEPS = _NCLASS * _QSIZE // _QBLK
_ESTEPS = _BATCH // _EBLK


def _tc_body(q_ref, emb_ref, qout_ref, eout_ref):
    i = pl.program_id(0)
    qout_ref[...] = q_ref[...]

    @pl.when(i < _ESTEPS)
    def _norm():
        x = emb_ref[...]
        n = jnp.sqrt(jnp.sum(x * x, axis=1, keepdims=True))
        eout_ref[...] = x / jnp.maximum(n, 1e-12)


def _tc_fused(queue2d, embeddings):
    nrows = _NCLASS * _QSIZE
    return pl.pallas_call(
        _tc_body,
        grid=(_QSTEPS,),
        in_specs=[
            pl.BlockSpec((_QBLK, _FEATURE), lambda i: (i, 0)),
            pl.BlockSpec((_EBLK, _FEATURE),
                         lambda i: (jnp.minimum(i, _ESTEPS - 1), 0)),
        ],
        out_specs=[
            pl.BlockSpec((_QBLK, _FEATURE), lambda i: (i, 0)),
            pl.BlockSpec((_EBLK, _FEATURE),
                         lambda i: (jnp.minimum(i, _ESTEPS - 1), 0)),
        ],
        out_shape=[
            jax.ShapeDtypeStruct((nrows, _FEATURE), jnp.float32),
            jax.ShapeDtypeStruct((_BATCH, _FEATURE), jnp.float32),
        ],
    )(queue2d, embeddings)


def _sc_body(labels_hbm, ptr_hbm, qcopy_hbm, emb_hbm,
             out_hbm, newptr_hbm,
             labels_v, ptr_v, cmb_v, lblcmb_v, match_v, rows_v, ptrbuf_v,
             gsem, ssem):
    del qcopy_hbm
    wid = lax.axis_index("s") * _NC + lax.axis_index("c")
    pltpu.sync_copy(labels_hbm, labels_v)
    pltpu.sync_copy(ptr_hbm, ptr_v)
    lane = lax.iota(jnp.int32, _L)

    def scan1(i, mcnt):
        lbl = labels_v[pl.ds(i * _L, _L)]
        msk = jnp.bitwise_and(lbl, _NW - 1) == wid
        inc = plsc.cumsum(msk.astype(jnp.int32))
        pos = mcnt + inc - 1
        plsc.store_scatter(cmb_v, [pos], lane + i * _L, mask=msk)
        plsc.store_scatter(lblcmb_v, [pos], lbl, mask=msk)
        return mcnt + jnp.max(inc)

    mcnt = lax.fori_loop(0, _BATCH // _L, scan1, 0)
    mvecs = lax.div(mcnt + _L - 1, _L)

    for k in range(_CPAD // _NW):
        c = wid + _NW * k

        @pl.when(c < _NCLASS)
        def _process(c=c):
            def scan2(i, cnt):
                l2 = lblcmb_v[pl.ds(i * _L, _L)]
                b2 = cmb_v[pl.ds(i * _L, _L)]
                msk = (l2 == c) & (lane + i * _L < mcnt)
                inc = plsc.cumsum(msk.astype(jnp.int32))
                plsc.store_scatter(match_v, [cnt + inc - 1], b2, mask=msk)
                return cnt + jnp.max(inc)

            cnt = lax.fori_loop(0, mvecs, scan2, 0)

            pv = ptr_v[pl.ds((c // _L) * _L, _L)]
            ptr_c = jnp.sum(jnp.where(lane == lax.rem(c, _L), pv, 0))

            newp = lax.rem(ptr_c + cnt, _QSIZE)
            ptrbuf_v[...] = jnp.broadcast_to(newp, (_L,))
            pltpu.sync_copy(ptrbuf_v, newptr_hbm.at[c])

            nchunks = lax.div(cnt + _L - 1, _L)

            def fire_gather(j):
                r = lane + j * _L
                rc = jnp.minimum(r, cnt - 1)
                src = plsc.load_gather(match_v, [rc])
                buf = lax.rem(j, 2)
                pltpu.make_async_copy(emb_hbm.at[src], rows_v.at[buf],
                                      gsem).start()

            @pl.when(nchunks > 0)
            def _prime():
                fire_gather(0)

            def chunk_step(j, _):
                @pl.when(j > 0)
                def _drain_prev_scatter():
                    pltpu.make_async_copy(
                        rows_v.at[lax.rem(j - 1, 2)],
                        out_hbm.at[pl.ds(0, _L)], ssem).wait()

                @pl.when(j + 1 < nchunks)
                def _next_gather():
                    fire_gather(j + 1)

                buf = lax.rem(j, 2)
                pltpu.make_async_copy(
                    emb_hbm.at[pl.ds(0, _L)], rows_v.at[buf], gsem).wait()
                r = lane + j * _L
                rc = jnp.minimum(r, cnt - 1)
                dst = c * _QSIZE + lax.rem(ptr_c + rc, _QSIZE)
                pltpu.make_async_copy(rows_v.at[buf], out_hbm.at[dst],
                                      ssem).start()
                return 0

            lax.fori_loop(0, nchunks, chunk_step, 0)

            @pl.when(nchunks > 0)
            def _drain_last():
                pltpu.make_async_copy(
                    rows_v.at[lax.rem(nchunks - 1, 2)],
                    out_hbm.at[pl.ds(0, _L)], ssem).wait()


_sc_update = _mpmd._mpmd_map(
    [(plsc.VectorSubcoreMesh(core_axis_name="c", subcore_axis_name="s"),
      _sc_body)],
    (
        jax.ShapeDtypeStruct((_NCLASS * _QSIZE, _FEATURE), jnp.float32),
        jax.ShapeDtypeStruct((_CPAD, _L), jnp.int32),
    ),
    input_output_aliases={2: 0},
    scratch_types=[
        pltpu.VMEM((_BATCH,), jnp.int32),
        pltpu.VMEM((_CPAD,), jnp.int32),
        pltpu.VMEM((_BATCH + _L,), jnp.int32),
        pltpu.VMEM((_BATCH + _L,), jnp.int32),
        pltpu.VMEM((_QSIZE + _L,), jnp.int32),
        pltpu.VMEM((2, _L, _FEATURE), jnp.float32),
        pltpu.VMEM((_L,), jnp.int32),
        pltpu.SemaphoreType.DMA,
        pltpu.SemaphoreType.DMA,
    ],
    compiler_params=pltpu.CompilerParams(needs_layout_passes=False),
)


def kernel(embeddings, labels, queue, queue_ptr):
    ptr_pad = jnp.pad(queue_ptr, (0, _CPAD - _NCLASS))
    queue2d = queue.reshape(_NCLASS * _QSIZE, _FEATURE)
    qcopy, emb_norm = _tc_fused(queue2d, embeddings)
    out2d, newptr_pad = _sc_update(labels, ptr_pad, qcopy, emb_norm)
    return (out2d.reshape(_NCLASS, _QSIZE, _FEATURE), newptr_pad[:_NCLASS, 0])

# --- scband reference (transcript-rebuilt; emitter-appended) ---
"""Pipeline reference for scband-memory-bank-5385888989248 (READ-ONLY COPY).

The authoritative reference and input builder live on the scoring server;
editing this copy changes nothing except your own understanding.
"""

import jax, jax.numpy as jnp
import numpy as np

FEATURE_DIM = 1024
QUEUE_SIZE = 256
NUM_CLASSES = 100
BATCH = 4096


def setup_inputs(seed: int = 0) -> dict:
    key = jax.random.key(seed)
    k1, k2, k3 = jax.random.split(key, 3)
    embeddings = jax.random.normal(k1, (BATCH, FEATURE_DIM), dtype=jnp.float32)
    labels = jax.random.randint(k2, (BATCH,), 0, NUM_CLASSES, dtype=jnp.int32)
    # Registered buffers of the module (learned/persistent state):
    queue = jax.random.normal(k3, (NUM_CLASSES, QUEUE_SIZE, FEATURE_DIM), dtype=jnp.float32)
    queue = queue / jnp.maximum(jnp.linalg.norm(queue, axis=-1, keepdims=True), 1e-12)
    queue_ptr = jnp.zeros((NUM_CLASSES,), dtype=jnp.int32)
    return {"embeddings": embeddings, "labels": labels, "queue": queue, "queue_ptr": queue_ptr}


def reference(embeddings, labels, queue, queue_ptr):
    # Faithful vectorization of MemoryBank.update with tail_classes=None
    # (store_idx == label). The sequential per-batch-element FIFO write is
    # expressed analytically: element b with label l is written to slot
    # (queue_ptr[l] + rank_of_b_within_label_l) % QUEUE_SIZE. Within a batch
    # the per-label ranks are distinct, so the scatter has unique targets
    # (exact match to the python loop whenever per-label counts <= queue_size,
    # overwhelmingly true for B=4096 over 100 classes vs queue_size=256).
    emb = embeddings.astype(jnp.float32)
    emb = emb / jnp.maximum(jnp.linalg.norm(emb, axis=-1, keepdims=True), 1e-12)  # F.normalize
    same = labels[:, None] == labels[None, :]
    prior = jnp.tril(same, k=-1)
    rank = jnp.sum(prior.astype(jnp.int32), axis=1)  # occurrences of this label before b
    positions = (queue_ptr[labels] + rank) % QUEUE_SIZE
    new_queue = queue.at[labels, positions].set(emb)  # scatter-overwrite
    counts = jnp.bincount(labels, length=NUM_CLASSES).astype(jnp.int32)
    new_ptr = (queue_ptr + counts) % QUEUE_SIZE
    return new_queue, new_ptr

if __name__ == "__main__":
    import jax
    _d = setup_inputs()
    print(jax.jit(kernel)(*tuple(_d.values())))

</pallas_src>

<mosaic_0001>
#map = affine_map<(d0, d1) -> (0)>
#map1 = affine_map<(d0, d1) -> (0, 0)>
module attributes {stable_mosaic.version = 14 : i64} {
  func.func @_sc_body(%arg0: i32, %arg1: i32, %arg2: memref<4096xi32, #tpu.memory_space<hbm>>, %arg3: memref<128xi32, #tpu.memory_space<hbm>>, %arg4: memref<25600x1024xf32, #tpu.memory_space<hbm>>, %arg5: memref<4096x1024xf32, #tpu.memory_space<hbm>>, %arg6: memref<25600x1024xf32, #tpu.memory_space<hbm>>, %arg7: memref<128x16xi32, #tpu.memory_space<hbm>>, %arg8: memref<4096xi32, #tpu.memory_space<vmem>>, %arg9: memref<128xi32, #tpu.memory_space<vmem>>, %arg10: memref<4112xi32, #tpu.memory_space<vmem>>, %arg11: memref<4112xi32, #tpu.memory_space<vmem>>, %arg12: memref<272xi32, #tpu.memory_space<vmem>>, %arg13: memref<2x16x1024xf32, #tpu.memory_space<vmem>>, %arg14: memref<16xi32, #tpu.memory_space<vmem>>, %arg15: memref<!tpu.dma_semaphore, #tpu.memory_space<semaphore_mem>>, %arg16: memref<!tpu.dma_semaphore, #tpu.memory_space<semaphore_mem>>) attributes {dimension_semantics = [#tpu.dimension_semantics<core_parallel>, #tpu.dimension_semantics<subcore_parallel>], iteration_bounds = array<i64: 2, 16>, scalar_prefetch = 0 : i64, scratch_operands = 9 : i64, tpu.core_type = #tpu.core_type<sc_vector_subcore>, window_params = [{transform_indices = #map}, {transform_indices = #map}, {transform_indices = #map1}, {transform_indices = #map1}, {transform_indices = #map1}, {transform_indices = #map1}]} {
    %mul3A = arith.constant 2 : i32
    %mul3A_0 = arith.muli %arg1, %mul3A : i32
    %add3A = arith.addi %mul3A_0, %arg0 : i32
    "tpu.region"() ({
      %run_scoped3A = tpu.sem_alloc : memref<!tpu.dma_semaphore, #tpu.memory_space<semaphore_mem>>
      tpu.enqueue_dma source(%arg2 : memref<4096xi32, #tpu.memory_space<hbm>>) target(%arg8 : memref<4096xi32, #tpu.memory_space<vmem>>) target_semaphore(%run_scoped3A : memref<!tpu.dma_semaphore, #tpu.memory_space<semaphore_mem>>)
      tpu.wait_dma2 semaphore(%run_scoped3A : memref<!tpu.dma_semaphore, #tpu.memory_space<semaphore_mem>>) src(%arg2 : memref<4096xi32, #tpu.memory_space<hbm>>) dst(%arg8 : memref<4096xi32, #tpu.memory_space<vmem>>)
      tpu.yield
    }) : () -> ()
    "tpu.region"() ({
      %run_scoped3A = tpu.sem_alloc : memref<!tpu.dma_semaphore, #tpu.memory_space<semaphore_mem>>
      tpu.enqueue_dma source(%arg3 : memref<128xi32, #tpu.memory_space<hbm>>) target(%arg9 : memref<128xi32, #tpu.memory_space<vmem>>) target_semaphore(%run_scoped3A : memref<!tpu.dma_semaphore, #tpu.memory_space<semaphore_mem>>)
      tpu.wait_dma2 semaphore(%run_scoped3A : memref<!tpu.dma_semaphore, #tpu.memory_space<semaphore_mem>>) src(%arg3 : memref<128xi32, #tpu.memory_space<hbm>>) dst(%arg9 : memref<128xi32, #tpu.memory_space<vmem>>)
      tpu.yield
    }) : () -> ()
    %iota3A = tpu.iota {dimensions = array<i32: 0>} : vector<16xi32>
    %scan3A = arith.constant 0 : i32
    %scan3A_1 = arith.constant 0 : i32
    %scan3A_2 = arith.constant 256 : i32
    %scan3A_3 = arith.addi %scan3A_1, %scan3A_2 : i32
    %scan3A_4 = arith.constant 1 : i32
    %scan3A_5 = scf.for %scan3A_36 = %scan3A_1 to %scan3A_3 step %scan3A_4 iter_args(%scan3A_37 = %scan3A) -> (i32)  : i32 {
      %mul3A_38 = arith.constant 16 : i32
      %mul3A_39 = arith.muli %scan3A_36, %mul3A_38 : i32
      %get3A = arith.index_cast %mul3A_39 : i32 to index
      %get3A_40 = tpu.vector_load %arg8[%get3A] {strides = array<i32>} : memref<4096xi32, #tpu.memory_space<vmem>>, vector<16xi32>,
      %and3A = arith.constant 31 : i32
      %and3A_41 = vector.broadcast %and3A : i32 to vector<16xi32>
      %and3A_42 = arith.andi %get3A_40, %and3A_41 : vector<16xi32>
      %eq3A = vector.broadcast %add3A : i32 to vector<16xi32>
      %eq3A_43 = arith.cmpi eq, %and3A_42, %eq3A : vector<16xi32>
      %convert_element_type3A_44 = arith.extui %eq3A_43 : vector<16xi1> to vector<16xi32>
      %broadcast_in_dim3A = arith.constant true
      %broadcast_in_dim3A_45 = vector.broadcast %broadcast_in_dim3A : i1 to vector<16xi1>
      %masked_cumsum3A = tpu.scan <sum>, %convert_element_type3A_44 masked %broadcast_in_dim3A_45 : vector<16xi32>, vector<16xi1> -> vector<16xi32>
      %add3A_46 = vector.broadcast %scan3A_37 : i32 to vector<16xi32>
      %add3A_47 = arith.addi %add3A_46, %masked_cumsum3A : vector<16xi32>
      %sub3A_48 = arith.constant 1 : i32
      %sub3A_49 = vector.broadcast %sub3A_48 : i32 to vector<16xi32>
      %sub3A_50 = arith.subi %add3A_47, %sub3A_49 : vector<16xi32>
      %mul3A_51 = arith.constant 16 : i32
      %mul3A_52 = arith.muli %scan3A_36, %mul3A_51 : i32
      %add3A_53 = vector.broadcast %mul3A_52 : i32 to vector<16xi32>
      %add3A_54 = arith.addi %iota3A, %add3A_53 : vector<16xi32>
      tpu.vector_store_idx %arg10[%sub3A_50], %add3A_54 masked %eq3A_43 : memref<4112xi32, #tpu.memory_space<vmem>>[vector<16xi32>], vector<16xi32>, vector<16xi1>
      tpu.vector_store_idx %arg11[%sub3A_50], %get3A_40 masked %eq3A_43 : memref<4112xi32, #tpu.memory_space<vmem>>[vector<16xi32>], vector<16xi32>, vector<16xi1>
      %reduce_max3A = arith.constant true
      %reduce_max3A_55 = vector.broadcast %reduce_max3A : i1 to vector<16xi1>
      %reduce_max3A_56 = arith.constant -2147483648 : i32
      %reduce_max3A_57 = vector.broadcast %reduce_max3A_56 : i32 to vector<16xi32>
      %reduce_max3A_58 = arith.xori %masked_cumsum3A, %reduce_max3A_57 : vector<16xi32>
      %reduce_max3A_59 = tpu.scan <max>, %reduce_max3A_58 masked %reduce_max3A_55 : vector<16xi32>, vector<16xi1> -> vector<16xi32>
      %reduce_max3A_60 = arith.xori %reduce_max3A_59, %reduce_max3A_57 : vector<16xi32>
      %reduce_max3A_61 = vector.extract %reduce_max3A_60[15] : i32 from vector<16xi32>
      %add3A_62 = arith.addi %scan3A_37, %reduce_max3A_61 : i32
      scf.yield %add3A_62 : i32
    }
    %scan3A_6 = arith.constant 256 : i32
    %add3A_7 = arith.constant 16 : i32
    %add3A_8 = arith.addi %scan3A_5, %add3A_7 : i32
    %sub3A = arith.constant 1 : i32
    %sub3A_9 = arith.subi %add3A_8, %sub3A : i32
    %div3A = arith.constant 16 : i32
    %div3A_10 = arith.divsi %sub3A_9, %div3A : i32
    %add3A_11 = arith.constant 0 : i32
    %add3A_12 = arith.addi %add3A, %add3A_11 : i32
    %lt3A = arith.constant 100 : i32
    %lt3A_13 = arith.cmpi slt, %add3A_12, %lt3A : i32
    %convert_element_type3A = arith.extui %lt3A_13 : i1 to i32
    %cond3A = arith.constant 0 : i32
    %cond3A_14 = arith.cmpi ne, %convert_element_type3A, %cond3A : i32
    scf.if %cond3A_14 {
      %while3A = arith.constant 0 : i32
      %while3A_36 = arith.constant 0 : i32
      %while3A_37 = arith.subi %div3A_10, %while3A : i32
      %while3A_38 = arith.addi %while3A, %while3A_37 : i32
      %while3A_39 = arith.constant 1 : i32
      %while3A_40 = arith.divsi %while3A_37, %while3A_39 : i32
      %while3A_41 = arith.muli %while3A_40, %while3A_39 : i32
      %while3A_42 = arith.addi %while3A, %while3A_41 : i32
      %while3A_43 = arith.constant 1 : i32
      %while3A_44 = scf.for %while3A_108 = %while3A to %while3A_42 step %while3A_43 iter_args(%while3A_109 = %while3A_36) -> (i32)  : i32 {
        %mul3A_110 = arith.constant 16 : i32
        %mul3A_111 = arith.muli %while3A_108, %mul3A_110 : i32
        %get3A_112 = arith.index_cast %mul3A_111 : i32 to index
        %get3A_113 = tpu.vector_load %arg11[%get3A_112] {strides = array<i32>} : memref<4112xi32, #tpu.memory_space<vmem>>, vector<16xi32>,
        %mul3A_114 = arith.constant 16 : i32
        %mul3A_115 = arith.muli %while3A_108, %mul3A_114 : i32
        %get3A_116 = arith.index_cast %mul3A_115 : i32 to index
        %get3A_117 = tpu.vector_load %arg10[%get3A_116] {strides = array<i32>} : memref<4112xi32, #tpu.memory_space<vmem>>, vector<16xi32>,
        %eq3A_118 = vector.broadcast %add3A_12 : i32 to vector<16xi32>
        %eq3A_119 = arith.cmpi eq, %get3A_113, %eq3A_118 : vector<16xi32>
        %mul3A_120 = arith.constant 16 : i32
        %mul3A_121 = arith.muli %while3A_108, %mul3A_120 : i32
        %add3A_122 = vector.broadcast %mul3A_121 : i32 to vector<16xi32>
        %add3A_123 = arith.addi %iota3A, %add3A_122 : vector<16xi32>
        %lt3A_124 = vector.broadcast %scan3A_5 : i32 to vector<16xi32>
        %lt3A_125 = arith.cmpi slt, %add3A_123, %lt3A_124 : vector<16xi32>
        %and3A_126 = arith.andi %eq3A_119, %lt3A_125 : vector<16xi1>
        %convert_element_type3A_127 = arith.extui %and3A_126 : vector<16xi1> to vector<16xi32>
        %broadcast_in_dim3A_128 = arith.constant true
        %broadcast_in_dim3A_129 = vector.broadcast %broadcast_in_dim3A_128 : i1 to vector<16xi1>
        %masked_cumsum3A = tpu.scan <sum>, %convert_element_type3A_127 masked %broadcast_in_dim3A_129 : vector<16xi32>, vector<16xi1> -> vector<16xi32>
        %add3A_130 = vector.broadcast %while3A_109 : i32 to vector<16xi32>
        %add3A_131 = arith.addi %add3A_130, %masked_cumsum3A : vector<16xi32>
        %sub3A_132 = arith.constant 1 : i32
        %sub3A_133 = vector.broadcast %sub3A_132 : i32 to vector<16xi32>
        %sub3A_134 = arith.subi %add3A_131, %sub3A_133 : vector<16xi32>
        tpu.vector_store_idx %arg12[%sub3A_134], %get3A_117 masked %and3A_126 : memref<272xi32, #tpu.memory_space<vmem>>[vector<16xi32>], vector<16xi32>, vector<16xi1>
        %reduce_max3A = arith.constant true
        %reduce_max3A_135 = vector.broadcast %reduce_max3A : i1 to vector<16xi1>
        %reduce_max3A_136 = arith.constant -2147483648 : i32
        %reduce_max3A_137 = vector.broadcast %reduce_max3A_136 : i32 to vector<16xi32>
        %reduce_max3A_138 = arith.xori %masked_cumsum3A, %reduce_max3A_137 : vector<16xi32>
        %reduce_max3A_139 = tpu.scan <max>, %reduce_max3A_138 masked %reduce_max3A_135 : vector<16xi32>, vector<16xi1> -> vector<16xi32>
        %reduce_max3A_140 = arith.xori %reduce_max3A_139, %reduce_max3A_137 : vector<16xi32>
        %reduce_max3A_141 = vector.extract %reduce_max3A_140[15] : i32 from vector<16xi32>
        %add3A_142 = arith.addi %while3A_109, %reduce_max3A_141 : i32
        scf.yield %add3A_142 : i32
      }
      %while3A_45 = arith.constant 1 : i32
      %while3A_46 = scf.for %while3A_108 = %while3A_42 to %while3A_38 step %while3A_45 iter_args(%while3A_109 = %while3A_44) -> (i32)  : i32 {
        %mul3A_110 = arith.constant 16 : i32
        %mul3A_111 = arith.muli %while3A_108, %mul3A_110 : i32
        %get3A_112 = arith.index_cast %mul3A_111 : i32 to index
        %get3A_113 = tpu.vector_load %arg11[%get3A_112] {strides = array<i32>} : memref<4112xi32, #tpu.memory_space<vmem>>, vector<16xi32>,
        %mul3A_114 = arith.constant 16 : i32
        %mul3A_115 = arith.muli %while3A_108, %mul3A_114 : i32
        %get3A_116 = arith.index_cast %mul3A_115 : i32 to index
        %get3A_117 = tpu.vector_load %arg10[%get3A_116] {strides = array<i32>} : memref<4112xi32, #tpu.memory_space<vmem>>, vector<16xi32>,
        %eq3A_118 = vector.broadcast %add3A_12 : i32 to vector<16xi32>
        %eq3A_119 = arith.cmpi eq, %get3A_113, %eq3A_118 : vector<16xi32>
        %mul3A_120 = arith.constant 16 : i32
        %mul3A_121 = arith.muli %while3A_108, %mul3A_120 : i32
        %add3A_122 = vector.broadcast %mul3A_121 : i32 to vector<16xi32>
        %add3A_123 = arith.addi %iota3A, %add3A_122 : vector<16xi32>
        %lt3A_124 = vector.broadcast %scan3A_5 : i32 to vector<16xi32>
        %lt3A_125 = arith.cmpi slt, %add3A_123, %lt3A_124 : vector<16xi32>
        %and3A_126 = arith.andi %eq3A_119, %lt3A_125 : vector<16xi1>
        %convert_element_type3A_127 = arith.extui %and3A_126 : vector<16xi1> to vector<16xi32>
        %broadcast_in_dim3A_128 = arith.constant true
        %broadcast_in_dim3A_129 = vector.broadcast %broadcast_in_dim3A_128 : i1 to vector<16xi1>
        %masked_cumsum3A = tpu.scan <sum>, %convert_element_type3A_127 masked %broadcast_in_dim3A_129 : vector<16xi32>, vector<16xi1> -> vector<16xi32>
        %add3A_130 = vector.broadcast %while3A_109 : i32 to vector<16xi32>
        %add3A_131 = arith.addi %add3A_130, %masked_cumsum3A : vector<16xi32>
        %sub3A_132 = arith.constant 1 : i32
        %sub3A_133 = vector.broadcast %sub3A_132 : i32 to vector<16xi32>
        %sub3A_134 = arith.subi %add3A_131, %sub3A_133 : vector<16xi32>
        tpu.vector_store_idx %arg12[%sub3A_134], %get3A_117 masked %and3A_126 : memref<272xi32, #tpu.memory_space<vmem>>[vector<16xi32>], vector<16xi32>, vector<16xi1>
        %reduce_max3A = arith.constant true
        %reduce_max3A_135 = vector.broadcast %reduce_max3A : i1 to vector<16xi1>
        %reduce_max3A_136 = arith.constant -2147483648 : i32
        %reduce_max3A_137 = vector.broadcast %reduce_max3A_136 : i32 to vector<16xi32>
        %reduce_max3A_138 = arith.xori %masked_cumsum3A, %reduce_max3A_137 : vector<16xi32>
        %reduce_max3A_139 = tpu.scan <max>, %reduce_max3A_138 masked %reduce_max3A_135 : vector<16xi32>, vector<16xi1> -> vector<16xi32>
        %reduce_max3A_140 = arith.xori %reduce_max3A_139, %reduce_max3A_137 : vector<16xi32>
        %reduce_max3A_141 = vector.extract %reduce_max3A_140[15] : i32 from vector<16xi32>
        %add3A_142 = arith.addi %while3A_109, %reduce_max3A_141 : i32
        scf.yield %add3A_142 : i32
      }
      %jit3A = arith.constant 16 : i32
      %div3A_47 = arith.divsi %add3A_12, %jit3A : i32
      %sign3A = arith.constant 0 : i32
      %sign3A_48 = arith.cmpi sgt, %add3A_12, %sign3A : i32
      %sign3A_49 = arith.extui %sign3A_48 : i1 to i32
      %sign3A_50 = arith.constant 0 : i32
      %sign3A_51 = arith.cmpi slt, %add3A_12, %sign3A_50 : i32
      %sign3A_52 = arith.extui %sign3A_51 : i1 to i32
      %sign3A_53 = arith.subi %sign3A_49, %sign3A_52 : i32
      %sign3A_54 = arith.constant 0 : i32
      %sign3A_55 = arith.cmpi sgt, %jit3A, %sign3A_54 : i32
      %sign3A_56 = arith.extui %sign3A_55 : i1 to i32
      %sign3A_57 = arith.constant 0 : i32
      %sign3A_58 = arith.cmpi slt, %jit3A, %sign3A_57 : i32
      %sign3A_59 = arith.extui %sign3A_58 : i1 to i32
      %sign3A_60 = arith.subi %sign3A_56, %sign3A_59 : i32
      %ne3A = arith.cmpi ne, %sign3A_53, %sign3A_60 : i32
      %rem3A = arith.remsi %add3A_12, %jit3A : i32
      %ne3A_61 = arith.constant 0 : i32
      %ne3A_62 = arith.cmpi ne, %rem3A, %ne3A_61 : i32
      %and3A = arith.andi %ne3A, %ne3A_62 : i1
      %sub3A_63 = arith.constant 1 : i32
      %sub3A_64 = arith.subi %div3A_47, %sub3A_63 : i32
      %select_n3A = arith.select %and3A, %sub3A_64, %div3A_47 : i32
      %mul3A_65 = arith.constant 16 : i32
      %mul3A_66 = arith.muli %select_n3A, %mul3A_65 : i32
      %get3A = arith.index_cast %mul3A_66 : i32 to index
      %get3A_67 = tpu.vector_load %arg9[%get3A] {strides = array<i32>} : memref<128xi32, #tpu.memory_space<vmem>>, vector<16xi32>,
      %rem3A_68 = arith.constant 16 : i32
      %rem3A_69 = arith.remsi %add3A_12, %rem3A_68 : i32
      %eq3A = vector.broadcast %rem3A_69 : i32 to vector<16xi32>
      %eq3A_70 = arith.cmpi eq, %iota3A, %eq3A : vector<16xi32>
      %jit3A_71 = arith.constant 0 : i32
      %broadcast_in_dim3A = vector.broadcast %jit3A_71 : i32 to vector<16xi32>
      %select_n3A_72 = arith.select %eq3A_70, %get3A_67, %broadcast_in_dim3A : vector<16xi1>, vector<16xi32>
      %reduce_sum3A = arith.constant true
      %reduce_sum3A_73 = vector.broadcast %reduce_sum3A : i1 to vector<16xi1>
      %reduce_sum3A_74 = tpu.scan <sum>, %select_n3A_72 masked %reduce_sum3A_73 : vector<16xi32>, vector<16xi1> -> vector<16xi32>
      %reduce_sum3A_75 = vector.extract %reduce_sum3A_74[15] : i32 from vector<16xi32>
      %add3A_76 = arith.addi %reduce_sum3A_75, %while3A_46 : i32
      %rem3A_77 = arith.constant 256 : i32
      %rem3A_78 = arith.remsi %add3A_76, %rem3A_77 : i32
      %broadcast_in_dim3A_79 = vector.broadcast %rem3A_78 : i32 to vector<16xi32>
      %swap3A = arith.constant 0 : index
      %swap3A_80 = tpu.vector_load %arg14[%swap3A] {strides = array<i32>} : memref<16xi32, #tpu.memory_space<vmem>>, vector<16xi32>,
      tpu.vector_store %arg14[%swap3A], %broadcast_in_dim3A_79 {strides = array<i32>} : memref<16xi32, #tpu.memory_space<vmem>>, vector<16xi32>,
      "tpu.region"() ({
        %run_scoped3A = tpu.sem_alloc : memref<!tpu.dma_semaphore, #tpu.memory_space<semaphore_mem>>
        %dma_start3A = arith.constant 0 : i32
        %dma_start3A_108 = tpu.memref_slice %arg7[%add3A_12, %dma_start3A] : memref<128x16xi32, #tpu.memory_space<hbm>> -> memref<1x16xi32, #tpu.memory_space<hbm>>
        %dma_start3A_109 = tpu.memref_squeeze %dma_start3A_108 : memref<1x16xi32, #tpu.memory_space<hbm>> -> memref<16xi32, #tpu.memory_space<hbm>>
        %dma_start3A_110 = arith.constant 0 : i32
        %dma_start3A_111 = tpu.memref_slice %arg7[%add3A_12, %dma_start3A_110] : memref<128x16xi32, #tpu.memory_space<hbm>> -> memref<1x16xi32, #tpu.memory_space<hbm>>
        %dma_start3A_112 = tpu.memref_squeeze %dma_start3A_111 : memref<1x16xi32, #tpu.memory_space<hbm>> -> memref<16xi32, #tpu.memory_space<hbm>>
        tpu.enqueue_dma source(%arg14 : memref<16xi32, #tpu.memory_space<vmem>>) target(%dma_start3A_112 : memref<16xi32, #tpu.memory_space<hbm>>) target_semaphore(%run_scoped3A : memref<!tpu.dma_semaphore, #tpu.memory_space<semaphore_mem>>)
        %dma_wait3A = arith.constant 0 : i32
        %dma_wait3A_113 = tpu.memref_slice %arg7[%add3A_12, %dma_wait3A] : memref<128x16xi32, #tpu.memory_space<hbm>> -> memref<1x16xi32, #tpu.memory_space<hbm>>
        %dma_wait3A_114 = tpu.memref_squeeze %dma_wait3A_113 : memref<1x16xi32, #tpu.memory_space<hbm>> -> memref<16xi32, #tpu.memory_space<hbm>>
        %dma_wait3A_115 = arith.constant 0 : i32
        %dma_wait3A_116 = tpu.memref_slice %arg7[%add3A_12, %dma_wait3A_115] : memref<128x16xi32, #tpu.memory_space<hbm>> -> memref<1x16xi32, #tpu.memory_space<hbm>>
        %dma_wait3A_117 = tpu.memref_squeeze %dma_wait3A_116 : memref<1x16xi32, #tpu.memory_space<hbm>> -> memref<16xi32, #tpu.memory_space<hbm>>
        tpu.wait_dma2 semaphore(%run_scoped3A : memref<!tpu.dma_semaphore, #tpu.memory_space<semaphore_mem>>) src(%arg14 : memref<16xi32, #tpu.memory_space<vmem>>) dst(%dma_wait3A_117 : memref<16xi32, #tpu.memory_space<hbm>>)
        tpu.yield
      }) : () -> ()
      %add3A_81 = arith.constant 16 : i32
      %add3A_82 = arith.addi %while3A_46, %add3A_81 : i32
      %sub3A_83 = arith.constant 1 : i32
      %sub3A_84 = arith.subi %add3A_82, %sub3A_83 : i32
      %div3A_85 = arith.constant 16 : i32
      %div3A_86 = arith.divsi %sub3A_84, %div3A_85 : i32
      %gt3A = arith.constant 0 : i32
      %gt3A_87 = arith.cmpi sgt, %div3A_86, %gt3A : i32
      %convert_element_type3A_88 = arith.extui %gt3A_87 : i1 to i32
      %cond3A_89 = arith.constant 0 : i32
      %cond3A_90 = arith.cmpi ne, %convert_element_type3A_88, %cond3A_89 : i32
      scf.if %cond3A_90 {
        %add3A_108 = arith.constant 0 : i32
        %add3A_109 = vector.broadcast %add3A_108 : i32 to vector<16xi32>
        %add3A_110 = arith.addi %iota3A, %add3A_109 : vector<16xi32>
        %sub3A_111 = arith.constant 1 : i32
        %sub3A_112 = arith.subi %while3A_46, %sub3A_111 : i32
        %min3A = vector.broadcast %sub3A_112 : i32 to vector<16xi32>
        %min3A_113 = arith.minsi %add3A_110, %min3A : vector<16xi32>
        %gather3A = tpu.vector_load_idx %arg12[%min3A_113] : memref<272xi32, #tpu.memory_space<vmem>>[vector<16xi32>], vector<16xi32>,
        %rem3A_114 = arith.constant 0 : i32
        %rem3A_115 = arith.constant 2 : i32
        %rem3A_116 = arith.remsi %rem3A_114, %rem3A_115 : i32
        %dma_start3A = arith.constant 0 : i32
        %dma_start3A_117 = arith.constant 0 : i32
        %dma_start3A_118 = tpu.memref_slice %arg13[%rem3A_116, %dma_start3A, %dma_start3A_117] : memref<2x16x1024xf32, #tpu.memory_space<vmem>> -> memref<1x16x1024xf32, #tpu.memory_space<vmem>>
        %dma_start3A_119 = tpu.memref_squeeze %dma_start3A_118 : memref<1x16x1024xf32, #tpu.memory_space<vmem>> -> memref<16x1024xf32, #tpu.memory_space<vmem>>
        %dma_start3A_120 = arith.constant 0 : i32
        %dma_start3A_121 = arith.constant 0 : i32
        %dma_start3A_122 = tpu.memref_slice %arg5[%dma_start3A_120, %dma_start3A_121] : memref<4096x1024xf32, #tpu.memory_space<hbm>> -> memref<4096x1024xf32, #tpu.memory_space<hbm>>
        tpu.enqueue_indirect_dma source(%dma_start3A_122 : memref<4096x1024xf32, #tpu.memory_space<hbm>>) target(%dma_start3A_119 : memref<16x1024xf32, #tpu.memory_space<vmem>>) offsets(%gather3A : vector<16xi32>) semaphore(%arg15 : memref<!tpu.dma_semaphore, #tpu.memory_space<semaphore_mem>>)
      } else {
      }
      %while3A_91 = arith.constant 0 : i32
      %while3A_92 = arith.constant 0 : i32
      %while3A_93 = arith.subi %div3A_86, %while3A_91 : i32
      %while3A_94 = arith.addi %while3A_91, %while3A_93 : i32
      %while3A_95 = arith.constant 1 : i32
      %while3A_96 = arith.divsi %while3A_93, %while3A_95 : i32
      %while3A_97 = arith.muli %while3A_96, %while3A_95 : i32
      %while3A_98 = arith.addi %while3A_91, %while3A_97 : i32
      %while3A_99 = arith.constant 1 : i32
      %while3A_100 = scf.for %while3A_108 = %while3A_91 to %while3A_98 step %while3A_99 iter_args(%while3A_109 = %while3A_92) -> (i32)  : i32 {
        %gt3A_110 = arith.constant 0 : i32
        %gt3A_111 = arith.cmpi sgt, %while3A_108, %gt3A_110 : i32
        %convert_element_type3A_112 = arith.extui %gt3A_111 : i1 to i32
        %cond3A_113 = arith.constant 0 : i32
        %cond3A_114 = arith.cmpi ne, %convert_element_type3A_112, %cond3A_113 : i32
        scf.if %cond3A_114 {
          %sub3A_159 = arith.constant 1 : i32
          %sub3A_160 = arith.subi %while3A_108, %sub3A_159 : i32
          %rem3A_161 = arith.constant 2 : i32
          %rem3A_162 = arith.remsi %sub3A_160, %rem3A_161 : i32
          %dma_wait3A_163 = arith.constant 0 : i32
          %dma_wait3A_164 = arith.constant 0 : i32
          %dma_wait3A_165 = tpu.memref_slice %arg13[%rem3A_162, %dma_wait3A_163, %dma_wait3A_164] : memref<2x16x1024xf32, #tpu.memory_space<vmem>> -> memref<1x16x1024xf32, #tpu.memory_space<vmem>>
          %dma_wait3A_166 = tpu.memref_squeeze %dma_wait3A_165 : memref<1x16x1024xf32, #tpu.memory_space<vmem>> -> memref<16x1024xf32, #tpu.memory_space<vmem>>
          %dma_wait3A_167 = arith.constant 0 : i32
          %dma_wait3A_168 = arith.constant 0 : i32
          %dma_wait3A_169 = tpu.memref_slice %arg6[%dma_wait3A_167, %dma_wait3A_168] : memref<25600x1024xf32, #tpu.memory_space<hbm>> -> memref<16x1024xf32, #tpu.memory_space<hbm>>
          %dma_wait3A_170 = arith.constant 0 : i32
          %dma_wait3A_171 = arith.constant 0 : i32
          %dma_wait3A_172 = tpu.memref_slice %arg6[%dma_wait3A_170, %dma_wait3A_171] : memref<25600x1024xf32, #tpu.memory_space<hbm>> -> memref<16x1024xf32, #tpu.memory_space<hbm>>
          %dma_wait3A_173 = arith.constant 0 : i32
          %dma_wait3A_174 = arith.constant 0 : i32
          %dma_wait3A_175 = tpu.memref_slice %arg13[%rem3A_162, %dma_wait3A_173, %dma_wait3A_174] : memref<2x16x1024xf32, #tpu.memory_space<vmem>> -> memref<1x16x1024xf32, #tpu.memory_space<vmem>>
          %dma_wait3A_176 = tpu.memref_squeeze %dma_wait3A_175 : memref<1x16x1024xf32, #tpu.memory_space<vmem>> -> memref<16x1024xf32, #tpu.memory_space<vmem>>
          tpu.wait_dma2 semaphore(%arg16 : memref<!tpu.dma_semaphore, #tpu.memory_space<semaphore_mem>>) src(%dma_wait3A_176 : memref<16x1024xf32, #tpu.memory_space<vmem>>) dst(%dma_wait3A_172 : memref<16x1024xf32, #tpu.memory_space<hbm>>)
        } else {
        }
        %add3A_115 = arith.constant 1 : i32
        %add3A_116 = arith.addi %while3A_108, %add3A_115 : i32
        %lt3A_117 = arith.cmpi slt, %add3A_116, %div3A_86 : i32
        %convert_element_type3A_118 = arith.extui %lt3A_117 : i1 to i32
        %cond3A_119 = arith.constant 0 : i32
        %cond3A_120 = arith.cmpi ne, %convert_element_type3A_118, %cond3A_119 : i32
        scf.if %cond3A_120 {
          %add3A_159 = arith.constant 1 : i32
          %add3A_160 = arith.addi %while3A_108, %add3A_159 : i32
          %mul3A_161 = arith.constant 16 : i32
          %mul3A_162 = arith.muli %add3A_160, %mul3A_161 : i32
          %add3A_163 = vector.broadcast %mul3A_162 : i32 to vector<16xi32>
          %add3A_164 = arith.addi %iota3A, %add3A_163 : vector<16xi32>
          %sub3A_165 = arith.constant 1 : i32
          %sub3A_166 = arith.subi %while3A_46, %sub3A_165 : i32
          %min3A_167 = vector.broadcast %sub3A_166 : i32 to vector<16xi32>
          %min3A_168 = arith.minsi %add3A_164, %min3A_167 : vector<16xi32>
          %gather3A = tpu.vector_load_idx %arg12[%min3A_168] : memref<272xi32, #tpu.memory_space<vmem>>[vector<16xi32>], vector<16xi32>,
          %rem3A_169 = arith.constant 2 : i32
          %rem3A_170 = arith.remsi %add3A_160, %rem3A_169 : i32
          %dma_start3A_171 = arith.constant 0 : i32
          %dma_start3A_172 = arith.constant 0 : i32
          %dma_start3A_173 = tpu.memref_slice %arg13[%rem3A_170, %dma_start3A_171, %dma_start3A_172] : memref<2x16x1024xf32, #tpu.memory_space<vmem>> -> memref<1x16x1024xf32, #tpu.memory_space<vmem>>
          %dma_start3A_174 = tpu.memref_squeeze %dma_start3A_173 : memref<1x16x1024xf32, #tpu.memory_space<vmem>> -> memref<16x1024xf32, #tpu.memory_space<vmem>>
          %dma_start3A_175 = arith.constant 0 : i32
          %dma_start3A_176 = arith.constant 0 : i32
          %dma_start3A_177 = tpu.memref_slice %arg5[%dma_start3A_175, %dma_start3A_176] : memref<4096x1024xf32, #tpu.memory_space<hbm>> -> memref<4096x1024xf32, #tpu.memory_space<hbm>>
          tpu.enqueue_indirect_dma source(%dma_start3A_177 : memref<4096x1024xf32, #tpu.memory_space<hbm>>) target(%dma_start3A_174 : memref<16x1024xf32, #tpu.memory_space<vmem>>) offsets(%gather3A : vector<16xi32>) semaphore(%arg15 : memref<!tpu.dma_semaphore, #tpu.memory_space<semaphore_mem>>)
        } else {
        }
        %rem3A_121 = arith.constant 2 : i32
        %rem3A_122 = arith.remsi %while3A_108, %rem3A_121 : i32
        %dma_wait3A = arith.constant 0 : i32
        %dma_wait3A_123 = arith.constant 0 : i32
        %dma_wait3A_124 = tpu.memref_slice %arg13[%rem3A_122, %dma_wait3A, %dma_wait3A_123] : memref<2x16x1024xf32, #tpu.memory_space<vmem>> -> memref<1x16x1024xf32, #tpu.memory_space<vmem>>
        %dma_wait3A_125 = tpu.memref_squeeze %dma_wait3A_124 : memref<1x16x1024xf32, #tpu.memory_space<vmem>> -> memref<16x1024xf32, #tpu.memory_space<vmem>>
        %dma_wait3A_126 = arith.constant 0 : i32
        %dma_wait3A_127 = arith.constant 0 : i32
        %dma_wait3A_128 = tpu.memref_slice %arg5[%dma_wait3A_126, %dma_wait3A_127] : memref<4096x1024xf32, #tpu.memory_space<hbm>> -> memref<16x1024xf32, #tpu.memory_space<hbm>>
        %dma_wait3A_129 = arith.constant 0 : i32
        %dma_wait3A_130 = arith.constant 0 : i32
        %dma_wait3A_131 = tpu.memref_slice %arg13[%rem3A_122, %dma_wait3A_129, %dma_wait3A_130] : memref<2x16x1024xf32, #tpu.memory_space<vmem>> -> memref<1x16x1024xf32, #tpu.memory_space<vmem>>
        %dma_wait3A_132 = tpu.memref_squeeze %dma_wait3A_131 : memref<1x16x1024xf32, #tpu.memory_space<vmem>> -> memref<16x1024xf32, #tpu.memory_space<vmem>>
        %dma_wait3A_133 = arith.constant 0 : i32
        %dma_wait3A_134 = arith.constant 0 : i32
        %dma_wait3A_135 = tpu.memref_slice %arg5[%dma_wait3A_133, %dma_wait3A_134] : memref<4096x1024xf32, #tpu.memory_space<hbm>> -> memref<16x1024xf32, #tpu.memory_space<hbm>>
        tpu.wait_dma2 semaphore(%arg15 : memref<!tpu.dma_semaphore, #tpu.memory_space<semaphore_mem>>) src(%dma_wait3A_135 : memref<16x1024xf32, #tpu.memory_space<hbm>>) dst(%dma_wait3A_132 : memref<16x1024xf32, #tpu.memory_space<vmem>>)
        %mul3A_136 = arith.constant 16 : i32
        %mul3A_137 = arith.muli %while3A_108, %mul3A_136 : i32
        %add3A_138 = vector.broadcast %mul3A_137 : i32 to vector<16xi32>
        %add3A_139 = arith.addi %iota3A, %add3A_138 : vector<16xi32>
        %sub3A_140 = arith.constant 1 : i32
        %sub3A_141 = arith.subi %while3A_46, %sub3A_140 : i32
        %min3A = vector.broadcast %sub3A_141 : i32 to vector<16xi32>
        %min3A_142 = arith.minsi %add3A_139, %min3A : vector<16xi32>
        %mul3A_143 = arith.constant 256 : i32
        %mul3A_144 = arith.muli %add3A_12, %mul3A_143 : i32
        %add3A_145 = vector.broadcast %reduce_sum3A_75 : i32 to vector<16xi32>
        %add3A_146 = arith.addi %add3A_145, %min3A_142 : vector<16xi32>
        %rem3A_147 = arith.constant 256 : i32
        %rem3A_148 = vector.broadcast %rem3A_147 : i32 to vector<16xi32>
        %rem3A_149 = arith.remsi %add3A_146, %rem3A_148 : vector<16xi32>
        %add3A_150 = vector.broadcast %mul3A_144 : i32 to vector<16xi32>
        %add3A_151 = arith.addi %add3A_150, %rem3A_149 : vector<16xi32>
        %dma_start3A = arith.constant 0 : i32
        %dma_start3A_152 = arith.constant 0 : i32
        %dma_start3A_153 = tpu.memref_slice %arg13[%rem3A_122, %dma_start3A, %dma_start3A_152] : memref<2x16x1024xf32, #tpu.memory_space<vmem>> -> memref<1x16x1024xf32, #tpu.memory_space<vmem>>
        %dma_start3A_154 = tpu.memref_squeeze %dma_start3A_153 : memref<1x16x1024xf32, #tpu.memory_space<vmem>> -> memref<16x1024xf32, #tpu.memory_space<vmem>>
        %dma_start3A_155 = arith.constant 0 : i32
        %dma_start3A_156 = arith.constant 0 : i32
        %dma_start3A_157 = tpu.memref_slice %arg6[%dma_start3A_155, %dma_start3A_156] : memref<25600x1024xf32, #tpu.memory_space<hbm>> -> memref<25600x1024xf32, #tpu.memory_space<hbm>>
        tpu.enqueue_indirect_dma source(%dma_start3A_154 : memref<16x1024xf32, #tpu.memory_space<vmem>>) target(%dma_start3A_157 : memref<25600x1024xf32, #tpu.memory_space<hbm>>) offsets(%add3A_151 : vector<16xi32>) semaphore(%arg16 : memref<!tpu.dma_semaphore, #tpu.memory_space<semaphore_mem>>)
        %while3A_158 = arith.constant 0 : i32
        scf.yield %while3A_158 : i32
      }
      %while3A_101 = arith.constant 1 : i32
      %while3A_102 = scf.for %while3A_108 = %while3A_98 to %while3A_94 step %while3A_101 iter_args(%while3A_109 = %while3A_100) -> (i32)  : i32 {
        %gt3A_110 = arith.constant 0 : i32
        %gt3A_111 = arith.cmpi sgt, %while3A_108, %gt3A_110 : i32
        %convert_element_type3A_112 = arith.extui %gt3A_111 : i1 to i32
        %cond3A_113 = arith.constant 0 : i32
        %cond3A_114 = arith.cmpi ne, %convert_element_type3A_112, %cond3A_113 : i32
        scf.if %cond3A_114 {
          %sub3A_159 = arith.constant 1 : i32
          %sub3A_160 = arith.subi %while3A_108, %sub3A_159 : i32
          %rem3A_161 = arith.constant 2 : i32
          %rem3A_162 = arith.remsi %sub3A_160, %rem3A_161 : i32
          %dma_wait3A_163 = arith.constant 0 : i32
          %dma_wait3A_164 = arith.constant 0 : i32
          %dma_wait3A_165 = tpu.memref_slice %arg13[%rem3A_162, %dma_wait3A_163, %dma_wait3A_164] : memref<2x16x1024xf32, #tpu.memory_space<vmem>> -> memref<1x16x1024xf32, #tpu.memory_space<vmem>>
          %dma_wait3A_166 = tpu.memref_squeeze %dma_wait3A_165 : memref<1x16x1024xf32, #tpu.memory_space<vmem>> -> memref<16x1024xf32, #tpu.memory_space<vmem>>
          %dma_wait3A_167 = arith.constant 0 : i32
          %dma_wait3A_168 = arith.constant 0 : i32
          %dma_wait3A_169 = tpu.memref_slice %arg6[%dma_wait3A_167, %dma_wait3A_168] : memref<25600x1024xf32, #tpu.memory_space<hbm>> -> memref<16x1024xf32, #tpu.memory_space<hbm>>
          %dma_wait3A_170 = arith.constant 0 : i32
          %dma_wait3A_171 = arith.constant 0 : i32
          %dma_wait3A_172 = tpu.memref_slice %arg6[%dma_wait3A_170, %dma_wait3A_171] : memref<25600x1024xf32, #tpu.memory_space<hbm>> -> memref<16x1024xf32, #tpu.memory_space<hbm>>
          %dma_wait3A_173 = arith.constant 0 : i32
          %dma_wait3A_174 = arith.constant 0 : i32
          %dma_wait3A_175 = tpu.memref_slice %arg13[%rem3A_162, %dma_wait3A_173, %dma_wait3A_174] : memref<2x16x1024xf32, #tpu.memory_space<vmem>> -> memref<1x16x1024xf32, #tpu.memory_space<vmem>>
          %dma_wait3A_176 = tpu.memref_squeeze %dma_wait3A_175 : memref<1x16x1024xf32, #tpu.memory_space<vmem>> -> memref<16x1024xf32, #tpu.memory_space<vmem>>
          tpu.wait_dma2 semaphore(%arg16 : memref<!tpu.dma_semaphore, #tpu.memory_space<semaphore_mem>>) src(%dma_wait3A_176 : memref<16x1024xf32, #tpu.memory_space<vmem>>) dst(%dma_wait3A_172 : memref<16x1024xf32, #tpu.memory_space<hbm>>)
        } else {
        }
        %add3A_115 = arith.constant 1 : i32
        %add3A_116 = arith.addi %while3A_108, %add3A_115 : i32
        %lt3A_117 = arith.cmpi slt, %add3A_116, %div3A_86 : i32
        %convert_element_type3A_118 = arith.extui %lt3A_117 : i1 to i32
        %cond3A_119 = arith.constant 0 : i32
        %cond3A_120 = arith.cmpi ne, %convert_element_type3A_118, %cond3A_119 : i32
        scf.if %cond3A_120 {
          %add3A_159 = arith.constant 1 : i32
          %add3A_160 = arith.addi %while3A_108, %add3A_159 : i32
          %mul3A_161 = arith.constant 16 : i32
          %mul3A_162 = arith.muli %add3A_160, %mul3A_161 : i32
          %add3A_163 = vector.broadcast %mul3A_162 : i32 to vector<16xi32>
          %add3A_164 = arith.addi %iota3A, %add3A_163 : vector<16xi32>
          %sub3A_165 = arith.constant 1 : i32
          %sub3A_166 = arith.subi %while3A_46, %sub3A_165 : i32
          %min3A_167 = vector.broadcast %sub3A_166 : i32 to vector<16xi32>
          %min3A_168 = arith.minsi %add3A_164, %min3A_167 : vector<16xi32>
          %gather3A = tpu.vector_load_idx %arg12[%min3A_168] : memref<272xi32, #tpu.memory_space<vmem>>[vector<16xi32>], vector<16xi32>,
          %rem3A_169 = arith.constant 2 : i32
          %rem3A_170 = arith.remsi %add3A_160, %rem3A_169 : i32
          %dma_start3A_171 = arith.constant 0 : i32
          %dma_start3A_172 = arith.constant 0 : i32
          %dma_start3A_173 = tpu.memref_slice %arg13[%rem3A_170, %dma_start3A_171, %dma_start3A_172] : memref<2x16x1024xf32, #tpu.memory_space<vmem>> -> memref<1x16x1024xf32, #tpu.memory_space<vmem>>
          %dma_start3A_174 = tpu.memref_squeeze %dma_start3A_173 : memref<1x16x1024xf32, #tpu.memory_space<vmem>> -> memref<16x1024xf32, #tpu.memory_space<vmem>>
          %dma_start3A_175 = arith.constant 0 : i32
          %dma_start3A_176 = arith.constant 0 : i32
          %dma_start3A_177 = tpu.memref_slice %arg5[%dma_start3A_175, %dma_start3A_176] : memref<4096x1024xf32, #tpu.memory_space<hbm>> -> memref<4096x1024xf32, #tpu.memory_space<hbm>>
          tpu.enqueue_indirect_dma source(%dma_start3A_177 : memref<4096x1024xf32, #tpu.memory_space<hbm>>) target(%dma_start3A_174 : memref<16x1024xf32, #tpu.memory_space<vmem>>) offsets(%gather3A : vector<16xi32>) semaphore(%arg15 : memref<!tpu.dma_semaphore, #tpu.memory_space<semaphore_mem>>)
        } else {
        }
        %rem3A_121 = arith.constant 2 : i32
        %rem3A_122 = arith.remsi %while3A_108, %rem3A_121 : i32
        %dma_wait3A = arith.constant 0 : i32
        %dma_wait3A_123 = arith.constant 0 : i32
        %dma_wait3A_124 = tpu.memref_slice %arg13[%rem3A_122, %dma_wait3A, %dma_wait3A_123] : memref<2x16x1024xf32, #tpu.memory_space<vmem>> -> memref<1x16x1024xf32, #tpu.memory_space<vmem>>
        %dma_wait3A_125 = tpu.memref_squeeze %dma_wait3A_124 : memref<1x16x1024xf32, #tpu.memory_space<vmem>> -> memref<16x1024xf32, #tpu.memory_space<vmem>>
        %dma_wait3A_126 = arith.constant 0 : i32
        %dma_wait3A_127 = arith.constant 0 : i32
        %dma_wait3A_128 = tpu.memref_slice %arg5[%dma_wait3A_126, %dma_wait3A_127] : memref<4096x1024xf32, #tpu.memory_space<hbm>> -> memref<16x1024xf32, #tpu.memory_space<hbm>>
        %dma_wait3A_129 = arith.constant 0 : i32
        %dma_wait3A_130 = arith.constant 0 : i32
        %dma_wait3A_131 = tpu.memref_slice %arg13[%rem3A_122, %dma_wait3A_129, %dma_wait3A_130] : memref<2x16x1024xf32, #tpu.memory_space<vmem>> -> memref<1x16x1024xf32, #tpu.memory_space<vmem>>
        %dma_wait3A_132 = tpu.memref_squeeze %dma_wait3A_131 : memref<1x16x1024xf32, #tpu.memory_space<vmem>> -> memref<16x1024xf32, #tpu.memory_space<vmem>>
        %dma_wait3A_133 = arith.constant 0 : i32
        %dma_wait3A_134 = arith.constant 0 : i32
        %dma_wait3A_135 = tpu.memref_slice %arg5[%dma_wait3A_133, %dma_wait3A_134] : memref<4096x1024xf32, #tpu.memory_space<hbm>> -> memref<16x1024xf32, #tpu.memory_space<hbm>>
        tpu.wait_dma2 semaphore(%arg15 : memref<!tpu.dma_semaphore, #tpu.memory_space<semaphore_mem>>) src(%dma_wait3A_135 : memref<16x1024xf32, #tpu.memory_space<hbm>>) dst(%dma_wait3A_132 : memref<16x1024xf32, #tpu.memory_space<vmem>>)
        %mul3A_136 = arith.constant 16 : i32
        %mul3A_137 = arith.muli %while3A_108, %mul3A_136 : i32
        %add3A_138 = vector.broadcast %mul3A_137 : i32 to vector<16xi32>
        %add3A_139 = arith.addi %iota3A, %add3A_138 : vector<16xi32>
        %sub3A_140 = arith.constant 1 : i32
        %sub3A_141 = arith.subi %while3A_46, %sub3A_140 : i32
        %min3A = vector.broadcast %sub3A_141 : i32 to vector<16xi32>
        %min3A_142 = arith.minsi %add3A_139, %min3A : vector<16xi32>
        %mul3A_143 = arith.constant 256 : i32
        %mul3A_144 = arith.muli %add3A_12, %mul3A_143 : i32
        %add3A_145 = vector.broadcast %reduce_sum3A_75 : i32 to vector<16xi32>
        %add3A_146 = arith.addi %add3A_145, %min3A_142 : vector<16xi32>
        %rem3A_147 = arith.constant 256 : i32
        %rem3A_148 = vector.broadcast %rem3A_147 : i32 to vector<16xi32>
        %rem3A_149 = arith.remsi %add3A_146, %rem3A_148 : vector<16xi32>
        %add3A_150 = vector.broadcast %mul3A_144 : i32 to vector<16xi32>
        %add3A_151 = arith.addi %add3A_150, %rem3A_149 : vector<16xi32>
        %dma_start3A = arith.constant 0 : i32
        %dma_start3A_152 = arith.constant 0 : i32
        %dma_start3A_153 = tpu.memref_slice %arg13[%rem3A_122, %dma_start3A, %dma_start3A_152] : memref<2x16x1024xf32, #tpu.memory_space<vmem>> -> memref<1x16x1024xf32, #tpu.memory_space<vmem>>
        %dma_start3A_154 = tpu.memref_squeeze %dma_start3A_153 : memref<1x16x1024xf32, #tpu.memory_space<vmem>> -> memref<16x1024xf32, #tpu.memory_space<vmem>>
        %dma_start3A_155 = arith.constant 0 : i32
        %dma_start3A_156 = arith.constant 0 : i32
        %dma_start3A_157 = tpu.memref_slice %arg6[%dma_start3A_155, %dma_start3A_156] : memref<25600x1024xf32, #tpu.memory_space<hbm>> -> memref<25600x1024xf32, #tpu.memory_space<hbm>>
        tpu.enqueue_indirect_dma source(%dma_start3A_154 : memref<16x1024xf32, #tpu.memory_space<vmem>>) target(%dma_start3A_157 : memref<25600x1024xf32, #tpu.memory_space<hbm>>) offsets(%add3A_151 : vector<16xi32>) semaphore(%arg16 : memref<!tpu.dma_semaphore, #tpu.memory_space<semaphore_mem>>)
        %while3A_158 = arith.constant 0 : i32
        scf.yield %while3A_158 : i32
      }
      %gt3A_103 = arith.constant 0 : i32
      %gt3A_104 = arith.cmpi sgt, %div3A_86, %gt3A_103 : i32
      %convert_element_type3A_105 = arith.extui %gt3A_104 : i1 to i32
      %cond3A_106 = arith.constant 0 : i32
      %cond3A_107 = arith.cmpi ne, %convert_element_type3A_105, %cond3A_106 : i32
      scf.if %cond3A_107 {
        %sub3A_108 = arith.constant 1 : i32
        %sub3A_109 = arith.subi %div3A_86, %sub3A_108 : i32
        %rem3A_110 = arith.constant 2 : i32
        %rem3A_111 = arith.remsi %sub3A_109, %rem3A_110 : i32
        %dma_wait3A = arith.constant 0 : i32
        %dma_wait3A_112 = arith.constant 0 : i32
        %dma_wait3A_113 = tpu.memref_slice %arg13[%rem3A_111, %dma_wait3A, %dma_wait3A_112] : memref<2x16x1024xf32, #tpu.memory_space<vmem>> -> memref<1x16x1024xf32, #tpu.memory_space<vmem>>
        %dma_wait3A_114 = tpu.memref_squeeze %dma_wait3A_113 : memref<1x16x1024xf32, #tpu.memory_space<vmem>> -> memref<16x1024xf32, #tpu.memory_space<vmem>>
        %dma_wait3A_115 = arith.constant 0 : i32
        %dma_wait3A_116 = arith.constant 0 : i32
        %dma_wait3A_117 = tpu.memref_slice %arg6[%dma_wait3A_115, %dma_wait3A_116] : memref<25600x1024xf32, #tpu.memory_space<hbm>> -> memref<16x1024xf32, #tpu.memory_space<hbm>>
        %dma_wait3A_118 = arith.constant 0 : i32
        %dma_wait3A_119 = arith.constant 0 : i32
        %dma_wait3A_120 = tpu.memref_slice %arg6[%dma_wait3A_118, %dma_wait3A_119] : memref<25600x1024xf32, #tpu.memory_space<hbm>> -> memref<16x1024xf32, #tpu.memory_space<hbm>>
        %dma_wait3A_121 = arith.constant 0 : i32
        %dma_wait3A_122 = arith.constant 0 : i32
        %dma_wait3A_123 = tpu.memref_slice %arg13[%rem3A_111, %dma_wait3A_121, %dma_wait3A_122] : memref<2x16x1024xf32, #tpu.memory_space<vmem>> -> memref<1x16x1024xf32, #tpu.memory_space<vmem>>
        %dma_wait3A_124 = tpu.memref_squeeze %dma_wait3A_123 : memref<1x16x1024xf32, #tpu.memory_space<vmem>> -> memref<16x1024xf32, #tpu.memory_space<vmem>>
        tpu.wait_dma2 semaphore(%arg16 : memref<!tpu.dma_semaphore, #tpu.memory_space<semaphore_mem>>) src(%dma_wait3A_124 : memref<16x1024xf32, #tpu.memory_space<vmem>>) dst(%dma_wait3A_120 : memref<16x1024xf32, #tpu.memory_space<hbm>>)
      } else {
      }
    } else {
    }
    %add3A_15 = arith.constant 32 : i32
    %add3A_16 = arith.addi %add3A, %add3A_15 : i32
    %lt3A_17 = arith.constant 100 : i32
    %lt3A_18 = arith.cmpi slt, %add3A_16, %lt3A_17 : i32
    %convert_element_type3A_19 = arith.extui %lt3A_18 : i1 to i32
    %cond3A_20 = arith.constant 0 : i32
    %cond3A_21 = arith.cmpi ne, %convert_element_type3A_19, %cond3A_20 : i32
    scf.if %cond3A_21 {
      %while3A = arith.constant 0 : i32
      %while3A_36 = arith.constant 0 : i32
      %while3A_37 = arith.subi %div3A_10, %while3A : i32
      %while3A_38 = arith.addi %while3A, %while3A_37 : i32
      %while3A_39 = arith.constant 1 : i32
      %while3A_40 = arith.divsi %while3A_37, %while3A_39 : i32
      %while3A_41 = arith.muli %while3A_40, %while3A_39 : i32
      %while3A_42 = arith.addi %while3A, %while3A_41 : i32
      %while3A_43 = arith.constant 1 : i32
      %while3A_44 = scf.for %while3A_108 = %while3A to %while3A_42 step %while3A_43 iter_args(%while3A_109 = %while3A_36) -> (i32)  : i32 {
        %mul3A_110 = arith.constant 16 : i32
        %mul3A_111 = arith.muli %while3A_108, %mul3A_110 : i32
        %get3A_112 = arith.index_cast %mul3A_111 : i32 to index
        %get3A_113 = tpu.vector_load %arg11[%get3A_112] {strides = array<i32>} : memref<4112xi32, #tpu.memory_space<vmem>>, vector<16xi32>,
        %mul3A_114 = arith.constant 16 : i32
        %mul3A_115 = arith.muli %while3A_108, %mul3A_114 : i32
        %get3A_116 = arith.index_cast %mul3A_115 : i32 to index
        %get3A_117 = tpu.vector_load %arg10[%get3A_116] {strides = array<i32>} : memref<4112xi32, #tpu.memory_space<vmem>>, vector<16xi32>,
        %eq3A_118 = vector.broadcast %add3A_16 : i32 to vector<16xi32>
        %eq3A_119 = arith.cmpi eq, %get3A_113, %eq3A_118 : vector<16xi32>
        %mul3A_120 = arith.constant 16 : i32
        %mul3A_121 = arith.muli %while3A_108, %mul3A_120 : i32
        %add3A_122 = vector.broadcast %mul3A_121 : i32 to vector<16xi32>
        %add3A_123 = arith.addi %iota3A, %add3A_122 : vector<16xi32>
        %lt3A_124 = vector.broadcast %scan3A_5 : i32 to vector<16xi32>
        %lt3A_125 = arith.cmpi slt, %add3A_123, %lt3A_124 : vector<16xi32>
        %and3A_126 = arith.andi %eq3A_119, %lt3A_125 : vector<16xi1>
        %convert_element_type3A_127 = arith.extui %and3A_126 : vector<16xi1> to vector<16xi32>
        %broadcast_in_dim3A_128 = arith.constant true
        %broadcast_in_dim3A_129 = vector.broadcast %broadcast_in_dim3A_128 : i1 to vector<16xi1>
        %masked_cumsum3A = tpu.scan <sum>, %convert_element_type3A_127 masked %broadcast_in_dim3A_129 : vector<16xi32>, vector<16xi1> -> vector<16xi32>
        %add3A_130 = vector.broadcast %while3A_109 : i32 to vector<16xi32>
        %add3A_131 = arith.addi %add3A_130, %masked_cumsum3A : vector<16xi32>
        %sub3A_132 = arith.constant 1 : i32
        %sub3A_133 = vector.broadcast %sub3A_132 : i32 to vector<16xi32>
        %sub3A_134 = arith.subi %add3A_131, %sub3A_133 : vector<16xi32>
        tpu.vector_store_idx %arg12[%sub3A_134], %get3A_117 masked %and3A_126 : memref<272xi32, #tpu.memory_space<vmem>>[vector<16xi32>], vector<16xi32>, vector<16xi1>
        %reduce_max3A = arith.constant true
        %reduce_max3A_135 = vector.broadcast %reduce_max3A : i1 to vector<16xi1>
        %reduce_max3A_136 = arith.constant -2147483648 : i32
        %reduce_max3A_137 = vector.broadcast %reduce_max3A_136 : i32 to vector<16xi32>
        %reduce_max3A_138 = arith.xori %masked_cumsum3A, %reduce_max3A_137 : vector<16xi32>
        %reduce_max3A_139 = tpu.scan <max>, %reduce_max3A_138 masked %reduce_max3A_135 : vector<16xi32>, vector<16xi1> -> vector<16xi32>
        %reduce_max3A_140 = arith.xori %reduce_max3A_139, %reduce_max3A_137 : vector<16xi32>
        %reduce_max3A_141 = vector.extract %reduce_max3A_140[15] : i32 from vector<16xi32>
        %add3A_142 = arith.addi %while3A_109, %reduce_max3A_141 : i32
        scf.yield %add3A_142 : i32
      }
      %while3A_45 = arith.constant 1 : i32
      %while3A_46 = scf.for %while3A_108 = %while3A_42 to %while3A_38 step %while3A_45 iter_args(%while3A_109 = %while3A_44) -> (i32)  : i32 {
        %mul3A_110 = arith.constant 16 : i32
        %mul3A_111 = arith.muli %while3A_108, %mul3A_110 : i32
        %get3A_112 = arith.index_cast %mul3A_111 : i32 to index
        %get3A_113 = tpu.vector_load %arg11[%get3A_112] {strides = array<i32>} : memref<4112xi32, #tpu.memory_space<vmem>>, vector<16xi32>,
        %mul3A_114 = arith.constant 16 : i32
        %mul3A_115 = arith.muli %while3A_108, %mul3A_114 : i32
        %get3A_116 = arith.index_cast %mul3A_115 : i32 to index
        %get3A_117 = tpu.vector_load %arg10[%get3A_116] {strides = array<i32>} : memref<4112xi32, #tpu.memory_space<vmem>>, vector<16xi32>,
        %eq3A_118 = vector.broadcast %add3A_16 : i32 to vector<16xi32>
        %eq3A_119 = arith.cmpi eq, %get3A_113, %eq3A_118 : vector<16xi32>
        %mul3A_120 = arith.constant 16 : i32
        %mul3A_121 = arith.muli %while3A_108, %mul3A_120 : i32
        %add3A_122 = vector.broadcast %mul3A_121 : i32 to vector<16xi32>
        %add3A_123 = arith.addi %iota3A, %add3A_122 : vector<16xi32>
        %lt3A_124 = vector.broadcast %scan3A_5 : i32 to vector<16xi32>
        %lt3A_125 = arith.cmpi slt, %add3A_123, %lt3A_124 : vector<16xi32>
        %and3A_126 = arith.andi %eq3A_119, %lt3A_125 : vector<16xi1>
        %convert_element_type3A_127 = arith.extui %and3A_126 : vector<16xi1> to vector<16xi32>
        %broadcast_in_dim3A_128 = arith.constant true
        %broadcast_in_dim3A_129 = vector.broadcast %broadcast_in_dim3A_128 : i1 to vector<16xi1>
        %masked_cumsum3A = tpu.scan <sum>, %convert_element_type3A_127 masked %broadcast_in_dim3A_129 : vector<16xi32>, vector<16xi1> -> vector<16xi32>
        %add3A_130 = vector.broadcast %while3A_109 : i32 to vector<16xi32>
        %add3A_131 = arith.addi %add3A_130, %masked_cumsum3A : vector<16xi32>
        %sub3A_132 = arith.constant 1 : i32
        %sub3A_133 = vector.broadcast %sub3A_132 : i32 to vector<16xi32>
        %sub3A_134 = arith.subi %add3A_131, %sub3A_133 : vector<16xi32>
        tpu.vector_store_idx %arg12[%sub3A_134], %get3A_117 masked %and3A_126 : memref<272xi32, #tpu.memory_space<vmem>>[vector<16xi32>], vector<16xi32>, vector<16xi1>
        %reduce_max3A = arith.constant true
        %reduce_max3A_135 = vector.broadcast %reduce_max3A : i1 to vector<16xi1>
        %reduce_max3A_136 = arith.constant -2147483648 : i32
        %reduce_max3A_137 = vector.broadcast %reduce_max3A_136 : i32 to vector<16xi32>
        %reduce_max3A_138 = arith.xori %masked_cumsum3A, %reduce_max3A_137 : vector<16xi32>
        %reduce_max3A_139 = tpu.scan <max>, %reduce_max3A_138 masked %reduce_max3A_135 : vector<16xi32>, vector<16xi1> -> vector<16xi32>
        %reduce_max3A_140 = arith.xori %reduce_max3A_139, %reduce_max3A_137 : vector<16xi32>
        %reduce_max3A_141 = vector.extract %reduce_max3A_140[15] : i32 from vector<16xi32>
        %add3A_142 = arith.addi %while3A_109, %reduce_max3A_141 : i32
        scf.yield %add3A_142 : i32
      }
      %jit3A = arith.constant 16 : i32
      %div3A_47 = arith.divsi %add3A_16, %jit3A : i32
      %sign3A = arith.constant 0 : i32
      %sign3A_48 = arith.cmpi sgt, %add3A_16, %sign3A : i32
      %sign3A_49 = arith.extui %sign3A_48 : i1 to i32
      %sign3A_50 = arith.constant 0 : i32
      %sign3A_51 = arith.cmpi slt, %add3A_16, %sign3A_50 : i32
      %sign3A_52 = arith.extui %sign3A_51 : i1 to i32
      %sign3A_53 = arith.subi %sign3A_49, %sign3A_52 : i32
      %sign3A_54 = arith.constant 0 : i32
      %sign3A_55 = arith.cmpi sgt, %jit3A, %sign3A_54 : i32
      %sign3A_56 = arith.extui %sign3A_55 : i1 to i32
      %sign3A_57 = arith.constant 0 : i32
      %sign3A_58 = arith.cmpi slt, %jit3A, %sign3A_57 : i32
      %sign3A_59 = arith.extui %sign3A_58 : i1 to i32
      %sign3A_60 = arith.subi %sign3A_56, %sign3A_59 : i32
      %ne3A = arith.cmpi ne, %sign3A_53, %sign3A_60 : i32
      %rem3A = arith.remsi %add3A_16, %jit3A : i32
      %ne3A_61 = arith.constant 0 : i32
      %ne3A_62 = arith.cmpi ne, %rem3A, %ne3A_61 : i32
      %and3A = arith.andi %ne3A, %ne3A_62 : i1
      %sub3A_63 = arith.constant 1 : i32
      %sub3A_64 = arith.subi %div3A_47, %sub3A_63 : i32
      %select_n3A = arith.select %and3A, %sub3A_64, %div3A_47 : i32
      %mul3A_65 = arith.constant 16 : i32
      %mul3A_66 = arith.muli %select_n3A, %mul3A_65 : i32
      %get3A = arith.index_cast %mul3A_66 : i32 to index
      %get3A_67 = tpu.vector_load %arg9[%get3A] {strides = array<i32>} : memref<128xi32, #tpu.memory_space<vmem>>, vector<16xi32>,
      %rem3A_68 = arith.constant 16 : i32
      %rem3A_69 = arith.remsi %add3A_16, %rem3A_68 : i32
      %eq3A = vector.broadcast %rem3A_69 : i32 to vector<16xi32>
      %eq3A_70 = arith.cmpi eq, %iota3A, %eq3A : vector<16xi32>
      %jit3A_71 = arith.constant 0 : i32
      %broadcast_in_dim3A = vector.broadcast %jit3A_71 : i32 to vector<16xi32>
      %select_n3A_72 = arith.select %eq3A_70, %get3A_67, %broadcast_in_dim3A : vector<16xi1>, vector<16xi32>
      %reduce_sum3A = arith.constant true
      %reduce_sum3A_73 = vector.broadcast %reduce_sum3A : i1 to vector<16xi1>
      %reduce_sum3A_74 = tpu.scan <sum>, %select_n3A_72 masked %reduce_sum3A_73 : vector<16xi32>, vector<16xi1> -> vector<16xi32>
      %reduce_sum3A_75 = vector.extract %reduce_sum3A_74[15] : i32 from vector<16xi32>
      %add3A_76 = arith.addi %reduce_sum3A_75, %while3A_46 : i32
      %rem3A_77 = arith.constant 256 : i32
      %rem3A_78 = arith.remsi %add3A_76, %rem3A_77 : i32
      %broadcast_in_dim3A_79 = vector.broadcast %rem3A_78 : i32 to vector<16xi32>
      %swap3A = arith.constant 0 : index
      %swap3A_80 = tpu.vector_load %arg14[%swap3A] {strides = array<i32>} : memref<16xi32, #tpu.memory_space<vmem>>, vector<16xi32>,
      tpu.vector_store %arg14[%swap3A], %broadcast_in_dim3A_79 {strides = array<i32>} : memref<16xi32, #tpu.memory_space<vmem>>, vector<16xi32>,
      "tpu.region"() ({
        %run_scoped3A = tpu.sem_alloc : memref<!tpu.dma_semaphore, #tpu.memory_space<semaphore_mem>>
        %dma_start3A = arith.constant 0 : i32
        %dma_start3A_108 = tpu.memref_slice %arg7[%add3A_16, %dma_start3A] : memref<128x16xi32, #tpu.memory_space<hbm>> -> memref<1x16xi32, #tpu.memory_space<hbm>>
        %dma_start3A_109 = tpu.memref_squeeze %dma_start3A_108 : memref<1x16xi32, #tpu.memory_space<hbm>> -> memref<16xi32, #tpu.memory_space<hbm>>
        %dma_start3A_110 = arith.constant 0 : i32
        %dma_start3A_111 = tpu.memref_slice %arg7[%add3A_16, %dma_start3A_110] : memref<128x16xi32, #tpu.memory_space<hbm>> -> memref<1x16xi32, #tpu.memory_space<hbm>>
        %dma_start3A_112 = tpu.memref_squeeze %dma_start3A_111 : memref<1x16xi32, #tpu.memory_space<hbm>> -> memref<16xi32, #tpu.memory_space<hbm>>
        tpu.enqueue_dma source(%arg14 : memref<16xi32, #tpu.memory_space<vmem>>) target(%dma_start3A_112 : memref<16xi32, #tpu.memory_space<hbm>>) target_semaphore(%run_scoped3A : memref<!tpu.dma_semaphore, #tpu.memory_space<semaphore_mem>>)
        %dma_wait3A = arith.constant 0 : i32
        %dma_wait3A_113 = tpu.memref_slice %arg7[%add3A_16, %dma_wait3A] : memref<128x16xi32, #tpu.memory_space<hbm>> -> memref<1x16xi32, #tpu.memory_space<hbm>>
        %dma_wait3A_114 = tpu.memref_squeeze %dma_wait3A_113 : memref<1x16xi32, #tpu.memory_space<hbm>> -> memref<16xi32, #tpu.memory_space<hbm>>
        %dma_wait3A_115 = arith.constant 0 : i32
        %dma_wait3A_116 = tpu.memref_slice %arg7[%add3A_16, %dma_wait3A_115] : memref<128x16xi32, #tpu.memory_space<hbm>> -> memref<1x16xi32, #tpu.memory_space<hbm>>
        %dma_wait3A_117 = tpu.memref_squeeze %dma_wait3A_116 : memref<1x16xi32, #tpu.memory_space<hbm>> -> memref<16xi32, #tpu.memory_space<hbm>>
        tpu.wait_dma2 semaphore(%run_scoped3A : memref<!tpu.dma_semaphore, #tpu.memory_space<semaphore_mem>>) src(%arg14 : memref<16xi32, #tpu.memory_space<vmem>>) dst(%dma_wait3A_117 : memref<16xi32, #tpu.memory_space<hbm>>)
        tpu.yield
      }) : () -> ()
      %add3A_81 = arith.constant 16 : i32
      %add3A_82 = arith.addi %while3A_46, %add3A_81 : i32
      %sub3A_83 = arith.constant 1 : i32
      %sub3A_84 = arith.subi %add3A_82, %sub3A_83 : i32
      %div3A_85 = arith.constant 16 : i32
      %div3A_86 = arith.divsi %sub3A_84, %div3A_85 : i32
      %gt3A = arith.constant 0 : i32
      %gt3A_87 = arith.cmpi sgt, %div3A_86, %gt3A : i32
      %convert_element_type3A_88 = arith.extui %gt3A_87 : i1 to i32
      %cond3A_89 = arith.constant 0 : i32
      %cond3A_90 = arith.cmpi ne, %convert_element_type3A_88, %cond3A_89 : i32
      scf.if %cond3A_90 {
        %add3A_108 = arith.constant 0 : i32
        %add3A_109 = vector.broadcast %add3A_108 : i32 to vector<16xi32>
        %add3A_110 = arith.addi %iota3A, %add3A_109 : vector<16xi32>
        %sub3A_111 = arith.constant 1 : i32
        %sub3A_112 = arith.subi %while3A_46, %sub3A_111 : i32
        %min3A = vector.broadcast %sub3A_112 : i32 to vector<16xi32>
        %min3A_113 = arith.minsi %add3A_110, %min3A : vector<16xi32>
        %gather3A = tpu.vector_load_idx %arg12[%min3A_113] : memref<272xi32, #tpu.memory_space<vmem>>[vector<16xi32>], vector<16xi32>,
        %rem3A_114 = arith.constant 0 : i32
        %rem3A_115 = arith.constant 2 : i32
        %rem3A_116 = arith.remsi %rem3A_114, %rem3A_115 : i32
        %dma_start3A = arith.constant 0 : i32
        %dma_start3A_117 = arith.constant 0 : i32
        %dma_start3A_118 = tpu.memref_slice %arg13[%rem3A_116, %dma_start3A, %dma_start3A_117] : memref<2x16x1024xf32, #tpu.memory_space<vmem>> -> memref<1x16x1024xf32, #tpu.memory_space<vmem>>
        %dma_start3A_119 = tpu.memref_squeeze %dma_start3A_118 : memref<1x16x1024xf32, #tpu.memory_space<vmem>> -> memref<16x1024xf32, #tpu.memory_space<vmem>>
        %dma_start3A_120 = arith.constant 0 : i32
        %dma_start3A_121 = arith.constant 0 : i32
        %dma_start3A_122 = tpu.memref_slice %arg5[%dma_start3A_120, %dma_start3A_121] : memref<4096x1024xf32, #tpu.memory_space<hbm>> -> memref<4096x1024xf32, #tpu.memory_space<hbm>>
        tpu.enqueue_indirect_dma source(%dma_start3A_122 : memref<4096x1024xf32, #tpu.memory_space<hbm>>) target(%dma_start3A_119 : memref<16x1024xf32, #tpu.memory_space<vmem>>) offsets(%gather3A : vector<16xi32>) semaphore(%arg15 : memref<!tpu.dma_semaphore, #tpu.memory_space<semaphore_mem>>)
      } else {
      }
      %while3A_91 = arith.constant 0 : i32
      %while3A_92 = arith.constant 0 : i32
      %while3A_93 = arith.subi %div3A_86, %while3A_91 : i32
      %while3A_94 = arith.addi %while3A_91, %while3A_93 : i32
      %while3A_95 = arith.constant 1 : i32
      %while3A_96 = arith.divsi %while3A_93, %while3A_95 : i32
      %while3A_97 = arith.muli %while3A_96, %while3A_95 : i32
      %while3A_98 = arith.addi %while3A_91, %while3A_97 : i32
      %while3A_99 = arith.constant 1 : i32
      %while3A_100 = scf.for %while3A_108 = %while3A_91 to %while3A_98 step %while3A_99 iter_args(%while3A_109 = %while3A_92) -> (i32)  : i32 {
        %gt3A_110 = arith.constant 0 : i32
        %gt3A_111 = arith.cmpi sgt, %while3A_108, %gt3A_110 : i32
        %convert_element_type3A_112 = arith.extui %gt3A_111 : i1 to i32
        %cond3A_113 = arith.constant 0 : i32
        %cond3A_114 = arith.cmpi ne, %convert_element_type3A_112, %cond3A_113 : i32
        scf.if %cond3A_114 {
          %sub3A_159 = arith.constant 1 : i32
          %sub3A_160 = arith.subi %while3A_108, %sub3A_159 : i32
          %rem3A_161 = arith.constant 2 : i32
          %rem3A_162 = arith.remsi %sub3A_160, %rem3A_161 : i32
          %dma_wait3A_163 = arith.constant 0 : i32
          %dma_wait3A_164 = arith.constant 0 : i32
          %dma_wait3A_165 = tpu.memref_slice %arg13[%rem3A_162, %dma_wait3A_163, %dma_wait3A_164] : memref<2x16x1024xf32, #tpu.memory_space<vmem>> -> memref<1x16x1024xf32, #tpu.memory_space<vmem>>
          %dma_wait3A_166 = tpu.memref_squeeze %dma_wait3A_165 : memref<1x16x1024xf32, #tpu.memory_space<vmem>> -> memref<16x1024xf32, #tpu.memory_space<vmem>>
          %dma_wait3A_167 = arith.constant 0 : i32
          %dma_wait3A_168 = arith.constant 0 : i32
          %dma_wait3A_169 = tpu.memref_slice %arg6[%dma_wait3A_167, %dma_wait3A_168] : memref<25600x1024xf32, #tpu.memory_space<hbm>> -> memref<16x1024xf32, #tpu.memory_space<hbm>>
          %dma_wait3A_170 = arith.constant 0 : i32
          %dma_wait3A_171 = arith.constant 0 : i32
          %dma_wait3A_172 = tpu.memref_slice %arg6[%dma_wait3A_170, %dma_wait3A_171] : memref<25600x1024xf32, #tpu.memory_space<hbm>> -> memref<16x1024xf32, #tpu.memory_space<hbm>>
          %dma_wait3A_173 = arith.constant 0 : i32
          %dma_wait3A_174 = arith.constant 0 : i32
          %dma_wait3A_175 = tpu.memref_slice %arg13[%rem3A_162, %dma_wait3A_173, %dma_wait3A_174] : memref<2x16x1024xf32, #tpu.memory_space<vmem>> -> memref<1x16x1024xf32, #tpu.memory_space<vmem>>
          %dma_wait3A_176 = tpu.memref_squeeze %dma_wait3A_175 : memref<1x16x1024xf32, #tpu.memory_space<vmem>> -> memref<16x1024xf32, #tpu.memory_space<vmem>>
          tpu.wait_dma2 semaphore(%arg16 : memref<!tpu.dma_semaphore, #tpu.memory_space<semaphore_mem>>) src(%dma_wait3A_176 : memref<16x1024xf32, #tpu.memory_space<vmem>>) dst(%dma_wait3A_172 : memref<16x1024xf32, #tpu.memory_space<hbm>>)
        } else {
        }
        %add3A_115 = arith.constant 1 : i32
        %add3A_116 = arith.addi %while3A_108, %add3A_115 : i32
        %lt3A_117 = arith.cmpi slt, %add3A_116, %div3A_86 : i32
        %convert_element_type3A_118 = arith.extui %lt3A_117 : i1 to i32
        %cond3A_119 = arith.constant 0 : i32
        %cond3A_120 = arith.cmpi ne, %convert_element_type3A_118, %cond3A_119 : i32
        scf.if %cond3A_120 {
          %add3A_159 = arith.constant 1 : i32
          %add3A_160 = arith.addi %while3A_108, %add3A_159 : i32
          %mul3A_161 = arith.constant 16 : i32
          %mul3A_162 = arith.muli %add3A_160, %mul3A_161 : i32
          %add3A_163 = vector.broadcast %mul3A_162 : i32 to vector<16xi32>
          %add3A_164 = arith.addi %iota3A, %add3A_163 : vector<16xi32>
          %sub3A_165 = arith.constant 1 : i32
          %sub3A_166 = arith.subi %while3A_46, %sub3A_165 : i32
          %min3A_167 = vector.broadcast %sub3A_166 : i32 to vector<16xi32>
          %min3A_168 = arith.minsi %add3A_164, %min3A_167 : vector<16xi32>
          %gather3A = tpu.vector_load_idx %arg12[%min3A_168] : memref<272xi32, #tpu.memory_space<vmem>>[vector<16xi32>], vector<16xi32>,
          %rem3A_169 = arith.constant 2 : i32
          %rem3A_170 = arith.remsi %add3A_160, %rem3A_169 : i32
          %dma_start3A_171 = arith.constant 0 : i32
          %dma_start3A_172 = arith.constant 0 : i32
          %dma_start3A_173 = tpu.memref_slice %arg13[%rem3A_170, %dma_start3A_171, %dma_start3A_172] : memref<2x16x1024xf32, #tpu.memory_space<vmem>> -> memref<1x16x1024xf32, #tpu.memory_space<vmem>>
          %dma_start3A_174 = tpu.memref_squeeze %dma_start3A_173 : memref<1x16x1024xf32, #tpu.memory_space<vmem>> -> memref<16x1024xf32, #tpu.memory_space<vmem>>
          %dma_start3A_175 = arith.constant 0 : i32
          %dma_start3A_176 = arith.constant 0 : i32
          %dma_start3A_177 = tpu.memref_slice %arg5[%dma_start3A_175, %dma_start3A_176] : memref<4096x1024xf32, #tpu.memory_space<hbm>> -> memref<4096x1024xf32, #tpu.memory_space<hbm>>
          tpu.enqueue_indirect_dma source(%dma_start3A_177 : memref<4096x1024xf32, #tpu.memory_space<hbm>>) target(%dma_start3A_174 : memref<16x1024xf32, #tpu.memory_space<vmem>>) offsets(%gather3A : vector<16xi32>) semaphore(%arg15 : memref<!tpu.dma_semaphore, #tpu.memory_space<semaphore_mem>>)
        } else {
        }
        %rem3A_121 = arith.constant 2 : i32
        %rem3A_122 = arith.remsi %while3A_108, %rem3A_121 : i32
        %dma_wait3A = arith.constant 0 : i32
        %dma_wait3A_123 = arith.constant 0 : i32
        %dma_wait3A_124 = tpu.memref_slice %arg13[%rem3A_122, %dma_wait3A, %dma_wait3A_123] : memref<2x16x1024xf32, #tpu.memory_space<vmem>> -> memref<1x16x1024xf32, #tpu.memory_space<vmem>>
        %dma_wait3A_125 = tpu.memref_squeeze %dma_wait3A_124 : memref<1x16x1024xf32, #tpu.memory_space<vmem>> -> memref<16x1024xf32, #tpu.memory_space<vmem>>
        %dma_wait3A_126 = arith.constant 0 : i32
        %dma_wait3A_127 = arith.constant 0 : i32
        %dma_wait3A_128 = tpu.memref_slice %arg5[%dma_wait3A_126, %dma_wait3A_127] : memref<4096x1024xf32, #tpu.memory_space<hbm>> -> memref<16x1024xf32, #tpu.memory_space<hbm>>
        %dma_wait3A_129 = arith.constant 0 : i32
        %dma_wait3A_130 = arith.constant 0 : i32
        %dma_wait3A_131 = tpu.memref_slice %arg13[%rem3A_122, %dma_wait3A_129, %dma_wait3A_130] : memref<2x16x1024xf32, #tpu.memory_space<vmem>> -> memref<1x16x1024xf32, #tpu.memory_space<vmem>>
        %dma_wait3A_132 = tpu.memref_squeeze %dma_wait3A_131 : memref<1x16x1024xf32, #tpu.memory_space<vmem>> -> memref<16x1024xf32, #tpu.memory_space<vmem>>
        %dma_wait3A_133 = arith.constant 0 : i32
        %dma_wait3A_134 = arith.constant 0 : i32
        %dma_wait3A_135 = tpu.memref_slice %arg5[%dma_wait3A_133, %dma_wait3A_134] : memref<4096x1024xf32, #tpu.memory_space<hbm>> -> memref<16x1024xf32, #tpu.memory_space<hbm>>
        tpu.wait_dma2 semaphore(%arg15 : memref<!tpu.dma_semaphore, #tpu.memory_space<semaphore_mem>>) src(%dma_wait3A_135 : memref<16x1024xf32, #tpu.memory_space<hbm>>) dst(%dma_wait3A_132 : memref<16x1024xf32, #tpu.memory_space<vmem>>)
        %mul3A_136 = arith.constant 16 : i32
        %mul3A_137 = arith.muli %while3A_108, %mul3A_136 : i32
        %add3A_138 = vector.broadcast %mul3A_137 : i32 to vector<16xi32>
        %add3A_139 = arith.addi %iota3A, %add3A_138 : vector<16xi32>
        %sub3A_140 = arith.constant 1 : i32
        %sub3A_141 = arith.subi %while3A_46, %sub3A_140 : i32
        %min3A = vector.broadcast %sub3A_141 : i32 to vector<16xi32>
        %min3A_142 = arith.minsi %add3A_139, %min3A : vector<16xi32>
        %mul3A_143 = arith.constant 256 : i32
        %mul3A_144 = arith.muli %add3A_16, %mul3A_143 : i32
        %add3A_145 = vector.broadcast %reduce_sum3A_75 : i32 to vector<16xi32>
        %add3A_146 = arith.addi %add3A_145, %min3A_142 : vector<16xi32>
        %rem3A_147 = arith.constant 256 : i32
        %rem3A_148 = vector.broadcast %rem3A_147 : i32 to vector<16xi32>
        %rem3A_149 = arith.remsi %add3A_146, %rem3A_148 : vector<16xi32>
        %add3A_150 = vector.broadcast %mul3A_144 : i32 to vector<16xi32>
        %add3A_151 = arith.addi %add3A_150, %rem3A_149 : vector<16xi32>
        %dma_start3A = arith.constant 0 : i32
        %dma_start3A_152 = arith.constant 0 : i32
        %dma_start3A_153 = tpu.memref_slice %arg13[%rem3A_122, %dma_start3A, %dma_start3A_152] : memref<2x16x1024xf32, #tpu.memory_space<vmem>> -> memref<1x16x1024xf32, #tpu.memory_space<vmem>>
        %dma_start3A_154 = tpu.memref_squeeze %dma_start3A_153 : memref<1x16x1024xf32, #tpu.memory_space<vmem>> -> memref<16x1024xf32, #tpu.memory_space<vmem>>
        %dma_start3A_155 = arith.constant 0 : i32
        %dma_start3A_156 = arith.constant 0 : i32
        %dma_start3A_157 = tpu.memref_slice %arg6[%dma_start3A_155, %dma_start3A_156] : memref<25600x1024xf32, #tpu.memory_space<hbm>> -> memref<25600x1024xf32, #tpu.memory_space<hbm>>
        tpu.enqueue_indirect_dma source(%dma_start3A_154 : memref<16x1024xf32, #tpu.memory_space<vmem>>) target(%dma_start3A_157 : memref<25600x1024xf32, #tpu.memory_space<hbm>>) offsets(%add3A_151 : vector<16xi32>) semaphore(%arg16 : memref<!tpu.dma_semaphore, #tpu.memory_space<semaphore_mem>>)
        %while3A_158 = arith.constant 0 : i32
        scf.yield %while3A_158 : i32
      }
      %while3A_101 = arith.constant 1 : i32
      %while3A_102 = scf.for %while3A_108 = %while3A_98 to %while3A_94 step %while3A_101 iter_args(%while3A_109 = %while3A_100) -> (i32)  : i32 {
        %gt3A_110 = arith.constant 0 : i32
        %gt3A_111 = arith.cmpi sgt, %while3A_108, %gt3A_110 : i32
        %convert_element_type3A_112 = arith.extui %gt3A_111 : i1 to i32
        %cond3A_113 = arith.constant 0 : i32
        %cond3A_114 = arith.cmpi ne, %convert_element_type3A_112, %cond3A_113 : i32
        scf.if %cond3A_114 {
          %sub3A_159 = arith.constant 1 : i32
          %sub3A_160 = arith.subi %while3A_108, %sub3A_159 : i32
          %rem3A_161 = arith.constant 2 : i32
          %rem3A_162 = arith.remsi %sub3A_160, %rem3A_161 : i32
          %dma_wait3A_163 = arith.constant 0 : i32
          %dma_wait3A_164 = arith.constant 0 : i32
          %dma_wait3A_165 = tpu.memref_slice %arg13[%rem3A_162, %dma_wait3A_163, %dma_wait3A_164] : memref<2x16x1024xf32, #tpu.memory_space<vmem>> -> memref<1x16x1024xf32, #tpu.memory_space<vmem>>
          %dma_wait3A_166 = tpu.memref_squeeze %dma_wait3A_165 : memref<1x16x1024xf32, #tpu.memory_space<vmem>> -> memref<16x1024xf32, #tpu.memory_space<vmem>>
          %dma_wait3A_167 = arith.constant 0 : i32
          %dma_wait3A_168 = arith.constant 0 : i32
          %dma_wait3A_169 = tpu.memref_slice %arg6[%dma_wait3A_167, %dma_wait3A_168] : memref<25600x1024xf32, #tpu.memory_space<hbm>> -> memref<16x1024xf32, #tpu.memory_space<hbm>>
          %dma_wait3A_170 = arith.constant 0 : i32
          %dma_wait3A_171 = arith.constant 0 : i32
          %dma_wait3A_172 = tpu.memref_slice %arg6[%dma_wait3A_170, %dma_wait3A_171] : memref<25600x1024xf32, #tpu.memory_space<hbm>> -> memref<16x1024xf32, #tpu.memory_space<hbm>>
          %dma_wait3A_173 = arith.constant 0 : i32
          %dma_wait3A_174 = arith.constant 0 : i32
          %dma_wait3A_175 = tpu.memref_slice %arg13[%rem3A_162, %dma_wait3A_173, %dma_wait3A_174] : memref<2x16x1024xf32, #tpu.memory_space<vmem>> -> memref<1x16x1024xf32, #tpu.memory_space<vmem>>
          %dma_wait3A_176 = tpu.memref_squeeze %dma_wait3A_175 : memref<1x16x1024xf32, #tpu.memory_space<vmem>> -> memref<16x1024xf32, #tpu.memory_space<vmem>>
          tpu.wait_dma2 semaphore(%arg16 : memref<!tpu.dma_semaphore, #tpu.memory_space<semaphore_mem>>) src(%dma_wait3A_176 : memref<16x1024xf32, #tpu.memory_space<vmem>>) dst(%dma_wait3A_172 : memref<16x1024xf32, #tpu.memory_space<hbm>>)
        } else {
        }
        %add3A_115 = arith.constant 1 : i32
        %add3A_116 = arith.addi %while3A_108, %add3A_115 : i32
        %lt3A_117 = arith.cmpi slt, %add3A_116, %div3A_86 : i32
        %convert_element_type3A_118 = arith.extui %lt3A_117 : i1 to i32
        %cond3A_119 = arith.constant 0 : i32
        %cond3A_120 = arith.cmpi ne, %convert_element_type3A_118, %cond3A_119 : i32
        scf.if %cond3A_120 {
          %add3A_159 = arith.constant 1 : i32
          %add3A_160 = arith.addi %while3A_108, %add3A_159 : i32
          %mul3A_161 = arith.constant 16 : i32
          %mul3A_162 = arith.muli %add3A_160, %mul3A_161 : i32
          %add3A_163 = vector.broadcast %mul3A_162 : i32 to vector<16xi32>
          %add3A_164 = arith.addi %iota3A, %add3A_163 : vector<16xi32>
          %sub3A_165 = arith.constant 1 : i32
          %sub3A_166 = arith.subi %while3A_46, %sub3A_165 : i32
          %min3A_167 = vector.broadcast %sub3A_166 : i32 to vector<16xi32>
          %min3A_168 = arith.minsi %add3A_164, %min3A_167 : vector<16xi32>
          %gather3A = tpu.vector_load_idx %arg12[%min3A_168] : memref<272xi32, #tpu.memory_space<vmem>>[vector<16xi32>], vector<16xi32>,
          %rem3A_169 = arith.constant 2 : i32
          %rem3A_170 = arith.remsi %add3A_160, %rem3A_169 : i32
          %dma_start3A_171 = arith.constant 0 : i32
          %dma_start3A_172 = arith.constant 0 : i32
          %dma_start3A_173 = tpu.memref_slice %arg13[%rem3A_170, %dma_start3A_171, %dma_start3A_172] : memref<2x16x1024xf32, #tpu.memory_space<vmem>> -> memref<1x16x1024xf32, #tpu.memory_space<vmem>>
          %dma_start3A_174 = tpu.memref_squeeze %dma_start3A_173 : memref<1x16x1024xf32, #tpu.memory_space<vmem>> -> memref<16x1024xf32, #tpu.memory_space<vmem>>
          %dma_start3A_175 = arith.constant 0 : i32
          %dma_start3A_176 = arith.constant 0 : i32
          %dma_start3A_177 = tpu.memref_slice %arg5[%dma_start3A_175, %dma_start3A_176] : memref<4096x1024xf32, #tpu.memory_space<hbm>> -> memref<4096x1024xf32, #tpu.memory_space<hbm>>
          tpu.enqueue_indirect_dma source(%dma_start3A_177 : memref<4096x1024xf32, #tpu.memory_space<hbm>>) target(%dma_start3A_174 : memref<16x1024xf32, #tpu.memory_space<vmem>>) offsets(%gather3A : vector<16xi32>) semaphore(%arg15 : memref<!tpu.dma_semaphore, #tpu.memory_space<semaphore_mem>>)
        } else {
        }
        %rem3A_121 = arith.constant 2 : i32
        %rem3A_122 = arith.remsi %while3A_108, %rem3A_121 : i32
        %dma_wait3A = arith.constant 0 : i32
        %dma_wait3A_123 = arith.constant 0 : i32
        %dma_wait3A_124 = tpu.memref_slice %arg13[%rem3A_122, %dma_wait3A, %dma_wait3A_123] : memref<2x16x1024xf32, #tpu.memory_space<vmem>> -> memref<1x16x1024xf32, #tpu.memory_space<vmem>>
        %dma_wait3A_125 = tpu.memref_squeeze %dma_wait3A_124 : memref<1x16x1024xf32, #tpu.memory_space<vmem>> -> memref<16x1024xf32, #tpu.memory_space<vmem>>
        %dma_wait3A_126 = arith.constant 0 : i32
        %dma_wait3A_127 = arith.constant 0 : i32
        %dma_wait3A_128 = tpu.memref_slice %arg5[%dma_wait3A_126, %dma_wait3A_127] : memref<4096x1024xf32, #tpu.memory_space<hbm>> -> memref<16x1024xf32, #tpu.memory_space<hbm>>
        %dma_wait3A_129 = arith.constant 0 : i32
        %dma_wait3A_130 = arith.constant 0 : i32
        %dma_wait3A_131 = tpu.memref_slice %arg13[%rem3A_122, %dma_wait3A_129, %dma_wait3A_130] : memref<2x16x1024xf32, #tpu.memory_space<vmem>> -> memref<1x16x1024xf32, #tpu.memory_space<vmem>>
        %dma_wait3A_132 = tpu.memref_squeeze %dma_wait3A_131 : memref<1x16x1024xf32, #tpu.memory_space<vmem>> -> memref<16x1024xf32, #tpu.memory_space<vmem>>
        %dma_wait3A_133 = arith.constant 0 : i32
        %dma_wait3A_134 = arith.constant 0 : i32
        %dma_wait3A_135 = tpu.memref_slice %arg5[%dma_wait3A_133, %dma_wait3A_134] : memref<4096x1024xf32, #tpu.memory_space<hbm>> -> memref<16x1024xf32, #tpu.memory_space<hbm>>
        tpu.wait_dma2 semaphore(%arg15 : memref<!tpu.dma_semaphore, #tpu.memory_space<semaphore_mem>>) src(%dma_wait3A_135 : memref<16x1024xf32, #tpu.memory_space<hbm>>) dst(%dma_wait3A_132 : memref<16x1024xf32, #tpu.memory_space<vmem>>)
        %mul3A_136 = arith.constant 16 : i32
        %mul3A_137 = arith.muli %while3A_108, %mul3A_136 : i32
        %add3A_138 = vector.broadcast %mul3A_137 : i32 to vector<16xi32>
        %add3A_139 = arith.addi %iota3A, %add3A_138 : vector<16xi32>
        %sub3A_140 = arith.constant 1 : i32
        %sub3A_141 = arith.subi %while3A_46, %sub3A_140 : i32
        %min3A = vector.broadcast %sub3A_141 : i32 to vector<16xi32>
        %min3A_142 = arith.minsi %add3A_139, %min3A : vector<16xi32>
        %mul3A_143 = arith.constant 256 : i32
        %mul3A_144 = arith.muli %add3A_16, %mul3A_143 : i32
        %add3A_145 = vector.broadcast %reduce_sum3A_75 : i32 to vector<16xi32>
        %add3A_146 = arith.addi %add3A_145, %min3A_142 : vector<16xi32>
        %rem3A_147 = arith.constant 256 : i32
        %rem3A_148 = vector.broadcast %rem3A_147 : i32 to vector<16xi32>
        %rem3A_149 = arith.remsi %add3A_146, %rem3A_148 : vector<16xi32>
        %add3A_150 = vector.broadcast %mul3A_144 : i32 to vector<16xi32>
        %add3A_151 = arith.addi %add3A_150, %rem3A_149 : vector<16xi32>
        %dma_start3A = arith.constant 0 : i32
        %dma_start3A_152 = arith.constant 0 : i32
        %dma_start3A_153 = tpu.memref_slice %arg13[%rem3A_122, %dma_start3A, %dma_start3A_152] : memref<2x16x1024xf32, #tpu.memory_space<vmem>> -> memref<1x16x1024xf32, #tpu.memory_space<vmem>>
        %dma_start3A_154 = tpu.memref_squeeze %dma_start3A_153 : memref<1x16x1024xf32, #tpu.memory_space<vmem>> -> memref<16x1024xf32, #tpu.memory_space<vmem>>
        %dma_start3A_155 = arith.constant 0 : i32
        %dma_start3A_156 = arith.constant 0 : i32
        %dma_start3A_157 = tpu.memref_slice %arg6[%dma_start3A_155, %dma_start3A_156] : memref<25600x1024xf32, #tpu.memory_space<hbm>> -> memref<25600x1024xf32, #tpu.memory_space<hbm>>
        tpu.enqueue_indirect_dma source(%dma_start3A_154 : memref<16x1024xf32, #tpu.memory_space<vmem>>) target(%dma_start3A_157 : memref<25600x1024xf32, #tpu.memory_space<hbm>>) offsets(%add3A_151 : vector<16xi32>) semaphore(%arg16 : memref<!tpu.dma_semaphore, #tpu.memory_space<semaphore_mem>>)
        %while3A_158 = arith.constant 0 : i32
        scf.yield %while3A_158 : i32
      }
      %gt3A_103 = arith.constant 0 : i32
      %gt3A_104 = arith.cmpi sgt, %div3A_86, %gt3A_103 : i32
      %convert_element_type3A_105 = arith.extui %gt3A_104 : i1 to i32
      %cond3A_106 = arith.constant 0 : i32
      %cond3A_107 = arith.cmpi ne, %convert_element_type3A_105, %cond3A_106 : i32
      scf.if %cond3A_107 {
        %sub3A_108 = arith.constant 1 : i32
        %sub3A_109 = arith.subi %div3A_86, %sub3A_108 : i32
        %rem3A_110 = arith.constant 2 : i32
        %rem3A_111 = arith.remsi %sub3A_109, %rem3A_110 : i32
        %dma_wait3A = arith.constant 0 : i32
        %dma_wait3A_112 = arith.constant 0 : i32
        %dma_wait3A_113 = tpu.memref_slice %arg13[%rem3A_111, %dma_wait3A, %dma_wait3A_112] : memref<2x16x1024xf32, #tpu.memory_space<vmem>> -> memref<1x16x1024xf32, #tpu.memory_space<vmem>>
        %dma_wait3A_114 = tpu.memref_squeeze %dma_wait3A_113 : memref<1x16x1024xf32, #tpu.memory_space<vmem>> -> memref<16x1024xf32, #tpu.memory_space<vmem>>
        %dma_wait3A_115 = arith.constant 0 : i32
        %dma_wait3A_116 = arith.constant 0 : i32
        %dma_wait3A_117 = tpu.memref_slice %arg6[%dma_wait3A_115, %dma_wait3A_116] : memref<25600x1024xf32, #tpu.memory_space<hbm>> -> memref<16x1024xf32, #tpu.memory_space<hbm>>
        %dma_wait3A_118 = arith.constant 0 : i32
        %dma_wait3A_119 = arith.constant 0 : i32
        %dma_wait3A_120 = tpu.memref_slice %arg6[%dma_wait3A_118, %dma_wait3A_119] : memref<25600x1024xf32, #tpu.memory_space<hbm>> -> memref<16x1024xf32, #tpu.memory_space<hbm>>
        %dma_wait3A_121 = arith.constant 0 : i32
        %dma_wait3A_122 = arith.constant 0 : i32
        %dma_wait3A_123 = tpu.memref_slice %arg13[%rem3A_111, %dma_wait3A_121, %dma_wait3A_122] : memref<2x16x1024xf32, #tpu.memory_space<vmem>> -> memref<1x16x1024xf32, #tpu.memory_space<vmem>>
        %dma_wait3A_124 = tpu.memref_squeeze %dma_wait3A_123 : memref<1x16x1024xf32, #tpu.memory_space<vmem>> -> memref<16x1024xf32, #tpu.memory_space<vmem>>
        tpu.wait_dma2 semaphore(%arg16 : memref<!tpu.dma_semaphore, #tpu.memory_space<semaphore_mem>>) src(%dma_wait3A_124 : memref<16x1024xf32, #tpu.memory_space<vmem>>) dst(%dma_wait3A_120 : memref<16x1024xf32, #tpu.memory_space<hbm>>)
      } else {
      }
    } else {
    }
    %add3A_22 = arith.constant 64 : i32
    %add3A_23 = arith.addi %add3A, %add3A_22 : i32
    %lt3A_24 = arith.constant 100 : i32
    %lt3A_25 = arith.cmpi slt, %add3A_23, %lt3A_24 : i32
    %convert_element_type3A_26 = arith.extui %lt3A_25 : i1 to i32
    %cond3A_27 = arith.constant 0 : i32
    %cond3A_28 = arith.cmpi ne, %convert_element_type3A_26, %cond3A_27 : i32
    scf.if %cond3A_28 {
      %while3A = arith.constant 0 : i32
      %while3A_36 = arith.constant 0 : i32
      %while3A_37 = arith.subi %div3A_10, %while3A : i32
      %while3A_38 = arith.addi %while3A, %while3A_37 : i32
      %while3A_39 = arith.constant 1 : i32
      %while3A_40 = arith.divsi %while3A_37, %while3A_39 : i32
      %while3A_41 = arith.muli %while3A_40, %while3A_39 : i32
      %while3A_42 = arith.addi %while3A, %while3A_41 : i32
      %while3A_43 = arith.constant 1 : i32
      %while3A_44 = scf.for %while3A_108 = %while3A to %while3A_42 step %while3A_43 iter_args(%while3A_109 = %while3A_36) -> (i32)  : i32 {
        %mul3A_110 = arith.constant 16 : i32
        %mul3A_111 = arith.muli %while3A_108, %mul3A_110 : i32
        %get3A_112 = arith.index_cast %mul3A_111 : i32 to index
        %get3A_113 = tpu.vector_load %arg11[%get3A_112] {strides = array<i32>} : memref<4112xi32, #tpu.memory_space<vmem>>, vector<16xi32>,
        %mul3A_114 = arith.constant 16 : i32
        %mul3A_115 = arith.muli %while3A_108, %mul3A_114 : i32
        %get3A_116 = arith.index_cast %mul3A_115 : i32 to index
        %get3A_117 = tpu.vector_load %arg10[%get3A_116] {strides = array<i32>} : memref<4112xi32, #tpu.memory_space<vmem>>, vector<16xi32>,
        %eq3A_118 = vector.broadcast %add3A_23 : i32 to vector<16xi32>
        %eq3A_119 = arith.cmpi eq, %get3A_113, %eq3A_118 : vector<16xi32>
        %mul3A_120 = arith.constant 16 : i32
        %mul3A_121 = arith.muli %while3A_108, %mul3A_120 : i32
        %add3A_122 = vector.broadcast %mul3A_121 : i32 to vector<16xi32>
        %add3A_123 = arith.addi %iota3A, %add3A_122 : vector<16xi32>
        %lt3A_124 = vector.broadcast %scan3A_5 : i32 to vector<16xi32>
        %lt3A_125 = arith.cmpi slt, %add3A_123, %lt3A_124 : vector<16xi32>
        %and3A_126 = arith.andi %eq3A_119, %lt3A_125 : vector<16xi1>
        %convert_element_type3A_127 = arith.extui %and3A_126 : vector<16xi1> to vector<16xi32>
        %broadcast_in_dim3A_128 = arith.constant true
        %broadcast_in_dim3A_129 = vector.broadcast %broadcast_in_dim3A_128 : i1 to vector<16xi1>
        %masked_cumsum3A = tpu.scan <sum>, %convert_element_type3A_127 masked %broadcast_in_dim3A_129 : vector<16xi32>, vector<16xi1> -> vector<16xi32>
        %add3A_130 = vector.broadcast %while3A_109 : i32 to vector<16xi32>
        %add3A_131 = arith.addi %add3A_130, %masked_cumsum3A : vector<16xi32>
        %sub3A_132 = arith.constant 1 : i32
        %sub3A_133 = vector.broadcast %sub3A_132 : i32 to vector<16xi32>
        %sub3A_134 = arith.subi %add3A_131, %sub3A_133 : vector<16xi32>
        tpu.vector_store_idx %arg12[%sub3A_134], %get3A_117 masked %and3A_126 : memref<272xi32, #tpu.memory_space<vmem>>[vector<16xi32>], vector<16xi32>, vector<16xi1>
        %reduce_max3A = arith.constant true
        %reduce_max3A_135 = vector.broadcast %reduce_max3A : i1 to vector<16xi1>
        %reduce_max3A_136 = arith.constant -2147483648 : i32
        %reduce_max3A_137 = vector.broadcast %reduce_max3A_136 : i32 to vector<16xi32>
        %reduce_max3A_138 = arith.xori %masked_cumsum3A, %reduce_max3A_137 : vector<16xi32>
        %reduce_max3A_139 = tpu.scan <max>, %reduce_max3A_138 masked %reduce_max3A_135 : vector<16xi32>, vector<16xi1> -> vector<16xi32>
        %reduce_max3A_140 = arith.xori %reduce_max3A_139, %reduce_max3A_137 : vector<16xi32>
        %reduce_max3A_141 = vector.extract %reduce_max3A_140[15] : i32 from vector<16xi32>
        %add3A_142 = arith.addi %while3A_109, %reduce_max3A_141 : i32
        scf.yield %add3A_142 : i32
      }
      %while3A_45 = arith.constant 1 : i32
      %while3A_46 = scf.for %while3A_108 = %while3A_42 to %while3A_38 step %while3A_45 iter_args(%while3A_109 = %while3A_44) -> (i32)  : i32 {
        %mul3A_110 = arith.constant 16 : i32
        %mul3A_111 = arith.muli %while3A_108, %mul3A_110 : i32
        %get3A_112 = arith.index_cast %mul3A_111 : i32 to index
        %get3A_113 = tpu.vector_load %arg11[%get3A_112] {strides = array<i32>} : memref<4112xi32, #tpu.memory_space<vmem>>, vector<16xi32>,
        %mul3A_114 = arith.constant 16 : i32
        %mul3A_115 = arith.muli %while3A_108, %mul3A_114 : i32
        %get3A_116 = arith.index_cast %mul3A_115 : i32 to index
        %get3A_117 = tpu.vector_load %arg10[%get3A_116] {strides = array<i32>} : memref<4112xi32, #tpu.memory_space<vmem>>, vector<16xi32>,
        %eq3A_118 = vector.broadcast %add3A_23 : i32 to vector<16xi32>
        %eq3A_119 = arith.cmpi eq, %get3A_113, %eq3A_118 : vector<16xi32>
        %mul3A_120 = arith.constant 16 : i32
        %mul3A_121 = arith.muli %while3A_108, %mul3A_120 : i32
        %add3A_122 = vector.broadcast %mul3A_121 : i32 to vector<16xi32>
        %add3A_123 = arith.addi %iota3A, %add3A_122 : vector<16xi32>
        %lt3A_124 = vector.broadcast %scan3A_5 : i32 to vector<16xi32>
        %lt3A_125 = arith.cmpi slt, %add3A_123, %lt3A_124 : vector<16xi32>
        %and3A_126 = arith.andi %eq3A_119, %lt3A_125 : vector<16xi1>
        %convert_element_type3A_127 = arith.extui %and3A_126 : vector<16xi1> to vector<16xi32>
        %broadcast_in_dim3A_128 = arith.constant true
        %broadcast_in_dim3A_129 = vector.broadcast %broadcast_in_dim3A_128 : i1 to vector<16xi1>
        %masked_cumsum3A = tpu.scan <sum>, %convert_element_type3A_127 masked %broadcast_in_dim3A_129 : vector<16xi32>, vector<16xi1> -> vector<16xi32>
        %add3A_130 = vector.broadcast %while3A_109 : i32 to vector<16xi32>
        %add3A_131 = arith.addi %add3A_130, %masked_cumsum3A : vector<16xi32>
        %sub3A_132 = arith.constant 1 : i32
        %sub3A_133 = vector.broadcast %sub3A_132 : i32 to vector<16xi32>
        %sub3A_134 = arith.subi %add3A_131, %sub3A_133 : vector<16xi32>
        tpu.vector_store_idx %arg12[%sub3A_134], %get3A_117 masked %and3A_126 : memref<272xi32, #tpu.memory_space<vmem>>[vector<16xi32>], vector<16xi32>, vector<16xi1>
        %reduce_max3A = arith.constant true
        %reduce_max3A_135 = vector.broadcast %reduce_max3A : i1 to vector<16xi1>
        %reduce_max3A_136 = arith.constant -2147483648 : i32
        %reduce_max3A_137 = vector.broadcast %reduce_max3A_136 : i32 to vector<16xi32>
        %reduce_max3A_138 = arith.xori %masked_cumsum3A, %reduce_max3A_137 : vector<16xi32>
        %reduce_max3A_139 = tpu.scan <max>, %reduce_max3A_138 masked %reduce_max3A_135 : vector<16xi32>, vector<16xi1> -> vector<16xi32>
        %reduce_max3A_140 = arith.xori %reduce_max3A_139, %reduce_max3A_137 : vector<16xi32>
        %reduce_max3A_141 = vector.extract %reduce_max3A_140[15] : i32 from vector<16xi32>
        %add3A_142 = arith.addi %while3A_109, %reduce_max3A_141 : i32
        scf.yield %add3A_142 : i32
      }
      %jit3A = arith.constant 16 : i32
      %div3A_47 = arith.divsi %add3A_23, %jit3A : i32
      %sign3A = arith.constant 0 : i32
      %sign3A_48 = arith.cmpi sgt, %add3A_23, %sign3A : i32
      %sign3A_49 = arith.extui %sign3A_48 : i1 to i32
      %sign3A_50 = arith.constant 0 : i32
      %sign3A_51 = arith.cmpi slt, %add3A_23, %sign3A_50 : i32
      %sign3A_52 = arith.extui %sign3A_51 : i1 to i32
      %sign3A_53 = arith.subi %sign3A_49, %sign3A_52 : i32
      %sign3A_54 = arith.constant 0 : i32
      %sign3A_55 = arith.cmpi sgt, %jit3A, %sign3A_54 : i32
      %sign3A_56 = arith.extui %sign3A_55 : i1 to i32
      %sign3A_57 = arith.constant 0 : i32
      %sign3A_58 = arith.cmpi slt, %jit3A, %sign3A_57 : i32
      %sign3A_59 = arith.extui %sign3A_58 : i1 to i32
      %sign3A_60 = arith.subi %sign3A_56, %sign3A_59 : i32
      %ne3A = arith.cmpi ne, %sign3A_53, %sign3A_60 : i32
      %rem3A = arith.remsi %add3A_23, %jit3A : i32
      %ne3A_61 = arith.constant 0 : i32
      %ne3A_62 = arith.cmpi ne, %rem3A, %ne3A_61 : i32
      %and3A = arith.andi %ne3A, %ne3A_62 : i1
      %sub3A_63 = arith.constant 1 : i32
      %sub3A_64 = arith.subi %div3A_47, %sub3A_63 : i32
      %select_n3A = arith.select %and3A, %sub3A_64, %div3A_47 : i32
      %mul3A_65 = arith.constant 16 : i32
      %mul3A_66 = arith.muli %select_n3A, %mul3A_65 : i32
      %get3A = arith.index_cast %mul3A_66 : i32 to index
      %get3A_67 = tpu.vector_load %arg9[%get3A] {strides = array<i32>} : memref<128xi32, #tpu.memory_space<vmem>>, vector<16xi32>,
      %rem3A_68 = arith.constant 16 : i32
      %rem3A_69 = arith.remsi %add3A_23, %rem3A_68 : i32
      %eq3A = vector.broadcast %rem3A_69 : i32 to vector<16xi32>
      %eq3A_70 = arith.cmpi eq, %iota3A, %eq3A : vector<16xi32>
      %jit3A_71 = arith.constant 0 : i32
      %broadcast_in_dim3A = vector.broadcast %jit3A_71 : i32 to vector<16xi32>
      %select_n3A_72 = arith.select %eq3A_70, %get3A_67, %broadcast_in_dim3A : vector<16xi1>, vector<16xi32>
      %reduce_sum3A = arith.constant true
      %reduce_sum3A_73 = vector.broadcast %reduce_sum3A : i1 to vector<16xi1>
      %reduce_sum3A_74 = tpu.scan <sum>, %select_n3A_72 masked %reduce_sum3A_73 : vector<16xi32>, vector<16xi1> -> vector<16xi32>
      %reduce_sum3A_75 = vector.extract %reduce_sum3A_74[15] : i32 from vector<16xi32>
      %add3A_76 = arith.addi %reduce_sum3A_75, %while3A_46 : i32
      %rem3A_77 = arith.constant 256 : i32
      %rem3A_78 = arith.remsi %add3A_76, %rem3A_77 : i32
      %broadcast_in_dim3A_79 = vector.broadcast %rem3A_78 : i32 to vector<16xi32>
      %swap3A = arith.constant 0 : index
      %swap3A_80 = tpu.vector_load %arg14[%swap3A] {strides = array<i32>} : memref<16xi32, #tpu.memory_space<vmem>>, vector<16xi32>,
      tpu.vector_store %arg14[%swap3A], %broadcast_in_dim3A_79 {strides = array<i32>} : memref<16xi32, #tpu.memory_space<vmem>>, vector<16xi32>,
      "tpu.region"() ({
        %run_scoped3A = tpu.sem_alloc : memref<!tpu.dma_semaphore, #tpu.memory_space<semaphore_mem>>
        %dma_start3A = arith.constant 0 : i32
        %dma_start3A_108 = tpu.memref_slice %arg7[%add3A_23, %dma_start3A] : memref<128x16xi32, #tpu.memory_space<hbm>> -> memref<1x16xi32, #tpu.memory_space<hbm>>
        %dma_start3A_109 = tpu.memref_squeeze %dma_start3A_108 : memref<1x16xi32, #tpu.memory_space<hbm>> -> memref<16xi32, #tpu.memory_space<hbm>>
        %dma_start3A_110 = arith.constant 0 : i32
        %dma_start3A_111 = tpu.memref_slice %arg7[%add3A_23, %dma_start3A_110] : memref<128x16xi32, #tpu.memory_space<hbm>> -> memref<1x16xi32, #tpu.memory_space<hbm>>
        %dma_start3A_112 = tpu.memref_squeeze %dma_start3A_111 : memref<1x16xi32, #tpu.memory_space<hbm>> -> memref<16xi32, #tpu.memory_space<hbm>>
        tpu.enqueue_dma source(%arg14 : memref<16xi32, #tpu.memory_space<vmem>>) target(%dma_start3A_112 : memref<16xi32, #tpu.memory_space<hbm>>) target_semaphore(%run_scoped3A : memref<!tpu.dma_semaphore, #tpu.memory_space<semaphore_mem>>)
        %dma_wait3A = arith.constant 0 : i32
        %dma_wait3A_113 = tpu.memref_slice %arg7[%add3A_23, %dma_wait3A] : memref<128x16xi32, #tpu.memory_space<hbm>> -> memref<1x16xi32, #tpu.memory_space<hbm>>
        %dma_wait3A_114 = tpu.memref_squeeze %dma_wait3A_113 : memref<1x16xi32, #tpu.memory_space<hbm>> -> memref<16xi32, #tpu.memory_space<hbm>>
        %dma_wait3A_115 = arith.constant 0 : i32
        %dma_wait3A_116 = tpu.memref_slice %arg7[%add3A_23, %dma_wait3A_115] : memref<128x16xi32, #tpu.memory_space<hbm>> -> memref<1x16xi32, #tpu.memory_space<hbm>>
        %dma_wait3A_117 = tpu.memref_squeeze %dma_wait3A_116 : memref<1x16xi32, #tpu.memory_space<hbm>> -> memref<16xi32, #tpu.memory_space<hbm>>
        tpu.wait_dma2 semaphore(%run_scoped3A : memref<!tpu.dma_semaphore, #tpu.memory_space<semaphore_mem>>) src(%arg14 : memref<16xi32, #tpu.memory_space<vmem>>) dst(%dma_wait3A_117 : memref<16xi32, #tpu.memory_space<hbm>>)
        tpu.yield
      }) : () -> ()
      %add3A_81 = arith.constant 16 : i32
      %add3A_82 = arith.addi %while3A_46, %add3A_81 : i32
      %sub3A_83 = arith.constant 1 : i32
      %sub3A_84 = arith.subi %add3A_82, %sub3A_83 : i32
      %div3A_85 = arith.constant 16 : i32
      %div3A_86 = arith.divsi %sub3A_84, %div3A_85 : i32
      %gt3A = arith.constant 0 : i32
      %gt3A_87 = arith.cmpi sgt, %div3A_86, %gt3A : i32
      %convert_element_type3A_88 = arith.extui %gt3A_87 : i1 to i32
      %cond3A_89 = arith.constant 0 : i32
      %cond3A_90 = arith.cmpi ne, %convert_element_type3A_88, %cond3A_89 : i32
      scf.if %cond3A_90 {
        %add3A_108 = arith.constant 0 : i32
        %add3A_109 = vector.broadcast %add3A_108 : i32 to vector<16xi32>
        %add3A_110 = arith.addi %iota3A, %add3A_109 : vector<16xi32>
        %sub3A_111 = arith.constant 1 : i32
        %sub3A_112 = arith.subi %while3A_46, %sub3A_111 : i32
        %min3A = vector.broadcast %sub3A_112 : i32 to vector<16xi32>
        %min3A_113 = arith.minsi %add3A_110, %min3A : vector<16xi32>
        %gather3A = tpu.vector_load_idx %arg12[%min3A_113] : memref<272xi32, #tpu.memory_space<vmem>>[vector<16xi32>], vector<16xi32>,
        %rem3A_114 = arith.constant 0 : i32
        %rem3A_115 = arith.constant 2 : i32
        %rem3A_116 = arith.remsi %rem3A_114, %rem3A_115 : i32
        %dma_start3A = arith.constant 0 : i32
        %dma_start3A_117 = arith.constant 0 : i32
        %dma_start3A_118 = tpu.memref_slice %arg13[%rem3A_116, %dma_start3A, %dma_start3A_117] : memref<2x16x1024xf32, #tpu.memory_space<vmem>> -> memref<1x16x1024xf32, #tpu.memory_space<vmem>>
        %dma_start3A_119 = tpu.memref_squeeze %dma_start3A_118 : memref<1x16x1024xf32, #tpu.memory_space<vmem>> -> memref<16x1024xf32, #tpu.memory_space<vmem>>
        %dma_start3A_120 = arith.constant 0 : i32
        %dma_start3A_121 = arith.constant 0 : i32
        %dma_start3A_122 = tpu.memref_slice %arg5[%dma_start3A_120, %dma_start3A_121] : memref<4096x1024xf32, #tpu.memory_space<hbm>> -> memref<4096x1024xf32, #tpu.memory_space<hbm>>
        tpu.enqueue_indirect_dma source(%dma_start3A_122 : memref<4096x1024xf32, #tpu.memory_space<hbm>>) target(%dma_start3A_119 : memref<16x1024xf32, #tpu.memory_space<vmem>>) offsets(%gather3A : vector<16xi32>) semaphore(%arg15 : memref<!tpu.dma_semaphore, #tpu.memory_space<semaphore_mem>>)
      } else {
      }
      %while3A_91 = arith.constant 0 : i32
      %while3A_92 = arith.constant 0 : i32
      %while3A_93 = arith.subi %div3A_86, %while3A_91 : i32
      %while3A_94 = arith.addi %while3A_91, %while3A_93 : i32
      %while3A_95 = arith.constant 1 : i32
      %while3A_96 = arith.divsi %while3A_93, %while3A_95 : i32
      %while3A_97 = arith.muli %while3A_96, %while3A_95 : i32
      %while3A_98 = arith.addi %while3A_91, %while3A_97 : i32
      %while3A_99 = arith.constant 1 : i32
      %while3A_100 = scf.for %while3A_108 = %while3A_91 to %while3A_98 step %while3A_99 iter_args(%while3A_109 = %while3A_92) -> (i32)  : i32 {
        %gt3A_110 = arith.constant 0 : i32
        %gt3A_111 = arith.cmpi sgt, %while3A_108, %gt3A_110 : i32
        %convert_element_type3A_112 = arith.extui %gt3A_111 : i1 to i32
        %cond3A_113 = arith.constant 0 : i32
        %cond3A_114 = arith.cmpi ne, %convert_element_type3A_112, %cond3A_113 : i32
        scf.if %cond3A_114 {
          %sub3A_159 = arith.constant 1 : i32
          %sub3A_160 = arith.subi %while3A_108, %sub3A_159 : i32
          %rem3A_161 = arith.constant 2 : i32
          %rem3A_162 = arith.remsi %sub3A_160, %rem3A_161 : i32
          %dma_wait3A_163 = arith.constant 0 : i32
          %dma_wait3A_164 = arith.constant 0 : i32
          %dma_wait3A_165 = tpu.memref_slice %arg13[%rem3A_162, %dma_wait3A_163, %dma_wait3A_164] : memref<2x16x1024xf32, #tpu.memory_space<vmem>> -> memref<1x16x1024xf32, #tpu.memory_space<vmem>>
          %dma_wait3A_166 = tpu.memref_squeeze %dma_wait3A_165 : memref<1x16x1024xf32, #tpu.memory_space<vmem>> -> memref<16x1024xf32, #tpu.memory_space<vmem>>
          %dma_wait3A_167 = arith.constant 0 : i32
          %dma_wait3A_168 = arith.constant 0 : i32
          %dma_wait3A_169 = tpu.memref_slice %arg6[%dma_wait3A_167, %dma_wait3A_168] : memref<25600x1024xf32, #tpu.memory_space<hbm>> -> memref<16x1024xf32, #tpu.memory_space<hbm>>
          %dma_wait3A_170 = arith.constant 0 : i32
          %dma_wait3A_171 = arith.constant 0 : i32
          %dma_wait3A_172 = tpu.memref_slice %arg6[%dma_wait3A_170, %dma_wait3A_171] : memref<25600x1024xf32, #tpu.memory_space<hbm>> -> memref<16x1024xf32, #tpu.memory_space<hbm>>
          %dma_wait3A_173 = arith.constant 0 : i32
          %dma_wait3A_174 = arith.constant 0 : i32
          %dma_wait3A_175 = tpu.memref_slice %arg13[%rem3A_162, %dma_wait3A_173, %dma_wait3A_174] : memref<2x16x1024xf32, #tpu.memory_space<vmem>> -> memref<1x16x1024xf32, #tpu.memory_space<vmem>>
          %dma_wait3A_176 = tpu.memref_squeeze %dma_wait3A_175 : memref<1x16x1024xf32, #tpu.memory_space<vmem>> -> memref<16x1024xf32, #tpu.memory_space<vmem>>
          tpu.wait_dma2 semaphore(%arg16 : memref<!tpu.dma_semaphore, #tpu.memory_space<semaphore_mem>>) src(%dma_wait3A_176 : memref<16x1024xf32, #tpu.memory_space<vmem>>) dst(%dma_wait3A_172 : memref<16x1024xf32, #tpu.memory_space<hbm>>)
        } else {
        }
        %add3A_115 = arith.constant 1 : i32
        %add3A_116 = arith.addi %while3A_108, %add3A_115 : i32
        %lt3A_117 = arith.cmpi slt, %add3A_116, %div3A_86 : i32
        %convert_element_type3A_118 = arith.extui %lt3A_117 : i1 to i32
        %cond3A_119 = arith.constant 0 : i32
        %cond3A_120 = arith.cmpi ne, %convert_element_type3A_118, %cond3A_119 : i32
        scf.if %cond3A_120 {
          %add3A_159 = arith.constant 1 : i32
          %add3A_160 = arith.addi %while3A_108, %add3A_159 : i32
          %mul3A_161 = arith.constant 16 : i32
          %mul3A_162 = arith.muli %add3A_160, %mul3A_161 : i32
          %add3A_163 = vector.broadcast %mul3A_162 : i32 to vector<16xi32>
          %add3A_164 = arith.addi %iota3A, %add3A_163 : vector<16xi32>
          %sub3A_165 = arith.constant 1 : i32
          %sub3A_166 = arith.subi %while3A_46, %sub3A_165 : i32
          %min3A_167 = vector.broadcast %sub3A_166 : i32 to vector<16xi32>
          %min3A_168 = arith.minsi %add3A_164, %min3A_167 : vector<16xi32>
          %gather3A = tpu.vector_load_idx %arg12[%min3A_168] : memref<272xi32, #tpu.memory_space<vmem>>[vector<16xi32>], vector<16xi32>,
          %rem3A_169 = arith.constant 2 : i32
          %rem3A_170 = arith.remsi %add3A_160, %rem3A_169 : i32
          %dma_start3A_171 = arith.constant 0 : i32
          %dma_start3A_172 = arith.constant 0 : i32
          %dma_start3A_173 = tpu.memref_slice %arg13[%rem3A_170, %dma_start3A_171, %dma_start3A_172] : memref<2x16x1024xf32, #tpu.memory_space<vmem>> -> memref<1x16x1024xf32, #tpu.memory_space<vmem>>
          %dma_start3A_174 = tpu.memref_squeeze %dma_start3A_173 : memref<1x16x1024xf32, #tpu.memory_space<vmem>> -> memref<16x1024xf32, #tpu.memory_space<vmem>>
          %dma_start3A_175 = arith.constant 0 : i32
          %dma_start3A_176 = arith.constant 0 : i32
          %dma_start3A_177 = tpu.memref_slice %arg5[%dma_start3A_175, %dma_start3A_176] : memref<4096x1024xf32, #tpu.memory_space<hbm>> -> memref<4096x1024xf32, #tpu.memory_space<hbm>>
          tpu.enqueue_indirect_dma source(%dma_start3A_177 : memref<4096x1024xf32, #tpu.memory_space<hbm>>) target(%dma_start3A_174 : memref<16x1024xf32, #tpu.memory_space<vmem>>) offsets(%gather3A : vector<16xi32>) semaphore(%arg15 : memref<!tpu.dma_semaphore, #tpu.memory_space<semaphore_mem>>)
        } else {
        }
        %rem3A_121 = arith.constant 2 : i32
        %rem3A_122 = arith.remsi %while3A_108, %rem3A_121 : i32
        %dma_wait3A = arith.constant 0 : i32
        %dma_wait3A_123 = arith.constant 0 : i32
        %dma_wait3A_124 = tpu.memref_slice %arg13[%rem3A_122, %dma_wait3A, %dma_wait3A_123] : memref<2x16x1024xf32, #tpu.memory_space<vmem>> -> memref<1x16x1024xf32, #tpu.memory_space<vmem>>
        %dma_wait3A_125 = tpu.memref_squeeze %dma_wait3A_124 : memref<1x16x1024xf32, #tpu.memory_space<vmem>> -> memref<16x1024xf32, #tpu.memory_space<vmem>>
        %dma_wait3A_126 = arith.constant 0 : i32
        %dma_wait3A_127 = arith.constant 0 : i32
        %dma_wait3A_128 = tpu.memref_slice %arg5[%dma_wait3A_126, %dma_wait3A_127] : memref<4096x1024xf32, #tpu.memory_space<hbm>> -> memref<16x1024xf32, #tpu.memory_space<hbm>>
        %dma_wait3A_129 = arith.constant 0 : i32
        %dma_wait3A_130 = arith.constant 0 : i32
        %dma_wait3A_131 = tpu.memref_slice %arg13[%rem3A_122, %dma_wait3A_129, %dma_wait3A_130] : memref<2x16x1024xf32, #tpu.memory_space<vmem>> -> memref<1x16x1024xf32, #tpu.memory_space<vmem>>
        %dma_wait3A_132 = tpu.memref_squeeze %dma_wait3A_131 : memref<1x16x1024xf32, #tpu.memory_space<vmem>> -> memref<16x1024xf32, #tpu.memory_space<vmem>>
        %dma_wait3A_133 = arith.constant 0 : i32
        %dma_wait3A_134 = arith.constant 0 : i32
        %dma_wait3A_135 = tpu.memref_slice %arg5[%dma_wait3A_133, %dma_wait3A_134] : memref<4096x1024xf32, #tpu.memory_space<hbm>> -> memref<16x1024xf32, #tpu.memory_space<hbm>>
        tpu.wait_dma2 semaphore(%arg15 : memref<!tpu.dma_semaphore, #tpu.memory_space<semaphore_mem>>) src(%dma_wait3A_135 : memref<16x1024xf32, #tpu.memory_space<hbm>>) dst(%dma_wait3A_132 : memref<16x1024xf32, #tpu.memory_space<vmem>>)
        %mul3A_136 = arith.constant 16 : i32
        %mul3A_137 = arith.muli %while3A_108, %mul3A_136 : i32
        %add3A_138 = vector.broadcast %mul3A_137 : i32 to vector<16xi32>
        %add3A_139 = arith.addi %iota3A, %add3A_138 : vector<16xi32>
        %sub3A_140 = arith.constant 1 : i32
        %sub3A_141 = arith.subi %while3A_46, %sub3A_140 : i32
        %min3A = vector.broadcast %sub3A_141 : i32 to vector<16xi32>
        %min3A_142 = arith.minsi %add3A_139, %min3A : vector<16xi32>
        %mul3A_143 = arith.constant 256 : i32
        %mul3A_144 = arith.muli %add3A_23, %mul3A_143 : i32
        %add3A_145 = vector.broadcast %reduce_sum3A_75 : i32 to vector<16xi32>
        %add3A_146 = arith.addi %add3A_145, %min3A_142 : vector<16xi32>
        %rem3A_147 = arith.constant 256 : i32
        %rem3A_148 = vector.broadcast %rem3A_147 : i32 to vector<16xi32>
        %rem3A_149 = arith.remsi %add3A_146, %rem3A_148 : vector<16xi32>
        %add3A_150 = vector.broadcast %mul3A_144 : i32 to vector<16xi32>
        %add3A_151 = arith.addi %add3A_150, %rem3A_149 : vector<16xi32>
        %dma_start3A = arith.constant 0 : i32
        %dma_start3A_152 = arith.constant 0 : i32
        %dma_start3A_153 = tpu.memref_slice %arg13[%rem3A_122, %dma_start3A, %dma_start3A_152] : memref<2x16x1024xf32, #tpu.memory_space<vmem>> -> memref<1x16x1024xf32, #tpu.memory_space<vmem>>
        %dma_start3A_154 = tpu.memref_squeeze %dma_start3A_153 : memref<1x16x1024xf32, #tpu.memory_space<vmem>> -> memref<16x1024xf32, #tpu.memory_space<vmem>>
        %dma_start3A_155 = arith.constant 0 : i32
        %dma_start3A_156 = arith.constant 0 : i32
        %dma_start3A_157 = tpu.memref_slice %arg6[%dma_start3A_155, %dma_start3A_156] : memref<25600x1024xf32, #tpu.memory_space<hbm>> -> memref<25600x1024xf32, #tpu.memory_space<hbm>>
        tpu.enqueue_indirect_dma source(%dma_start3A_154 : memref<16x1024xf32, #tpu.memory_space<vmem>>) target(%dma_start3A_157 : memref<25600x1024xf32, #tpu.memory_space<hbm>>) offsets(%add3A_151 : vector<16xi32>) semaphore(%arg16 : memref<!tpu.dma_semaphore, #tpu.memory_space<semaphore_mem>>)
        %while3A_158 = arith.constant 0 : i32
        scf.yield %while3A_158 : i32
      }
      %while3A_101 = arith.constant 1 : i32
      %while3A_102 = scf.for %while3A_108 = %while3A_98 to %while3A_94 step %while3A_101 iter_args(%while3A_109 = %while3A_100) -> (i32)  : i32 {
        %gt3A_110 = arith.constant 0 : i32
        %gt3A_111 = arith.cmpi sgt, %while3A_108, %gt3A_110 : i32
        %convert_element_type3A_112 = arith.extui %gt3A_111 : i1 to i32
        %cond3A_113 = arith.constant 0 : i32
        %cond3A_114 = arith.cmpi ne, %convert_element_type3A_112, %cond3A_113 : i32
        scf.if %cond3A_114 {
          %sub3A_159 = arith.constant 1 : i32
          %sub3A_160 = arith.subi %while3A_108, %sub3A_159 : i32
          %rem3A_161 = arith.constant 2 : i32
          %rem3A_162 = arith.remsi %sub3A_160, %rem3A_161 : i32
          %dma_wait3A_163 = arith.constant 0 : i32
          %dma_wait3A_164 = arith.constant 0 : i32
          %dma_wait3A_165 = tpu.memref_slice %arg13[%rem3A_162, %dma_wait3A_163, %dma_wait3A_164] : memref<2x16x1024xf32, #tpu.memory_space<vmem>> -> memref<1x16x1024xf32, #tpu.memory_space<vmem>>
          %dma_wait3A_166 = tpu.memref_squeeze %dma_wait3A_165 : memref<1x16x1024xf32, #tpu.memory_space<vmem>> -> memref<16x1024xf32, #tpu.memory_space<vmem>>
          %dma_wait3A_167 = arith.constant 0 : i32
          %dma_wait3A_168 = arith.constant 0 : i32
          %dma_wait3A_169 = tpu.memref_slice %arg6[%dma_wait3A_167, %dma_wait3A_168] : memref<25600x1024xf32, #tpu.memory_space<hbm>> -> memref<16x1024xf32, #tpu.memory_space<hbm>>
          %dma_wait3A_170 = arith.constant 0 : i32
          %dma_wait3A_171 = arith.constant 0 : i32
          %dma_wait3A_172 = tpu.memref_slice %arg6[%dma_wait3A_170, %dma_wait3A_171] : memref<25600x1024xf32, #tpu.memory_space<hbm>> -> memref<16x1024xf32, #tpu.memory_space<hbm>>
          %dma_wait3A_173 = arith.constant 0 : i32
          %dma_wait3A_174 = arith.constant 0 : i32
          %dma_wait3A_175 = tpu.memref_slice %arg13[%rem3A_162, %dma_wait3A_173, %dma_wait3A_174] : memref<2x16x1024xf32, #tpu.memory_space<vmem>> -> memref<1x16x1024xf32, #tpu.memory_space<vmem>>
          %dma_wait3A_176 = tpu.memref_squeeze %dma_wait3A_175 : memref<1x16x1024xf32, #tpu.memory_space<vmem>> -> memref<16x1024xf32, #tpu.memory_space<vmem>>
          tpu.wait_dma2 semaphore(%arg16 : memref<!tpu.dma_semaphore, #tpu.memory_space<semaphore_mem>>) src(%dma_wait3A_176 : memref<16x1024xf32, #tpu.memory_space<vmem>>) dst(%dma_wait3A_172 : memref<16x1024xf32, #tpu.memory_space<hbm>>)
        } else {
        }
        %add3A_115 = arith.constant 1 : i32
        %add3A_116 = arith.addi %while3A_108, %add3A_115 : i32
        %lt3A_117 = arith.cmpi slt, %add3A_116, %div3A_86 : i32
        %convert_element_type3A_118 = arith.extui %lt3A_117 : i1 to i32
        %cond3A_119 = arith.constant 0 : i32
        %cond3A_120 = arith.cmpi ne, %convert_element_type3A_118, %cond3A_119 : i32
        scf.if %cond3A_120 {
          %add3A_159 = arith.constant 1 : i32
          %add3A_160 = arith.addi %while3A_108, %add3A_159 : i32
          %mul3A_161 = arith.constant 16 : i32
          %mul3A_162 = arith.muli %add3A_160, %mul3A_161 : i32
          %add3A_163 = vector.broadcast %mul3A_162 : i32 to vector<16xi32>
          %add3A_164 = arith.addi %iota3A, %add3A_163 : vector<16xi32>
          %sub3A_165 = arith.constant 1 : i32
          %sub3A_166 = arith.subi %while3A_46, %sub3A_165 : i32
          %min3A_167 = vector.broadcast %sub3A_166 : i32 to vector<16xi32>
          %min3A_168 = arith.minsi %add3A_164, %min3A_167 : vector<16xi32>
          %gather3A = tpu.vector_load_idx %arg12[%min3A_168] : memref<272xi32, #tpu.memory_space<vmem>>[vector<16xi32>], vector<16xi32>,
          %rem3A_169 = arith.constant 2 : i32
          %rem3A_170 = arith.remsi %add3A_160, %rem3A_169 : i32
          %dma_start3A_171 = arith.constant 0 : i32
          %dma_start3A_172 = arith.constant 0 : i32
          %dma_start3A_173 = tpu.memref_slice %arg13[%rem3A_170, %dma_start3A_171, %dma_start3A_172] : memref<2x16x1024xf32, #tpu.memory_space<vmem>> -> memref<1x16x1024xf32, #tpu.memory_space<vmem>>
          %dma_start3A_174 = tpu.memref_squeeze %dma_start3A_173 : memref<1x16x1024xf32, #tpu.memory_space<vmem>> -> memref<16x1024xf32, #tpu.memory_space<vmem>>
          %dma_start3A_175 = arith.constant 0 : i32
          %dma_start3A_176 = arith.constant 0 : i32
          %dma_start3A_177 = tpu.memref_slice %arg5[%dma_start3A_175, %dma_start3A_176] : memref<4096x1024xf32, #tpu.memory_space<hbm>> -> memref<4096x1024xf32, #tpu.memory_space<hbm>>
          tpu.enqueue_indirect_dma source(%dma_start3A_177 : memref<4096x1024xf32, #tpu.memory_space<hbm>>) target(%dma_start3A_174 : memref<16x1024xf32, #tpu.memory_space<vmem>>) offsets(%gather3A : vector<16xi32>) semaphore(%arg15 : memref<!tpu.dma_semaphore, #tpu.memory_space<semaphore_mem>>)
        } else {
        }
        %rem3A_121 = arith.constant 2 : i32
        %rem3A_122 = arith.remsi %while3A_108, %rem3A_121 : i32
        %dma_wait3A = arith.constant 0 : i32
        %dma_wait3A_123 = arith.constant 0 : i32
        %dma_wait3A_124 = tpu.memref_slice %arg13[%rem3A_122, %dma_wait3A, %dma_wait3A_123] : memref<2x16x1024xf32, #tpu.memory_space<vmem>> -> memref<1x16x1024xf32, #tpu.memory_space<vmem>>
        %dma_wait3A_125 = tpu.memref_squeeze %dma_wait3A_124 : memref<1x16x1024xf32, #tpu.memory_space<vmem>> -> memref<16x1024xf32, #tpu.memory_space<vmem>>
        %dma_wait3A_126 = arith.constant 0 : i32
        %dma_wait3A_127 = arith.constant 0 : i32
        %dma_wait3A_128 = tpu.memref_slice %arg5[%dma_wait3A_126, %dma_wait3A_127] : memref<4096x1024xf32, #tpu.memory_space<hbm>> -> memref<16x1024xf32, #tpu.memory_space<hbm>>
        %dma_wait3A_129 = arith.constant 0 : i32
        %dma_wait3A_130 = arith.constant 0 : i32
        %dma_wait3A_131 = tpu.memref_slice %arg13[%rem3A_122, %dma_wait3A_129, %dma_wait3A_130] : memref<2x16x1024xf32, #tpu.memory_space<vmem>> -> memref<1x16x1024xf32, #tpu.memory_space<vmem>>
        %dma_wait3A_132 = tpu.memref_squeeze %dma_wait3A_131 : memref<1x16x1024xf32, #tpu.memory_space<vmem>> -> memref<16x1024xf32, #tpu.memory_space<vmem>>
        %dma_wait3A_133 = arith.constant 0 : i32
        %dma_wait3A_134 = arith.constant 0 : i32
        %dma_wait3A_135 = tpu.memref_slice %arg5[%dma_wait3A_133, %dma_wait3A_134] : memref<4096x1024xf32, #tpu.memory_space<hbm>> -> memref<16x1024xf32, #tpu.memory_space<hbm>>
        tpu.wait_dma2 semaphore(%arg15 : memref<!tpu.dma_semaphore, #tpu.memory_space<semaphore_mem>>) src(%dma_wait3A_135 : memref<16x1024xf32, #tpu.memory_space<hbm>>) dst(%dma_wait3A_132 : memref<16x1024xf32, #tpu.memory_space<vmem>>)
        %mul3A_136 = arith.constant 16 : i32
        %mul3A_137 = arith.muli %while3A_108, %mul3A_136 : i32
        %add3A_138 = vector.broadcast %mul3A_137 : i32 to vector<16xi32>
        %add3A_139 = arith.addi %iota3A, %add3A_138 : vector<16xi32>
        %sub3A_140 = arith.constant 1 : i32
        %sub3A_141 = arith.subi %while3A_46, %sub3A_140 : i32
        %min3A = vector.broadcast %sub3A_141 : i32 to vector<16xi32>
        %min3A_142 = arith.minsi %add3A_139, %min3A : vector<16xi32>
        %mul3A_143 = arith.constant 256 : i32
        %mul3A_144 = arith.muli %add3A_23, %mul3A_143 : i32
        %add3A_145 = vector.broadcast %reduce_sum3A_75 : i32 to vector<16xi32>
        %add3A_146 = arith.addi %add3A_145, %min3A_142 : vector<16xi32>
        %rem3A_147 = arith.constant 256 : i32
        %rem3A_148 = vector.broadcast %rem3A_147 : i32 to vector<16xi32>
        %rem3A_149 = arith.remsi %add3A_146, %rem3A_148 : vector<16xi32>
        %add3A_150 = vector.broadcast %mul3A_144 : i32 to vector<16xi32>
        %add3A_151 = arith.addi %add3A_150, %rem3A_149 : vector<16xi32>
        %dma_start3A = arith.constant 0 : i32
        %dma_start3A_152 = arith.constant 0 : i32
        %dma_start3A_153 = tpu.memref_slice %arg13[%rem3A_122, %dma_start3A, %dma_start3A_152] : memref<2x16x1024xf32, #tpu.memory_space<vmem>> -> memref<1x16x1024xf32, #tpu.memory_space<vmem>>
        %dma_start3A_154 = tpu.memref_squeeze %dma_start3A_153 : memref<1x16x1024xf32, #tpu.memory_space<vmem>> -> memref<16x1024xf32, #tpu.memory_space<vmem>>
        %dma_start3A_155 = arith.constant 0 : i32
        %dma_start3A_156 = arith.constant 0 : i32
        %dma_start3A_157 = tpu.memref_slice %arg6[%dma_start3A_155, %dma_start3A_156] : memref<25600x1024xf32, #tpu.memory_space<hbm>> -> memref<25600x1024xf32, #tpu.memory_space<hbm>>
        tpu.enqueue_indirect_dma source(%dma_start3A_154 : memref<16x1024xf32, #tpu.memory_space<vmem>>) target(%dma_start3A_157 : memref<25600x1024xf32, #tpu.memory_space<hbm>>) offsets(%add3A_151 : vector<16xi32>) semaphore(%arg16 : memref<!tpu.dma_semaphore, #tpu.memory_space<semaphore_mem>>)
        %while3A_158 = arith.constant 0 : i32
        scf.yield %while3A_158 : i32
      }
      %gt3A_103 = arith.constant 0 : i32
      %gt3A_104 = arith.cmpi sgt, %div3A_86, %gt3A_103 : i32
      %convert_element_type3A_105 = arith.extui %gt3A_104 : i1 to i32
      %cond3A_106 = arith.constant 0 : i32
      %cond3A_107 = arith.cmpi ne, %convert_element_type3A_105, %cond3A_106 : i32
      scf.if %cond3A_107 {
        %sub3A_108 = arith.constant 1 : i32
        %sub3A_109 = arith.subi %div3A_86, %sub3A_108 : i32
        %rem3A_110 = arith.constant 2 : i32
        %rem3A_111 = arith.remsi %sub3A_109, %rem3A_110 : i32
        %dma_wait3A = arith.constant 0 : i32
        %dma_wait3A_112 = arith.constant 0 : i32
        %dma_wait3A_113 = tpu.memref_slice %arg13[%rem3A_111, %dma_wait3A, %dma_wait3A_112] : memref<2x16x1024xf32, #tpu.memory_space<vmem>> -> memref<1x16x1024xf32, #tpu.memory_space<vmem>>
        %dma_wait3A_114 = tpu.memref_squeeze %dma_wait3A_113 : memref<1x16x1024xf32, #tpu.memory_space<vmem>> -> memref<16x1024xf32, #tpu.memory_space<vmem>>
        %dma_wait3A_115 = arith.constant 0 : i32
        %dma_wait3A_116 = arith.constant 0 : i32
        %dma_wait3A_117 = tpu.memref_slice %arg6[%dma_wait3A_115, %dma_wait3A_116] : memref<25600x1024xf32, #tpu.memory_space<hbm>> -> memref<16x1024xf32, #tpu.memory_space<hbm>>
        %dma_wait3A_118 = arith.constant 0 : i32
        %dma_wait3A_119 = arith.constant 0 : i32
        %dma_wait3A_120 = tpu.memref_slice %arg6[%dma_wait3A_118, %dma_wait3A_119] : memref<25600x1024xf32, #tpu.memory_space<hbm>> -> memref<16x1024xf32, #tpu.memory_space<hbm>>
        %dma_wait3A_121 = arith.constant 0 : i32
        %dma_wait3A_122 = arith.constant 0 : i32
        %dma_wait3A_123 = tpu.memref_slice %arg13[%rem3A_111, %dma_wait3A_121, %dma_wait3A_122] : memref<2x16x1024xf32, #tpu.memory_space<vmem>> -> memref<1x16x1024xf32, #tpu.memory_space<vmem>>
        %dma_wait3A_124 = tpu.memref_squeeze %dma_wait3A_123 : memref<1x16x1024xf32, #tpu.memory_space<vmem>> -> memref<16x1024xf32, #tpu.memory_space<vmem>>
        tpu.wait_dma2 semaphore(%arg16 : memref<!tpu.dma_semaphore, #tpu.memory_space<semaphore_mem>>) src(%dma_wait3A_124 : memref<16x1024xf32, #tpu.memory_space<vmem>>) dst(%dma_wait3A_120 : memref<16x1024xf32, #tpu.memory_space<hbm>>)
      } else {
      }
    } else {
    }
    %add3A_29 = arith.constant 96 : i32
    %add3A_30 = arith.addi %add3A, %add3A_29 : i32
    %lt3A_31 = arith.constant 100 : i32
    %lt3A_32 = arith.cmpi slt, %add3A_30, %lt3A_31 : i32
    %convert_element_type3A_33 = arith.extui %lt3A_32 : i1 to i32
    %cond3A_34 = arith.constant 0 : i32
    %cond3A_35 = arith.cmpi ne, %convert_element_type3A_33, %cond3A_34 : i32
    scf.if %cond3A_35 {
      %while3A = arith.constant 0 : i32
      %while3A_36 = arith.constant 0 : i32
      %while3A_37 = arith.subi %div3A_10, %while3A : i32
      %while3A_38 = arith.addi %while3A, %while3A_37 : i32
      %while3A_39 = arith.constant 1 : i32
      %while3A_40 = arith.divsi %while3A_37, %while3A_39 : i32
      %while3A_41 = arith.muli %while3A_40, %while3A_39 : i32
      %while3A_42 = arith.addi %while3A, %while3A_41 : i32
      %while3A_43 = arith.constant 1 : i32
      %while3A_44 = scf.for %while3A_108 = %while3A to %while3A_42 step %while3A_43 iter_args(%while3A_109 = %while3A_36) -> (i32)  : i32 {
        %mul3A_110 = arith.constant 16 : i32
        %mul3A_111 = arith.muli %while3A_108, %mul3A_110 : i32
        %get3A_112 = arith.index_cast %mul3A_111 : i32 to index
        %get3A_113 = tpu.vector_load %arg11[%get3A_112] {strides = array<i32>} : memref<4112xi32, #tpu.memory_space<vmem>>, vector<16xi32>,
        %mul3A_114 = arith.constant 16 : i32
        %mul3A_115 = arith.muli %while3A_108, %mul3A_114 : i32
        %get3A_116 = arith.index_cast %mul3A_115 : i32 to index
        %get3A_117 = tpu.vector_load %arg10[%get3A_116] {strides = array<i32>} : memref<4112xi32, #tpu.memory_space<vmem>>, vector<16xi32>,
        %eq3A_118 = vector.broadcast %add3A_30 : i32 to vector<16xi32>
        %eq3A_119 = arith.cmpi eq, %get3A_113, %eq3A_118 : vector<16xi32>
        %mul3A_120 = arith.constant 16 : i32
        %mul3A_121 = arith.muli %while3A_108, %mul3A_120 : i32
        %add3A_122 = vector.broadcast %mul3A_121 : i32 to vector<16xi32>
        %add3A_123 = arith.addi %iota3A, %add3A_122 : vector<16xi32>
        %lt3A_124 = vector.broadcast %scan3A_5 : i32 to vector<16xi32>
        %lt3A_125 = arith.cmpi slt, %add3A_123, %lt3A_124 : vector<16xi32>
        %and3A_126 = arith.andi %eq3A_119, %lt3A_125 : vector<16xi1>
        %convert_element_type3A_127 = arith.extui %and3A_126 : vector<16xi1> to vector<16xi32>
        %broadcast_in_dim3A_128 = arith.constant true
        %broadcast_in_dim3A_129 = vector.broadcast %broadcast_in_dim3A_128 : i1 to vector<16xi1>
        %masked_cumsum3A = tpu.scan <sum>, %convert_element_type3A_127 masked %broadcast_in_dim3A_129 : vector<16xi32>, vector<16xi1> -> vector<16xi32>
        %add3A_130 = vector.broadcast %while3A_109 : i32 to vector<16xi32>
        %add3A_131 = arith.addi %add3A_130, %masked_cumsum3A : vector<16xi32>
        %sub3A_132 = arith.constant 1 : i32
        %sub3A_133 = vector.broadcast %sub3A_132 : i32 to vector<16xi32>
        %sub3A_134 = arith.subi %add3A_131, %sub3A_133 : vector<16xi32>
        tpu.vector_store_idx %arg12[%sub3A_134], %get3A_117 masked %and3A_126 : memref<272xi32, #tpu.memory_space<vmem>>[vector<16xi32>], vector<16xi32>, vector<16xi1>
        %reduce_max3A = arith.constant true
        %reduce_max3A_135 = vector.broadcast %reduce_max3A : i1 to vector<16xi1>
        %reduce_max3A_136 = arith.constant -2147483648 : i32
        %reduce_max3A_137 = vector.broadcast %reduce_max3A_136 : i32 to vector<16xi32>
        %reduce_max3A_138 = arith.xori %masked_cumsum3A, %reduce_max3A_137 : vector<16xi32>
        %reduce_max3A_139 = tpu.scan <max>, %reduce_max3A_138 masked %reduce_max3A_135 : vector<16xi32>, vector<16xi1> -> vector<16xi32>
        %reduce_max3A_140 = arith.xori %reduce_max3A_139, %reduce_max3A_137 : vector<16xi32>
        %reduce_max3A_141 = vector.extract %reduce_max3A_140[15] : i32 from vector<16xi32>
        %add3A_142 = arith.addi %while3A_109, %reduce_max3A_141 : i32
        scf.yield %add3A_142 : i32
      }
      %while3A_45 = arith.constant 1 : i32
      %while3A_46 = scf.for %while3A_108 = %while3A_42 to %while3A_38 step %while3A_45 iter_args(%while3A_109 = %while3A_44) -> (i32)  : i32 {
        %mul3A_110 = arith.constant 16 : i32
        %mul3A_111 = arith.muli %while3A_108, %mul3A_110 : i32
        %get3A_112 = arith.index_cast %mul3A_111 : i32 to index
        %get3A_113 = tpu.vector_load %arg11[%get3A_112] {strides = array<i32>} : memref<4112xi32, #tpu.memory_space<vmem>>, vector<16xi32>,
        %mul3A_114 = arith.constant 16 : i32
        %mul3A_115 = arith.muli %while3A_108, %mul3A_114 : i32
        %get3A_116 = arith.index_cast %mul3A_115 : i32 to index
        %get3A_117 = tpu.vector_load %arg10[%get3A_116] {strides = array<i32>} : memref<4112xi32, #tpu.memory_space<vmem>>, vector<16xi32>,
        %eq3A_118 = vector.broadcast %add3A_30 : i32 to vector<16xi32>
        %eq3A_119 = arith.cmpi eq, %get3A_113, %eq3A_118 : vector<16xi32>
        %mul3A_120 = arith.constant 16 : i32
        %mul3A_121 = arith.muli %while3A_108, %mul3A_120 : i32
        %add3A_122 = vector.broadcast %mul3A_121 : i32 to vector<16xi32>
        %add3A_123 = arith.addi %iota3A, %add3A_122 : vector<16xi32>
        %lt3A_124 = vector.broadcast %scan3A_5 : i32 to vector<16xi32>
        %lt3A_125 = arith.cmpi slt, %add3A_123, %lt3A_124 : vector<16xi32>
        %and3A_126 = arith.andi %eq3A_119, %lt3A_125 : vector<16xi1>
        %convert_element_type3A_127 = arith.extui %and3A_126 : vector<16xi1> to vector<16xi32>
        %broadcast_in_dim3A_128 = arith.constant true
        %broadcast_in_dim3A_129 = vector.broadcast %broadcast_in_dim3A_128 : i1 to vector<16xi1>
        %masked_cumsum3A = tpu.scan <sum>, %convert_element_type3A_127 masked %broadcast_in_dim3A_129 : vector<16xi32>, vector<16xi1> -> vector<16xi32>
        %add3A_130 = vector.broadcast %while3A_109 : i32 to vector<16xi32>
        %add3A_131 = arith.addi %add3A_130, %masked_cumsum3A : vector<16xi32>
        %sub3A_132 = arith.constant 1 : i32
        %sub3A_133 = vector.broadcast %sub3A_132 : i32 to vector<16xi32>
        %sub3A_134 = arith.subi %add3A_131, %sub3A_133 : vector<16xi32>
        tpu.vector_store_idx %arg12[%sub3A_134], %get3A_117 masked %and3A_126 : memref<272xi32, #tpu.memory_space<vmem>>[vector<16xi32>], vector<16xi32>, vector<16xi1>
        %reduce_max3A = arith.constant true
        %reduce_max3A_135 = vector.broadcast %reduce_max3A : i1 to vector<16xi1>
        %reduce_max3A_136 = arith.constant -2147483648 : i32
        %reduce_max3A_137 = vector.broadcast %reduce_max3A_136 : i32 to vector<16xi32>
        %reduce_max3A_138 = arith.xori %masked_cumsum3A, %reduce_max3A_137 : vector<16xi32>
        %reduce_max3A_139 = tpu.scan <max>, %reduce_max3A_138 masked %reduce_max3A_135 : vector<16xi32>, vector<16xi1> -> vector<16xi32>
        %reduce_max3A_140 = arith.xori %reduce_max3A_139, %reduce_max3A_137 : vector<16xi32>
        %reduce_max3A_141 = vector.extract %reduce_max3A_140[15] : i32 from vector<16xi32>
        %add3A_142 = arith.addi %while3A_109, %reduce_max3A_141 : i32
        scf.yield %add3A_142 : i32
      }
      %jit3A = arith.constant 16 : i32
      %div3A_47 = arith.divsi %add3A_30, %jit3A : i32
      %sign3A = arith.constant 0 : i32
      %sign3A_48 = arith.cmpi sgt, %add3A_30, %sign3A : i32
      %sign3A_49 = arith.extui %sign3A_48 : i1 to i32
      %sign3A_50 = arith.constant 0 : i32
      %sign3A_51 = arith.cmpi slt, %add3A_30, %sign3A_50 : i32
      %sign3A_52 = arith.extui %sign3A_51 : i1 to i32
      %sign3A_53 = arith.subi %sign3A_49, %sign3A_52 : i32
      %sign3A_54 = arith.constant 0 : i32
      %sign3A_55 = arith.cmpi sgt, %jit3A, %sign3A_54 : i32
      %sign3A_56 = arith.extui %sign3A_55 : i1 to i32
      %sign3A_57 = arith.constant 0 : i32
      %sign3A_58 = arith.cmpi slt, %jit3A, %sign3A_57 : i32
      %sign3A_59 = arith.extui %sign3A_58 : i1 to i32
      %sign3A_60 = arith.subi %sign3A_56, %sign3A_59 : i32
      %ne3A = arith.cmpi ne, %sign3A_53, %sign3A_60 : i32
      %rem3A = arith.remsi %add3A_30, %jit3A : i32
      %ne3A_61 = arith.constant 0 : i32
      %ne3A_62 = arith.cmpi ne, %rem3A, %ne3A_61 : i32
      %and3A = arith.andi %ne3A, %ne3A_62 : i1
      %sub3A_63 = arith.constant 1 : i32
      %sub3A_64 = arith.subi %div3A_47, %sub3A_63 : i32
      %select_n3A = arith.select %and3A, %sub3A_64, %div3A_47 : i32
      %mul3A_65 = arith.constant 16 : i32
      %mul3A_66 = arith.muli %select_n3A, %mul3A_65 : i32
      %get3A = arith.index_cast %mul3A_66 : i32 to index
      %get3A_67 = tpu.vector_load %arg9[%get3A] {strides = array<i32>} : memref<128xi32, #tpu.memory_space<vmem>>, vector<16xi32>,
      %rem3A_68 = arith.constant 16 : i32
      %rem3A_69 = arith.remsi %add3A_30, %rem3A_68 : i32
      %eq3A = vector.broadcast %rem3A_69 : i32 to vector<16xi32>
      %eq3A_70 = arith.cmpi eq, %iota3A, %eq3A : vector<16xi32>
      %jit3A_71 = arith.constant 0 : i32
      %broadcast_in_dim3A = vector.broadcast %jit3A_71 : i32 to vector<16xi32>
      %select_n3A_72 = arith.select %eq3A_70, %get3A_67, %broadcast_in_dim3A : vector<16xi1>, vector<16xi32>
      %reduce_sum3A = arith.constant true
      %reduce_sum3A_73 = vector.broadcast %reduce_sum3A : i1 to vector<16xi1>
      %reduce_sum3A_74 = tpu.scan <sum>, %select_n3A_72 masked %reduce_sum3A_73 : vector<16xi32>, vector<16xi1> -> vector<16xi32>
      %reduce_sum3A_75 = vector.extract %reduce_sum3A_74[15] : i32 from vector<16xi32>
      %add3A_76 = arith.addi %reduce_sum3A_75, %while3A_46 : i32
      %rem3A_77 = arith.constant 256 : i32
      %rem3A_78 = arith.remsi %add3A_76, %rem3A_77 : i32
      %broadcast_in_dim3A_79 = vector.broadcast %rem3A_78 : i32 to vector<16xi32>
      %swap3A = arith.constant 0 : index
      %swap3A_80 = tpu.vector_load %arg14[%swap3A] {strides = array<i32>} : memref<16xi32, #tpu.memory_space<vmem>>, vector<16xi32>,
      tpu.vector_store %arg14[%swap3A], %broadcast_in_dim3A_79 {strides = array<i32>} : memref<16xi32, #tpu.memory_space<vmem>>, vector<16xi32>,
      "tpu.region"() ({
        %run_scoped3A = tpu.sem_alloc : memref<!tpu.dma_semaphore, #tpu.memory_space<semaphore_mem>>
        %dma_start3A = arith.constant 0 : i32
        %dma_start3A_108 = tpu.memref_slice %arg7[%add3A_30, %dma_start3A] : memref<128x16xi32, #tpu.memory_space<hbm>> -> memref<1x16xi32, #tpu.memory_space<hbm>>
        %dma_start3A_109 = tpu.memref_squeeze %dma_start3A_108 : memref<1x16xi32, #tpu.memory_space<hbm>> -> memref<16xi32, #tpu.memory_space<hbm>>
        %dma_start3A_110 = arith.constant 0 : i32
        %dma_start3A_111 = tpu.memref_slice %arg7[%add3A_30, %dma_start3A_110] : memref<128x16xi32, #tpu.memory_space<hbm>> -> memref<1x16xi32, #tpu.memory_space<hbm>>
        %dma_start3A_112 = tpu.memref_squeeze %dma_start3A_111 : memref<1x16xi32, #tpu.memory_space<hbm>> -> memref<16xi32, #tpu.memory_space<hbm>>
        tpu.enqueue_dma source(%arg14 : memref<16xi32, #tpu.memory_space<vmem>>) target(%dma_start3A_112 : memref<16xi32, #tpu.memory_space<hbm>>) target_semaphore(%run_scoped3A : memref<!tpu.dma_semaphore, #tpu.memory_space<semaphore_mem>>)
        %dma_wait3A = arith.constant 0 : i32
        %dma_wait3A_113 = tpu.memref_slice %arg7[%add3A_30, %dma_wait3A] : memref<128x16xi32, #tpu.memory_space<hbm>> -> memref<1x16xi32, #tpu.memory_space<hbm>>
        %dma_wait3A_114 = tpu.memref_squeeze %dma_wait3A_113 : memref<1x16xi32, #tpu.memory_space<hbm>> -> memref<16xi32, #tpu.memory_space<hbm>>
        %dma_wait3A_115 = arith.constant 0 : i32
        %dma_wait3A_116 = tpu.memref_slice %arg7[%add3A_30, %dma_wait3A_115] : memref<128x16xi32, #tpu.memory_space<hbm>> -> memref<1x16xi32, #tpu.memory_space<hbm>>
        %dma_wait3A_117 = tpu.memref_squeeze %dma_wait3A_116 : memref<1x16xi32, #tpu.memory_space<hbm>> -> memref<16xi32, #tpu.memory_space<hbm>>
        tpu.wait_dma2 semaphore(%run_scoped3A : memref<!tpu.dma_semaphore, #tpu.memory_space<semaphore_mem>>) src(%arg14 : memref<16xi32, #tpu.memory_space<vmem>>) dst(%dma_wait3A_117 : memref<16xi32, #tpu.memory_space<hbm>>)
        tpu.yield
      }) : () -> ()
      %add3A_81 = arith.constant 16 : i32
      %add3A_82 = arith.addi %while3A_46, %add3A_81 : i32
      %sub3A_83 = arith.constant 1 : i32
      %sub3A_84 = arith.subi %add3A_82, %sub3A_83 : i32
      %div3A_85 = arith.constant 16 : i32
      %div3A_86 = arith.divsi %sub3A_84, %div3A_85 : i32
      %gt3A = arith.constant 0 : i32
      %gt3A_87 = arith.cmpi sgt, %div3A_86, %gt3A : i32
      %convert_element_type3A_88 = arith.extui %gt3A_87 : i1 to i32
      %cond3A_89 = arith.constant 0 : i32
      %cond3A_90 = arith.cmpi ne, %convert_element_type3A_88, %cond3A_89 : i32
      scf.if %cond3A_90 {
        %add3A_108 = arith.constant 0 : i32
        %add3A_109 = vector.broadcast %add3A_108 : i32 to vector<16xi32>
        %add3A_110 = arith.addi %iota3A, %add3A_109 : vector<16xi32>
        %sub3A_111 = arith.constant 1 : i32
        %sub3A_112 = arith.subi %while3A_46, %sub3A_111 : i32
        %min3A = vector.broadcast %sub3A_112 : i32 to vector<16xi32>
        %min3A_113 = arith.minsi %add3A_110, %min3A : vector<16xi32>
        %gather3A = tpu.vector_load_idx %arg12[%min3A_113] : memref<272xi32, #tpu.memory_space<vmem>>[vector<16xi32>], vector<16xi32>,
        %rem3A_114 = arith.constant 0 : i32
        %rem3A_115 = arith.constant 2 : i32
        %rem3A_116 = arith.remsi %rem3A_114, %rem3A_115 : i32
        %dma_start3A = arith.constant 0 : i32
        %dma_start3A_117 = arith.constant 0 : i32
        %dma_start3A_118 = tpu.memref_slice %arg13[%rem3A_116, %dma_start3A, %dma_start3A_117] : memref<2x16x1024xf32, #tpu.memory_space<vmem>> -> memref<1x16x1024xf32, #tpu.memory_space<vmem>>
        %dma_start3A_119 = tpu.memref_squeeze %dma_start3A_118 : memref<1x16x1024xf32, #tpu.memory_space<vmem>> -> memref<16x1024xf32, #tpu.memory_space<vmem>>
        %dma_start3A_120 = arith.constant 0 : i32
        %dma_start3A_121 = arith.constant 0 : i32
        %dma_start3A_122 = tpu.memref_slice %arg5[%dma_start3A_120, %dma_start3A_121] : memref<4096x1024xf32, #tpu.memory_space<hbm>> -> memref<4096x1024xf32, #tpu.memory_space<hbm>>
        tpu.enqueue_indirect_dma source(%dma_start3A_122 : memref<4096x1024xf32, #tpu.memory_space<hbm>>) target(%dma_start3A_119 : memref<16x1024xf32, #tpu.memory_space<vmem>>) offsets(%gather3A : vector<16xi32>) semaphore(%arg15 : memref<!tpu.dma_semaphore, #tpu.memory_space<semaphore_mem>>)
      } else {
      }
      %while3A_91 = arith.constant 0 : i32
      %while3A_92 = arith.constant 0 : i32
      %while3A_93 = arith.subi %div3A_86, %while3A_91 : i32
      %while3A_94 = arith.addi %while3A_91, %while3A_93 : i32
      %while3A_95 = arith.constant 1 : i32
      %while3A_96 = arith.divsi %while3A_93, %while3A_95 : i32
      %while3A_97 = arith.muli %while3A_96, %while3A_95 : i32
      %while3A_98 = arith.addi %while3A_91, %while3A_97 : i32
      %while3A_99 = arith.constant 1 : i32
      %while3A_100 = scf.for %while3A_108 = %while3A_91 to %while3A_98 step %while3A_99 iter_args(%while3A_109 = %while3A_92) -> (i32)  : i32 {
        %gt3A_110 = arith.constant 0 : i32
        %gt3A_111 = arith.cmpi sgt, %while3A_108, %gt3A_110 : i32
        %convert_element_type3A_112 = arith.extui %gt3A_111 : i1 to i32
        %cond3A_113 = arith.constant 0 : i32
        %cond3A_114 = arith.cmpi ne, %convert_element_type3A_112, %cond3A_113 : i32
        scf.if %cond3A_114 {
          %sub3A_159 = arith.constant 1 : i32
          %sub3A_160 = arith.subi %while3A_108, %sub3A_159 : i32
          %rem3A_161 = arith.constant 2 : i32
          %rem3A_162 = arith.remsi %sub3A_160, %rem3A_161 : i32
          %dma_wait3A_163 = arith.constant 0 : i32
          %dma_wait3A_164 = arith.constant 0 : i32
          %dma_wait3A_165 = tpu.memref_slice %arg13[%rem3A_162, %dma_wait3A_163, %dma_wait3A_164] : memref<2x16x1024xf32, #tpu.memory_space<vmem>> -> memref<1x16x1024xf32, #tpu.memory_space<vmem>>
          %dma_wait3A_166 = tpu.memref_squeeze %dma_wait3A_165 : memref<1x16x1024xf32, #tpu.memory_space<vmem>> -> memref<16x1024xf32, #tpu.memory_space<vmem>>
          %dma_wait3A_167 = arith.constant 0 : i32
          %dma_wait3A_168 = arith.constant 0 : i32
          %dma_wait3A_169 = tpu.memref_slice %arg6[%dma_wait3A_167, %dma_wait3A_168] : memref<25600x1024xf32, #tpu.memory_space<hbm>> -> memref<16x1024xf32, #tpu.memory_space<hbm>>
          %dma_wait3A_170 = arith.constant 0 : i32
          %dma_wait3A_171 = arith.constant 0 : i32
          %dma_wait3A_172 = tpu.memref_slice %arg6[%dma_wait3A_170, %dma_wait3A_171] : memref<25600x1024xf32, #tpu.memory_space<hbm>> -> memref<16x1024xf32, #tpu.memory_space<hbm>>
          %dma_wait3A_173 = arith.constant 0 : i32
          %dma_wait3A_174 = arith.constant 0 : i32
          %dma_wait3A_175 = tpu.memref_slice %arg13[%rem3A_162, %dma_wait3A_173, %dma_wait3A_174] : memref<2x16x1024xf32, #tpu.memory_space<vmem>> -> memref<1x16x1024xf32, #tpu.memory_space<vmem>>
          %dma_wait3A_176 = tpu.memref_squeeze %dma_wait3A_175 : memref<1x16x1024xf32, #tpu.memory_space<vmem>> -> memref<16x1024xf32, #tpu.memory_space<vmem>>
          tpu.wait_dma2 semaphore(%arg16 : memref<!tpu.dma_semaphore, #tpu.memory_space<semaphore_mem>>) src(%dma_wait3A_176 : memref<16x1024xf32, #tpu.memory_space<vmem>>) dst(%dma_wait3A_172 : memref<16x1024xf32, #tpu.memory_space<hbm>>)
        } else {
        }
        %add3A_115 = arith.constant 1 : i32
        %add3A_116 = arith.addi %while3A_108, %add3A_115 : i32
        %lt3A_117 = arith.cmpi slt, %add3A_116, %div3A_86 : i32
        %convert_element_type3A_118 = arith.extui %lt3A_117 : i1 to i32
        %cond3A_119 = arith.constant 0 : i32
        %cond3A_120 = arith.cmpi ne, %convert_element_type3A_118, %cond3A_119 : i32
        scf.if %cond3A_120 {
          %add3A_159 = arith.constant 1 : i32
          %add3A_160 = arith.addi %while3A_108, %add3A_159 : i32
          %mul3A_161 = arith.constant 16 : i32
          %mul3A_162 = arith.muli %add3A_160, %mul3A_161 : i32
          %add3A_163 = vector.broadcast %mul3A_162 : i32 to vector<16xi32>
          %add3A_164 = arith.addi %iota3A, %add3A_163 : vector<16xi32>
          %sub3A_165 = arith.constant 1 : i32
          %sub3A_166 = arith.subi %while3A_46, %sub3A_165 : i32
          %min3A_167 = vector.broadcast %sub3A_166 : i32 to vector<16xi32>
          %min3A_168 = arith.minsi %add3A_164, %min3A_167 : vector<16xi32>
          %gather3A = tpu.vector_load_idx %arg12[%min3A_168] : memref<272xi32, #tpu.memory_space<vmem>>[vector<16xi32>], vector<16xi32>,
          %rem3A_169 = arith.constant 2 : i32
          %rem3A_170 = arith.remsi %add3A_160, %rem3A_169 : i32
          %dma_start3A_171 = arith.constant 0 : i32
          %dma_start3A_172 = arith.constant 0 : i32
          %dma_start3A_173 = tpu.memref_slice %arg13[%rem3A_170, %dma_start3A_171, %dma_start3A_172] : memref<2x16x1024xf32, #tpu.memory_space<vmem>> -> memref<1x16x1024xf32, #tpu.memory_space<vmem>>
          %dma_start3A_174 = tpu.memref_squeeze %dma_start3A_173 : memref<1x16x1024xf32, #tpu.memory_space<vmem>> -> memref<16x1024xf32, #tpu.memory_space<vmem>>
          %dma_start3A_175 = arith.constant 0 : i32
          %dma_start3A_176 = arith.constant 0 : i32
          %dma_start3A_177 = tpu.memref_slice %arg5[%dma_start3A_175, %dma_start3A_176] : memref<4096x1024xf32, #tpu.memory_space<hbm>> -> memref<4096x1024xf32, #tpu.memory_space<hbm>>
          tpu.enqueue_indirect_dma source(%dma_start3A_177 : memref<4096x1024xf32, #tpu.memory_space<hbm>>) target(%dma_start3A_174 : memref<16x1024xf32, #tpu.memory_space<vmem>>) offsets(%gather3A : vector<16xi32>) semaphore(%arg15 : memref<!tpu.dma_semaphore, #tpu.memory_space<semaphore_mem>>)
        } else {
        }
        %rem3A_121 = arith.constant 2 : i32
        %rem3A_122 = arith.remsi %while3A_108, %rem3A_121 : i32
        %dma_wait3A = arith.constant 0 : i32
        %dma_wait3A_123 = arith.constant 0 : i32
        %dma_wait3A_124 = tpu.memref_slice %arg13[%rem3A_122, %dma_wait3A, %dma_wait3A_123] : memref<2x16x1024xf32, #tpu.memory_space<vmem>> -> memref<1x16x1024xf32, #tpu.memory_space<vmem>>
        %dma_wait3A_125 = tpu.memref_squeeze %dma_wait3A_124 : memref<1x16x1024xf32, #tpu.memory_space<vmem>> -> memref<16x1024xf32, #tpu.memory_space<vmem>>
        %dma_wait3A_126 = arith.constant 0 : i32
        %dma_wait3A_127 = arith.constant 0 : i32
        %dma_wait3A_128 = tpu.memref_slice %arg5[%dma_wait3A_126, %dma_wait3A_127] : memref<4096x1024xf32, #tpu.memory_space<hbm>> -> memref<16x1024xf32, #tpu.memory_space<hbm>>
        %dma_wait3A_129 = arith.constant 0 : i32
        %dma_wait3A_130 = arith.constant 0 : i32
        %dma_wait3A_131 = tpu.memref_slice %arg13[%rem3A_122, %dma_wait3A_129, %dma_wait3A_130] : memref<2x16x1024xf32, #tpu.memory_space<vmem>> -> memref<1x16x1024xf32, #tpu.memory_space<vmem>>
        %dma_wait3A_132 = tpu.memref_squeeze %dma_wait3A_131 : memref<1x16x1024xf32, #tpu.memory_space<vmem>> -> memref<16x1024xf32, #tpu.memory_space<vmem>>
        %dma_wait3A_133 = arith.constant 0 : i32
        %dma_wait3A_134 = arith.constant 0 : i32
        %dma_wait3A_135 = tpu.memref_slice %arg5[%dma_wait3A_133, %dma_wait3A_134] : memref<4096x1024xf32, #tpu.memory_space<hbm>> -> memref<16x1024xf32, #tpu.memory_space<hbm>>
        tpu.wait_dma2 semaphore(%arg15 : memref<!tpu.dma_semaphore, #tpu.memory_space<semaphore_mem>>) src(%dma_wait3A_135 : memref<16x1024xf32, #tpu.memory_space<hbm>>) dst(%dma_wait3A_132 : memref<16x1024xf32, #tpu.memory_space<vmem>>)
        %mul3A_136 = arith.constant 16 : i32
        %mul3A_137 = arith.muli %while3A_108, %mul3A_136 : i32
        %add3A_138 = vector.broadcast %mul3A_137 : i32 to vector<16xi32>
        %add3A_139 = arith.addi %iota3A, %add3A_138 : vector<16xi32>
        %sub3A_140 = arith.constant 1 : i32
        %sub3A_141 = arith.subi %while3A_46, %sub3A_140 : i32
        %min3A = vector.broadcast %sub3A_141 : i32 to vector<16xi32>
        %min3A_142 = arith.minsi %add3A_139, %min3A : vector<16xi32>
        %mul3A_143 = arith.constant 256 : i32
        %mul3A_144 = arith.muli %add3A_30, %mul3A_143 : i32
        %add3A_145 = vector.broadcast %reduce_sum3A_75 : i32 to vector<16xi32>
        %add3A_146 = arith.addi %add3A_145, %min3A_142 : vector<16xi32>
        %rem3A_147 = arith.constant 256 : i32
        %rem3A_148 = vector.broadcast %rem3A_147 : i32 to vector<16xi32>
        %rem3A_149 = arith.remsi %add3A_146, %rem3A_148 : vector<16xi32>
        %add3A_150 = vector.broadcast %mul3A_144 : i32 to vector<16xi32>
        %add3A_151 = arith.addi %add3A_150, %rem3A_149 : vector<16xi32>
        %dma_start3A = arith.constant 0 : i32
        %dma_start3A_152 = arith.constant 0 : i32
        %dma_start3A_153 = tpu.memref_slice %arg13[%rem3A_122, %dma_start3A, %dma_start3A_152] : memref<2x16x1024xf32, #tpu.memory_space<vmem>> -> memref<1x16x1024xf32, #tpu.memory_space<vmem>>
        %dma_start3A_154 = tpu.memref_squeeze %dma_start3A_153 : memref<1x16x1024xf32, #tpu.memory_space<vmem>> -> memref<16x1024xf32, #tpu.memory_space<vmem>>
        %dma_start3A_155 = arith.constant 0 : i32
        %dma_start3A_156 = arith.constant 0 : i32
        %dma_start3A_157 = tpu.memref_slice %arg6[%dma_start3A_155, %dma_start3A_156] : memref<25600x1024xf32, #tpu.memory_space<hbm>> -> memref<25600x1024xf32, #tpu.memory_space<hbm>>
        tpu.enqueue_indirect_dma source(%dma_start3A_154 : memref<16x1024xf32, #tpu.memory_space<vmem>>) target(%dma_start3A_157 : memref<25600x1024xf32, #tpu.memory_space<hbm>>) offsets(%add3A_151 : vector<16xi32>) semaphore(%arg16 : memref<!tpu.dma_semaphore, #tpu.memory_space<semaphore_mem>>)
        %while3A_158 = arith.constant 0 : i32
        scf.yield %while3A_158 : i32
      }
      %while3A_101 = arith.constant 1 : i32
      %while3A_102 = scf.for %while3A_108 = %while3A_98 to %while3A_94 step %while3A_101 iter_args(%while3A_109 = %while3A_100) -> (i32)  : i32 {
        %gt3A_110 = arith.constant 0 : i32
        %gt3A_111 = arith.cmpi sgt, %while3A_108, %gt3A_110 : i32
        %convert_element_type3A_112 = arith.extui %gt3A_111 : i1 to i32
        %cond3A_113 = arith.constant 0 : i32
        %cond3A_114 = arith.cmpi ne, %convert_element_type3A_112, %cond3A_113 : i32
        scf.if %cond3A_114 {
          %sub3A_159 = arith.constant 1 : i32
          %sub3A_160 = arith.subi %while3A_108, %sub3A_159 : i32
          %rem3A_161 = arith.constant 2 : i32
          %rem3A_162 = arith.remsi %sub3A_160, %rem3A_161 : i32
          %dma_wait3A_163 = arith.constant 0 : i32
          %dma_wait3A_164 = arith.constant 0 : i32
          %dma_wait3A_165 = tpu.memref_slice %arg13[%rem3A_162, %dma_wait3A_163, %dma_wait3A_164] : memref<2x16x1024xf32, #tpu.memory_space<vmem>> -> memref<1x16x1024xf32, #tpu.memory_space<vmem>>
          %dma_wait3A_166 = tpu.memref_squeeze %dma_wait3A_165 : memref<1x16x1024xf32, #tpu.memory_space<vmem>> -> memref<16x1024xf32, #tpu.memory_space<vmem>>
          %dma_wait3A_167 = arith.constant 0 : i32
          %dma_wait3A_168 = arith.constant 0 : i32
          %dma_wait3A_169 = tpu.memref_slice %arg6[%dma_wait3A_167, %dma_wait3A_168] : memref<25600x1024xf32, #tpu.memory_space<hbm>> -> memref<16x1024xf32, #tpu.memory_space<hbm>>
          %dma_wait3A_170 = arith.constant 0 : i32
          %dma_wait3A_171 = arith.constant 0 : i32
          %dma_wait3A_172 = tpu.memref_slice %arg6[%dma_wait3A_170, %dma_wait3A_171] : memref<25600x1024xf32, #tpu.memory_space<hbm>> -> memref<16x1024xf32, #tpu.memory_space<hbm>>
          %dma_wait3A_173 = arith.constant 0 : i32
          %dma_wait3A_174 = arith.constant 0 : i32
          %dma_wait3A_175 = tpu.memref_slice %arg13[%rem3A_162, %dma_wait3A_173, %dma_wait3A_174] : memref<2x16x1024xf32, #tpu.memory_space<vmem>> -> memref<1x16x1024xf32, #tpu.memory_space<vmem>>
          %dma_wait3A_176 = tpu.memref_squeeze %dma_wait3A_175 : memref<1x16x1024xf32, #tpu.memory_space<vmem>> -> memref<16x1024xf32, #tpu.memory_space<vmem>>
          tpu.wait_dma2 semaphore(%arg16 : memref<!tpu.dma_semaphore, #tpu.memory_space<semaphore_mem>>) src(%dma_wait3A_176 : memref<16x1024xf32, #tpu.memory_space<vmem>>) dst(%dma_wait3A_172 : memref<16x1024xf32, #tpu.memory_space<hbm>>)
        } else {
        }
        %add3A_115 = arith.constant 1 : i32
        %add3A_116 = arith.addi %while3A_108, %add3A_115 : i32
        %lt3A_117 = arith.cmpi slt, %add3A_116, %div3A_86 : i32
        %convert_element_type3A_118 = arith.extui %lt3A_117 : i1 to i32
        %cond3A_119 = arith.constant 0 : i32
        %cond3A_120 = arith.cmpi ne, %convert_element_type3A_118, %cond3A_119 : i32
        scf.if %cond3A_120 {
          %add3A_159 = arith.constant 1 : i32
          %add3A_160 = arith.addi %while3A_108, %add3A_159 : i32
          %mul3A_161 = arith.constant 16 : i32
          %mul3A_162 = arith.muli %add3A_160, %mul3A_161 : i32
          %add3A_163 = vector.broadcast %mul3A_162 : i32 to vector<16xi32>
          %add3A_164 = arith.addi %iota3A, %add3A_163 : vector<16xi32>
          %sub3A_165 = arith.constant 1 : i32
          %sub3A_166 = arith.subi %while3A_46, %sub3A_165 : i32
          %min3A_167 = vector.broadcast %sub3A_166 : i32 to vector<16xi32>
          %min3A_168 = arith.minsi %add3A_164, %min3A_167 : vector<16xi32>
          %gather3A = tpu.vector_load_idx %arg12[%min3A_168] : memref<272xi32, #tpu.memory_space<vmem>>[vector<16xi32>], vector<16xi32>,
          %rem3A_169 = arith.constant 2 : i32
          %rem3A_170 = arith.remsi %add3A_160, %rem3A_169 : i32
          %dma_start3A_171 = arith.constant 0 : i32
          %dma_start3A_172 = arith.constant 0 : i32
          %dma_start3A_173 = tpu.memref_slice %arg13[%rem3A_170, %dma_start3A_171, %dma_start3A_172] : memref<2x16x1024xf32, #tpu.memory_space<vmem>> -> memref<1x16x1024xf32, #tpu.memory_space<vmem>>
          %dma_start3A_174 = tpu.memref_squeeze %dma_start3A_173 : memref<1x16x1024xf32, #tpu.memory_space<vmem>> -> memref<16x1024xf32, #tpu.memory_space<vmem>>
          %dma_start3A_175 = arith.constant 0 : i32
          %dma_start3A_176 = arith.constant 0 : i32
          %dma_start3A_177 = tpu.memref_slice %arg5[%dma_start3A_175, %dma_start3A_176] : memref<4096x1024xf32, #tpu.memory_space<hbm>> -> memref<4096x1024xf32, #tpu.memory_space<hbm>>
          tpu.enqueue_indirect_dma source(%dma_start3A_177 : memref<4096x1024xf32, #tpu.memory_space<hbm>>) target(%dma_start3A_174 : memref<16x1024xf32, #tpu.memory_space<vmem>>) offsets(%gather3A : vector<16xi32>) semaphore(%arg15 : memref<!tpu.dma_semaphore, #tpu.memory_space<semaphore_mem>>)
        } else {
        }
        %rem3A_121 = arith.constant 2 : i32
        %rem3A_122 = arith.remsi %while3A_108, %rem3A_121 : i32
        %dma_wait3A = arith.constant 0 : i32
        %dma_wait3A_123 = arith.constant 0 : i32
        %dma_wait3A_124 = tpu.memref_slice %arg13[%rem3A_122, %dma_wait3A, %dma_wait3A_123] : memref<2x16x1024xf32, #tpu.memory_space<vmem>> -> memref<1x16x1024xf32, #tpu.memory_space<vmem>>
        %dma_wait3A_125 = tpu.memref_squeeze %dma_wait3A_124 : memref<1x16x1024xf32, #tpu.memory_space<vmem>> -> memref<16x1024xf32, #tpu.memory_space<vmem>>
        %dma_wait3A_126 = arith.constant 0 : i32
        %dma_wait3A_127 = arith.constant 0 : i32
        %dma_wait3A_128 = tpu.memref_slice %arg5[%dma_wait3A_126, %dma_wait3A_127] : memref<4096x1024xf32, #tpu.memory_space<hbm>> -> memref<16x1024xf32, #tpu.memory_space<hbm>>
        %dma_wait3A_129 = arith.constant 0 : i32
        %dma_wait3A_130 = arith.constant 0 : i32
        %dma_wait3A_131 = tpu.memref_slice %arg13[%rem3A_122, %dma_wait3A_129, %dma_wait3A_130] : memref<2x16x1024xf32, #tpu.memory_space<vmem>> -> memref<1x16x1024xf32, #tpu.memory_space<vmem>>
        %dma_wait3A_132 = tpu.memref_squeeze %dma_wait3A_131 : memref<1x16x1024xf32, #tpu.memory_space<vmem>> -> memref<16x1024xf32, #tpu.memory_space<vmem>>
        %dma_wait3A_133 = arith.constant 0 : i32
        %dma_wait3A_134 = arith.constant 0 : i32
        %dma_wait3A_135 = tpu.memref_slice %arg5[%dma_wait3A_133, %dma_wait3A_134] : memref<4096x1024xf32, #tpu.memory_space<hbm>> -> memref<16x1024xf32, #tpu.memory_space<hbm>>
        tpu.wait_dma2 semaphore(%arg15 : memref<!tpu.dma_semaphore, #tpu.memory_space<semaphore_mem>>) src(%dma_wait3A_135 : memref<16x1024xf32, #tpu.memory_space<hbm>>) dst(%dma_wait3A_132 : memref<16x1024xf32, #tpu.memory_space<vmem>>)
        %mul3A_136 = arith.constant 16 : i32
        %mul3A_137 = arith.muli %while3A_108, %mul3A_136 : i32
        %add3A_138 = vector.broadcast %mul3A_137 : i32 to vector<16xi32>
        %add3A_139 = arith.addi %iota3A, %add3A_138 : vector<16xi32>
        %sub3A_140 = arith.constant 1 : i32
        %sub3A_141 = arith.subi %while3A_46, %sub3A_140 : i32
        %min3A = vector.broadcast %sub3A_141 : i32 to vector<16xi32>
        %min3A_142 = arith.minsi %add3A_139, %min3A : vector<16xi32>
        %mul3A_143 = arith.constant 256 : i32
        %mul3A_144 = arith.muli %add3A_30, %mul3A_143 : i32
        %add3A_145 = vector.broadcast %reduce_sum3A_75 : i32 to vector<16xi32>
        %add3A_146 = arith.addi %add3A_145, %min3A_142 : vector<16xi32>
        %rem3A_147 = arith.constant 256 : i32
        %rem3A_148 = vector.broadcast %rem3A_147 : i32 to vector<16xi32>
        %rem3A_149 = arith.remsi %add3A_146, %rem3A_148 : vector<16xi32>
        %add3A_150 = vector.broadcast %mul3A_144 : i32 to vector<16xi32>
        %add3A_151 = arith.addi %add3A_150, %rem3A_149 : vector<16xi32>
        %dma_start3A = arith.constant 0 : i32
        %dma_start3A_152 = arith.constant 0 : i32
        %dma_start3A_153 = tpu.memref_slice %arg13[%rem3A_122, %dma_start3A, %dma_start3A_152] : memref<2x16x1024xf32, #tpu.memory_space<vmem>> -> memref<1x16x1024xf32, #tpu.memory_space<vmem>>
        %dma_start3A_154 = tpu.memref_squeeze %dma_start3A_153 : memref<1x16x1024xf32, #tpu.memory_space<vmem>> -> memref<16x1024xf32, #tpu.memory_space<vmem>>
        %dma_start3A_155 = arith.constant 0 : i32
        %dma_start3A_156 = arith.constant 0 : i32
        %dma_start3A_157 = tpu.memref_slice %arg6[%dma_start3A_155, %dma_start3A_156] : memref<25600x1024xf32, #tpu.memory_space<hbm>> -> memref<25600x1024xf32, #tpu.memory_space<hbm>>
        tpu.enqueue_indirect_dma source(%dma_start3A_154 : memref<16x1024xf32, #tpu.memory_space<vmem>>) target(%dma_start3A_157 : memref<25600x1024xf32, #tpu.memory_space<hbm>>) offsets(%add3A_151 : vector<16xi32>) semaphore(%arg16 : memref<!tpu.dma_semaphore, #tpu.memory_space<semaphore_mem>>)
        %while3A_158 = arith.constant 0 : i32
        scf.yield %while3A_158 : i32
      }
      %gt3A_103 = arith.constant 0 : i32
      %gt3A_104 = arith.cmpi sgt, %div3A_86, %gt3A_103 : i32
      %convert_element_type3A_105 = arith.extui %gt3A_104 : i1 to i32
      %cond3A_106 = arith.constant 0 : i32
      %cond3A_107 = arith.cmpi ne, %convert_element_type3A_105, %cond3A_106 : i32
      scf.if %cond3A_107 {
        %sub3A_108 = arith.constant 1 : i32
        %sub3A_109 = arith.subi %div3A_86, %sub3A_108 : i32
        %rem3A_110 = arith.constant 2 : i32
        %rem3A_111 = arith.remsi %sub3A_109, %rem3A_110 : i32
        %dma_wait3A = arith.constant 0 : i32
        %dma_wait3A_112 = arith.constant 0 : i32
        %dma_wait3A_113 = tpu.memref_slice %arg13[%rem3A_111, %dma_wait3A, %dma_wait3A_112] : memref<2x16x1024xf32, #tpu.memory_space<vmem>> -> memref<1x16x1024xf32, #tpu.memory_space<vmem>>
        %dma_wait3A_114 = tpu.memref_squeeze %dma_wait3A_113 : memref<1x16x1024xf32, #tpu.memory_space<vmem>> -> memref<16x1024xf32, #tpu.memory_space<vmem>>
        %dma_wait3A_115 = arith.constant 0 : i32
        %dma_wait3A_116 = arith.constant 0 : i32
        %dma_wait3A_117 = tpu.memref_slice %arg6[%dma_wait3A_115, %dma_wait3A_116] : memref<25600x1024xf32, #tpu.memory_space<hbm>> -> memref<16x1024xf32, #tpu.memory_space<hbm>>
        %dma_wait3A_118 = arith.constant 0 : i32
        %dma_wait3A_119 = arith.constant 0 : i32
        %dma_wait3A_120 = tpu.memref_slice %arg6[%dma_wait3A_118, %dma_wait3A_119] : memref<25600x1024xf32, #tpu.memory_space<hbm>> -> memref<16x1024xf32, #tpu.memory_space<hbm>>
        %dma_wait3A_121 = arith.constant 0 : i32
        %dma_wait3A_122 = arith.constant 0 : i32
        %dma_wait3A_123 = tpu.memref_slice %arg13[%rem3A_111, %dma_wait3A_121, %dma_wait3A_122] : memref<2x16x1024xf32, #tpu.memory_space<vmem>> -> memref<1x16x1024xf32, #tpu.memory_space<vmem>>
        %dma_wait3A_124 = tpu.memref_squeeze %dma_wait3A_123 : memref<1x16x1024xf32, #tpu.memory_space<vmem>> -> memref<16x1024xf32, #tpu.memory_space<vmem>>
        tpu.wait_dma2 semaphore(%arg16 : memref<!tpu.dma_semaphore, #tpu.memory_space<semaphore_mem>>) src(%dma_wait3A_124 : memref<16x1024xf32, #tpu.memory_space<vmem>>) dst(%dma_wait3A_120 : memref<16x1024xf32, #tpu.memory_space<hbm>>)
      } else {
      }
    } else {
    }
    return
  }
}

module attributes {stable_mosaic.version = 14 : i64} {
  func.func @_tc_body(%arg0: i32, %arg1: memref<1600x1024xf32, #tpu.memory_space<vmem>>, %arg2: memref<256x1024xf32, #tpu.memory_space<vmem>>, %arg3: memref<1600x1024xf32, #tpu.memory_space<vmem>>, %arg4: memref<256x1024xf32, #tpu.memory_space<vmem>>) attributes {dimension_semantics = [#tpu.dimension_semantics<arbitrary>], iteration_bounds = array<i64: 16>, scalar_prefetch = 0 : i64, scratch_operands = 0 : i64, tpu.core_type = #tpu.core_type<tc>, window_params = [{transform_indices = @transform_0, window_bounds = array<i64: 1600, 1024>}, {transform_indices = @transform_1, window_bounds = array<i64: 256, 1024>}, {transform_indices = @transform_2, window_bounds = array<i64: 1600, 1024>}, {transform_indices = @transform_3, window_bounds = array<i64: 256, 1024>}]} {
    %get3A = arith.constant 0 : index
    %get3A_0 = arith.constant 0 : index
    %get3A_1 = vector.load %arg1[%get3A, %get3A_0] : memref<1600x1024xf32, #tpu.memory_space<vmem>>, vector<1600x1024xf32>
    %swap3A = arith.constant 0 : index
    %swap3A_2 = arith.constant 0 : index
    %swap3A_3 = vector.load %arg3[%swap3A, %swap3A_2] : memref<1600x1024xf32, #tpu.memory_space<vmem>>, vector<1600x1024xf32>
    tpu.vector_store %arg3[%swap3A, %swap3A_2], %get3A_1 {strides = array<i32>} : memref<1600x1024xf32, #tpu.memory_space<vmem>>, vector<1600x1024xf32>,
    %lt3A = arith.constant 16 : i32
    %lt3A_4 = arith.cmpi slt, %arg0, %lt3A : i32
    %convert_element_type3A = arith.extui %lt3A_4 : i1 to i32
    %cond3A = arith.constant 0 : i32
    %cond3A_5 = arith.cmpi ne, %convert_element_type3A, %cond3A : i32
    scf.if %cond3A_5 {
      %get3A_6 = arith.constant 0 : index
      %get3A_7 = arith.constant 0 : index
      %get3A_8 = vector.load %arg2[%get3A_6, %get3A_7] : memref<256x1024xf32, #tpu.memory_space<vmem>>, vector<256x1024xf32>
      %mul3A = arith.mulf %get3A_8, %get3A_8 : vector<256x1024xf32>
      %reduce_sum3A = arith.constant dense<0.000000e+00> : vector<256xf32>
      %reduce_sum3A_9 = vector.multi_reduction <add>, %mul3A, %reduce_sum3A [1] : vector<256x1024xf32> to vector<256xf32>
      %broadcast_in_dim3A = vector.shape_cast %reduce_sum3A_9 : vector<256xf32> to vector<256x1xf32>
      %sqrt3A = math.sqrt %broadcast_in_dim3A : vector<256x1xf32>
      %max3A = arith.constant 9.99999996E-13 : f32
      %max3A_10 = vector.broadcast %max3A : f32 to vector<256x1xf32>
      %max3A_11 = arith.maximumf %sqrt3A, %max3A_10 : vector<256x1xf32>
      %div3A = vector.broadcast %max3A_11 : vector<256x1xf32> to vector<256x1024xf32>
      %div3A_12 = arith.divf %get3A_8, %div3A : vector<256x1024xf32>
      %swap3A_13 = arith.constant 0 : index
      %swap3A_14 = arith.constant 0 : index
      %swap3A_15 = vector.load %arg4[%swap3A_13, %swap3A_14] : memref<256x1024xf32, #tpu.memory_space<vmem>>, vector<256x1024xf32>
      tpu.vector_store %arg4[%swap3A_13, %swap3A_14], %div3A_12 {strides = array<i32>} : memref<256x1024xf32, #tpu.memory_space<vmem>>, vector<256x1024xf32>,
    } else {
    }
    return
  }
  func.func @transform_0(%arg0: i32) -> (i32, i32) {
    %c0_i32 = arith.constant 0 : i32
    %c0_i32_0 = arith.constant 0 : i32
    return %arg0, %c0_i32 : i32, i32
  }
  func.func @transform_1(%arg0: i32) -> (i32, i32) {
    %min3A = arith.constant 15 : i32
    %min3A_0 = arith.minsi %arg0, %min3A : i32
    %c0_i32 = arith.constant 0 : i32
    %c0_i32_1 = arith.constant 0 : i32
    return %min3A_0, %c0_i32 : i32, i32
  }
  func.func @transform_2(%arg0: i32) -> (i32, i32) {
    %c0_i32 = arith.constant 0 : i32
    %c0_i32_0 = arith.constant 0 : i32
    return %arg0, %c0_i32 : i32, i32
  }
  func.func @transform_3(%arg0: i32) -> (i32, i32) {
    %min3A = arith.constant 15 : i32
    %min3A_0 = arith.minsi %arg0, %min3A : i32
    %c0_i32 = arith.constant 0 : i32
    %c0_i32_1 = arith.constant 0 : i32
    return %min3A_0, %c0_i32 : i32, i32
  }
}

</mosaic_0001>

<sc_bundles>
// kernel: kernel.4.cloned.1.call-start
scs
__scs_entry_jumppad:
0x0: {  	(pc) =	sbr.rel $0x88, $3  }
0x1: {  	(tag) =	ssettag $0x0;
	lr =	simm.s32 $0x1  }
0x2: {  	[smem:$0x3F9D] =	sst lr;
	_ =	strace $0xD0000000  }
0x3: {  	_ = 	snop  }
0x4: {  	_ = 	snop  }
0x5: {  	_ = 	snop  }
0x6: {  	_ = 	snop  }
0x7: {  	_ = 	snop  }
__scs_overlays_trampoline_lowered:
0x8: {  	[smem:$0x3FAC] =	sst s0  }
0x9: {  	[smem:$0x3FAD] =	sst s1  }
0xa: {  	[smem:$0x3FAE] =	sst s2  }
0xb: {  	[smem:$0x3FAF] =	sst s3  }
0xc: {  	[smem:$0x3FB0] =	sst s4  }
0xd: {  	[smem:$0x3FB1] =	sst s5  }
0xe: {  	[smem:$0x3FB2] =	sst s6  }
0xf: {  	[smem:$0x3FB3] =	sst s7  }
0x10: {  	[smem:$0x3FB4] =	sst s8  }
0x11: {  	[smem:$0x3FB5] =	sst s9;
	s0 =	simm.s32 @!p0 $0x0  }
0x12: {  	s1 =	sld [smem:$0x3F9B];
	s0 =	simm.s32 @p0 $0x1  }
0x13: {  	[smem:$0x3FB6] =	sst s0;
	s0 =	simm.s32 @!p1 $0x0  }
0x14: {  	s2 =	sld [smem:$0x3F9A];
	s0 =	simm.s32 @p1 $0x1  }
0x15: {  	[smem:$0x3FB7] =	sst s0;
	s0 =	simm.s32 @!p2 $0x0  }
0x16: {  	s3 =	sld [smem:$0x3FDB];
	s0 =	simm.s32 @p2 $0x1  }
0x17: {  	s4 =	simm.s32 $0x1BF5;
	[smem:$0x3FB9] =	sst s0  }
0x18: {  	s0 =	sld [smem:$0x3F9C];
	_ =	swait.ge [sflag:s4], $0x0  }
0x19: {  	s7 =	sld [smem:$0x3F9D]  }
0x1a: {  	s8 =	sadd.s32 $0xFFFFE003, lr  }
0x1b: {  	s9 =	sadd.s32 $0xFFFFFEF7, lr;
	s5 =	simm.s32 $0xFFFFFFFF;
	p2 =	slt.u32 s8, $0xFFFFF086  }
0x1c: {  	p1 =	slt.u32 s9, $0xF7A;
	s5 =	simm.s32 @!p2 $0x0  }
0x1d: {  	s5 =	simm.s32 @p1 $0x1;
	p0 =	seq.s32 s7, s2  }
0x1e: {  	s7 =	smul.u32 @!p0 $0xF7A, s2;
	p2 =	seq.s32 @!p0 s5, $0x0  }
0x1f: {  	s9 =	smul.u32 $0xF7A, s1;
	s8 =	simm.s32 @!p0 $0x1BF5;
	p2 =	por !p2, p0  }
0x20: {  	[sflag:s8] =	ssyncset.s32 @!p0 $0xFFFFF086;
	s6 =	sadd.s32 @!p0 s3, s7;
	s7 =	simm.s32 @!p0 $0x108  }
0x21: {  	s3 =	sadd.s32 s3, s9;
	s6 =	sadd.s32 @!p0 $0x88, s6;
	s7 =	simm.s32 @p2 $0x1082  }
0x22: {  	[simem:s7], [sflag:s8] =	dma.local @!p0 [hbm:s6], $0xF7A  }
0x23: {  	s9 =	sor.u32 $0xD0000000, s2;
	s6 =	simm.s32 $0x108;
	_ =	swait.ge @!p0 [sflag:s8], $0x0  }
0x24: {  	s3 =	sadd.s32 $0x88, s3;
	s6 =	simm.s32 @!p1 $0x1082;
	[sflag:s4] =	ssyncset.s32 $0xFFFFF086  }
0x25: {  	[simem:s6], [sflag:s4] =	dma.local [hbm:s3], $0xF7A  }
0x26: {  	[smem:$0x3F9D] =	sst s1;
	(tag) =	ssettag s2;
	_ =	strace s9  }
0x27: {  	s1 =	sld [smem:$0x3FAD]  }
0x28: {  	s2 =	sld [smem:$0x3FAE]  }
0x29: {  	s4 =	sld [smem:$0x3FB0]  }
0x2a: {  	p0 =	seq.s32 s5, $0x0;
	s5 =	sld [smem:$0x3FB1]  }
0x2b: {  	s6 =	sld [smem:$0x3FB2]  }
0x2c: {  	s7 =	sld [smem:$0x3FB3]  }
0x2d: {  	s3 =	simm.s32 $0x108;
	s8 =	sld [smem:$0x3FB4]  }
0x2e: {  	s3 =	simm.s32 @!p0 $0x1082;
	s9 =	sld [smem:$0x3FB5]  }
0x2f: {  	lr =	sadd.s32 s0, s3;
	s0 =	sld [smem:$0x3FAC]  }
0x30: {  	s3 =	sld [smem:$0x3FAF]  }
0x31: {  	[smem:$0x3FB8] =	sst s10  }
0x32: {  	s10 =	sld [smem:$0x3FB6];
	_ =	sdelay $0x3  }
0x33: {  	p0 =	seq.s32 s10, $0x1;
	s10 =	sld [smem:$0x3FB8];
	_ =	sdelay $0x3  }
0x34: {  	[smem:$0x3FB8] =	sst s10  }
0x35: {  	s10 =	sld [smem:$0x3FB7];
	_ =	sdelay $0x3  }
0x36: {  	p1 =	seq.s32 s10, $0x1;
	s10 =	sld [smem:$0x3FB8];
	_ =	sdelay $0x3  }
0x37: {  	[smem:$0x3FB8] =	sst s10  }
0x38: {  	s10 =	sld [smem:$0x3FB9]  }
0x39: {  	_ = 	snop;
	(pc) =	sbr.ind lr, $3  }
0x3a: {  	_ = 	snop  }
0x3b: {  	_ = 	snop  }
0x3c: {  	p2 =	seq.s32 s10, $0x1;
	s10 =	sld [smem:$0x3FB8]  }
0x3d: {  	_ =	shalt  }
0x3e: {  	_ =	shalt  }
0x3f: {  	_ =	shalt  }
0x40: {  	_ =	shalt  }
0x41: {  	_ =	shalt  }
0x42: {  	_ =	shalt  }
0x43: {  	_ =	shalt  }
0x44: {  	_ =	shalt  }
0x45: {  	_ =	shalt  }
0x46: {  	_ =	shalt  }
0x47: {  	_ =	shalt  }
0x48: {  	_ =	shalt  }
0x49: {  	_ =	shalt  }
0x4a: {  	_ =	shalt  }
0x4b: {  	_ =	shalt  }
0x4c: {  	_ =	shalt  }
0x4d: {  	_ =	shalt  }
0x4e: {  	_ =	shalt  }
0x4f: {  	_ =	shalt  }
0x50: {  	_ =	shalt  }
0x51: {  	_ =	shalt  }
0x52: {  	_ =	shalt  }
0x53: {  	_ =	shalt  }
0x54: {  	_ =	shalt  }
0x55: {  	_ =	shalt  }
0x56: {  	_ =	shalt  }
0x57: {  	_ =	shalt  }
0x58: {  	_ =	shalt  }
0x59: {  	_ =	shalt  }
0x5a: {  	_ =	shalt  }
0x5b: {  	_ =	shalt  }
0x5c: {  	_ =	shalt  }
0x5d: {  	_ =	shalt  }
0x5e: {  	_ =	shalt  }
0x5f: {  	_ =	shalt  }
0x60: {  	_ =	shalt  }
0x61: {  	_ =	shalt  }
0x62: {  	_ =	shalt  }
0x63: {  	_ =	shalt  }
0x64: {  	_ =	shalt  }
0x65: {  	_ =	shalt  }
0x66: {  	_ =	shalt  }
0x67: {  	_ =	shalt  }
0x68: {  	_ =	shalt  }
0x69: {  	_ =	shalt  }
0x6a: {  	_ =	shalt  }
0x6b: {  	_ =	shalt  }
0x6c: {  	_ =	shalt  }
0x6d: {  	_ =	shalt  }
0x6e: {  	_ =	shalt  }
0x6f: {  	_ =	shalt  }
0x70: {  	_ =	shalt  }
0x71: {  	_ =	shalt  }
0x72: {  	_ =	shalt  }
0x73: {  	_ =	shalt  }
0x74: {  	_ =	shalt  }
0x75: {  	_ =	shalt  }
0x76: {  	_ =	shalt  }
0x77: {  	_ =	shalt  }
0x78: {  	_ =	shalt  }
0x79: {  	_ =	shalt  }
0x7a: {  	_ =	shalt  }
0x7b: {  	_ =	shalt  }
0x7c: {  	_ =	shalt  }
0x7d: {  	_ =	shalt  }
0x7e: {  	_ =	shalt  }
0x7f: {  	_ =	shalt  }
0x80: {  	_ =	shalt  }
0x81: {  	_ =	shalt  }
0x82: {  	_ =	shalt  }
0x83: {  	_ =	shalt  }
0x84: {  	_ =	shalt  }
0x85: {  	_ =	shalt  }
0x86: {  	_ =	shalt  }
0x87: {  	_ =	shalt  }
.Lfunc_end0:
.L_simem_size_0:
called_computation_lowered:
.L_overlay_start_0:
0x88: {  	s2 =	sld [smem:$0x3FD9]  }
0x89: {  	s3 =	sld [smem:$0x3FFE];
	_ =	sdelay $0x1  }
0x8a: {  	s1 =	srdreg.scid  }
0x8b: {  	s0 =	sand.u32 $0x1, s1  }
0x8c: {  	s14 =	sshll.u32 s0, $0xA;
	s2 =	sadd.s32 s3, s2  }
0x8d: {  	s2 =	sadd.s32 s2, s14  }
0x8e: {  	[smem:$0x3FC4] =	sst s2  }
0x8f: {  	_ = 	snop  }
0x90: {  	s2 =	sld [smem:$0x3FD0];
	_ =	sdelay $0x2  }
0x91: {  	s4 =	simm.s32 $0xA;
	s5 =	simm.s32 $0x10;
	s15 =	sld [smem:$0x3FC8]  }
0x92: {  	[smem:s5], [sflag:s4] =	dma.local [hbm:s2], $0x1  }
0x93: {  	_ =	swait.eq [sflag:s4], $0x1  }
0x94: {  	[sflag:s4] =	ssyncset.done $0x0  }
0x95: {  	s16 =	sld [smem:$0x10];
	[sflag:s4] =	ssyncadd.s32 $0xFFFFFFFF  }
0x96: {  	s17 =	sld [smem:$0x11];
	(tm) =	ssettm $0x1  }
0x97: {  	s18 =	sld [smem:$0x3FFB];
	_ =	sdelay $0x3  }
0x98: {  	_ =	strace s18  }
0x99: {  	s5 =	sld [smem:$0x3FFC];
	_ =	sdelay $0x3  }
0x9a: {  	_ =	strace s5  }
0x9b: {  	s5 =	sld [smem:$0x3FFD];
	_ =	sdelay $0x3  }
0x9c: {  	_ =	strace s5  }
0x9d: {  	_ =	strace $0x8FFFFFFF  }
0x9e: {  	s19 =	sld [smem:$0x3FDB];
	_ =	sdelay $0x1  }
0x9f: {  	s6 =	simm.s32 $_scs_section_size  }
0xa0: {  	s7 =	simm.s32 $_size__tile_overlayer_lowered;
	s8 =	simm.s32 $_tile_overlayer_lowered  }
0xa1: {  	s22 =	simm.s32 $0x1BFF;
	s21 =	sshll.u32 s8, $0x1;
	s5 =	sadd.s32 s6, s19  }
0xa2: {  	s9 =	simm.s32 $0x0;
	s20 =	sshll.u32 s7, $0x1;
	s7 =	sadd.s32 s21, s5  }
0xa3: {  	[timem:s9], [sflag:s22] =	dma.local [hbm:s7], s20  }
0xa4: {  	_ =	swait.ge [sflag:s22], s20  }
0xa5: {  	s6 =	ssub.s32 $0x0, s20;
	[sflag:s22] =	ssyncset.done $0x0  }
0xa6: {  	[sflag:s22] =	ssyncadd.s32 s6;
	_ =	sdelay $0x1  }
0xa7: {  	s23 =	simm.s32 $0x1B8B  }
0xa8: {  	_ =	swait.ge [sflag:s23], $0x1  }
0xa9: {  	[sflag:s23] =	ssyncset.done $0x0  }
0xaa: {  	s25 =	simm.s32 $0x1B8E;
	s24 =	sld [smem:$0x3FFE];
	[sflag:s23] =	ssyncadd.s32 $0xFFFFFFFF  }
0xab: {  	s26 =	simm.s32 $execute0_lowered;
	[smem:$0x3FD2] =	sst s25  }
0xac: {  	s7 =	sshll.u32 s26, $0x1;
	_ =	strace $0x80000046;
	[dreg:$0x1] =	wrdreg $0xFFFFFFFF  }
0xad: {  	s28 =	simm.s32 $_size_execute0_lowered;
	s5 =	sadd.s32 s5, s7;
	[dreg:$0x0] =	wrdreg $0x0  }
0xae: {  	s7 =	sshll.u32 s28, $0x1;
	[dreg:$0x2] =	wrdreg s5  }
0xaf: {  	[dreg:$0x3] =	wrdreg s7  }
0xb0: {  	[dreg:$0x4] =	wrdreg $0xC0  }
0xb1: {  	_ =	task [dreg:s9], $0x5FFFF  }
0xb2: {  	[dreg:$0x1] =	wrdreg $0xFFFFFFFF  }
0xb3: {  	[dreg:$0x0] =	wrdreg $0x60  }
0xb4: {  	[dreg:$0x2] =	wrdreg s15  }
0xb5: {  	[dreg:$0x3] =	wrdreg s17  }
0xb6: {  	[dreg:$0x4] =	wrdreg s24  }
0xb7: {  	[dreg:$0x5] =	wrdreg s16  }
0xb8: {  	[dreg:$0x6] =	wrdreg $0x9  }
0xb9: {  	_ =	task.clear_ibuf [dreg:s9], $0x7FFFF;
	_ =	strace $0x90000046  }
0xba: {  	s29 =	simm.s32 $0x9;
	_ =	strace $0x80000048  }
0xbb: {  	_ =	swait.ge [sflag:s29], $0x1  }
0xbc: {  	[sflag:s29] =	ssyncadd.s32 $0xFFFFFFFF  }
0xbd: {  	_ =	strace $0x90000048  }
0xbe: {  	_ =	sfence  }
0xbf: {  	s30 =	sld [smem:$0x0];
	_ =	sdelay $0x2  }
0xc0: {  	s31 =	sshll.u32 s1, $0xD;
	s1 =	sshrl.u32 s1, $0x2  }
0xc1: {  	s3 =	sand.u32 $0x4000, s31;
	s1 =	sadd.s32 s1, s30  }
0xc2: {  	s0 =	sor.u32 s3, s0;
	s1 =	sshll.u32 s1, $0x11  }
0xc3: {  	s0 =	sor.u32 s1, s0  }
0xc4: {  	s0 =	sadd.s32 $0x8F2B, s0  }
0xc5: {  	[sflag:s0] =	ssyncadd.remote.s32 $0x1  }
0xc6: {  	_ =	sfence.sel $0xFFFF  }
0xc7: {  	[dreg:$0x0] =	wrdreg $0xFFFFFFFF;
	(pc) =	sbr.abs _section_cstart, $3  }
0xc8: {  	[dreg:$0x1] =	wrdreg $0xFFFFFFFF  }
0xc9: {  	_ =	task.clear_ibuf [dreg:s9], $0x2FFFF;
	_ =	strace $0x9FFFFFFF  }
0xca: {  	(tm) =	ssettm $0x7FFFFFFF  }
0xcb: {  	_ =	shalt  }
tec
execute0_lowered:
.L_overlay_start_1:
0x0: {  	(tag) =	ssettag $0x1  }
0x1: {  	s0 =	rddreg [dreg:$0x2]  }
0x2: {  	s3 =	rddreg [dreg:$0x3]  }
0x3: {  	s4 =	simm.s32 $0x0;
	s1 =	srdreg.scid;
	s21 =	stileid.u32  }
0x4: {  	s28 =	simm.s32 $0x0;
	[smem:$0x7FF] =	sst s4;
	s1 =	sand.u32 $0x1, s1  }
0x5: {  	s6 =	sadd.s32 $0x800, s0;
	s7 =	sshll.u32 s21, $0x1;
	s14 =	sadd.s32 $0x80800, s0  }
0x6: {  	s29 =	sshll.u32 s21, $0x3;
	s9 =	sadd.s32 $0xA00, s0;
	s10 =	sadd.s32 $0xB00, s0  }
0x7: {  	s11 =	sadd.s32 $0x100, s3;
	s12 =	sadd.s32 $0x200, s3;
	p0 =	sgt.u32 s21, $0x1  }
0x8: {  	s21 =	simm.s32 $0x3;
	_ =	strace $0x80000047;
	s2 =	ssub.s32 $0x2, s1  }
0x9: {  	s1 =	sor.u32 s1, s7;
	s15 =	sand.u32 $0x40, s29;
	s5 =	sshrl.u32 s2, $0x1  }
0xa: {  	s8 =	sshll.u32 s1, $0x7;
	s30 =	sshll.u32 s1, $0x4;
	s20 =	sor.u32 $0x20, s1  }
0xb: {  	s22 =	sor.u32 $0x40, s1;
	s24 =	sshrl.u32 s15, $0x2;
	s2 =	ssub.s32 s2, s5  }
0xc: {  	s5 =	sand.u32 $0xF, s1;
	s16 =	sand.u32 $0x380, s8;
	s7 =	sadd.s32 s14, s30  }
0xd: {  	s8 =	sadd.s32 $0x900, s0;
	s0 =	sshll.u32 s1, $0x8;
	s13 =	sshll.u32 s20, $0x7  }
0xe: {  	s18 =	sshll.u32 s22, $0x7;
	s19 =	sshll.u32 s20, $0x2;
	s23 =	sshll.u32 s20, $0x8  }
0xf: {  	[dreg:$0x9] =	wrdreg s24;
	s29 =	sshll.u32 s22, $0x8;
	s30 =	sor.u32 $0x60, s1  }
0x10: {  	s24 =	simm.s32 $0x2100;
	s17 =	sand.u32 $0x1C00, s13;
	s13 =	sadd.s32 $0x300, s3  }
0x11: {  	s18 =	sand.u32 $0x2C00, s18;
	s31 =	sand.u32 $0xC0, s19;
	s19 =	sshll.u32 s22, $0x2  }
0x12: {  	s2 =	smax.u32 s2, $0x1;
	[dreg:$0x5] =	wrdreg s7;
	s7 =	sadd.s32 $0x600, s7  }
0x13: {  	v3 =	vmov s23;
	s23 =	simm.s32 $0x1080;
	s17 =	sor.u32 s16, s17;
	[dreg:$0x8] =	wrdreg s2  }
0x14: {  	v9 =	vlaneseq.u32;
	s16 =	sor.u32 s16, s18;
	s25 =	sshrl.u32 s31, $0x2;
	[dreg:$0xc] =	wrdreg s7  }
.Ltmp0:
0x15: {  	v8 =	vimm.s32 $0x0;
	vm1 =	vmmov $0xffff;
	v11 =	vshrl.u32 v9, $0x3;
	s17 =	sshrl.u32 s17, $0x3;
	s16 =	sshrl.u32 s16, $0x3;
	(pc) =	sbr.rel .LBB2_1-.Ltmp0, $4  }
0x16: {  	v12 =	vor.u32 $0x8, v9;
	v11 =	vmul.u32 $0x8, v11;
	v0 =	vmov s1;
	[dreg:$0xa] =	wrdreg s25;
	s17 =	sadd.s32 s14, s17;
	s14 =	sadd.s32 s14, s16  }
0x17: {  	v2 =	vmov s20;
	v4 =	vmov s22;
	v10 =	vmov s5;
	s22 =	simm.s32 $0x1;
	[dreg:$0x7] =	wrdreg s14;
	s14 =	sand.u32 $0x140, s19  }
0x18: {  	v1 =	vmov s0;
	v5 =	vmov s29;
	v6 =	vmov s30;
	s31 =	sshll.u32 s30, $0x8;
	[dreg:$0x6] =	wrdreg s17;
	s26 =	sshrl.u32 s14, $0x2  }
0x19: {  	vm0 =	veq.s32 v10, v9;
	v10 =	vand.u32 $0x7, v9;
	s25 =	simm.s32 $0x3180;
	v7 =	vmov s31;
	s17 =	simm.s32 $0xB300;
	[dreg:$0xb] =	wrdreg s26  }
.LBB2_47:
0x1a: {  	_ =	sdelay $0x3  }
0x1b: {  	[hbm4b:s13+s4] =	stream.indirect_vreg.scatter [tilespmem:s14], [sflag:$0x2], $0x80, v16, vm1, $0xb8;
	[tilespmem:$0xB380] =	vst v63  }
0x1c: {  	s0 =	sadd.s32 $0x5300, s2  }
0x1d: {  	[hbm4b:s3+s4] =	stream.indirect_vreg.scatter [tilespmem:s0], [sflag:$0x2], $0x80, v15, vm1, $0xb8;
	[tilespmem:$0xB380] =	vst v63  }
0x1e: {  	s26 =	sadd.s32 $0x5B00, s2  }
0x1f: {  	[hbm4b:s11+s4] =	stream.indirect_vreg.scatter [tilespmem:s26], [sflag:$0x2], $0x80, v15, vm1, $0xb8;
	[tilespmem:$0xB380] =	vst v63  }
0x20: {  	s29 =	sadd.s32 $0x6300, s2  }
0x21: {  	[hbm4b:s12+s4] =	stream.indirect_vreg.scatter [tilespmem:s29], [sflag:$0x2], $0x80, v15, vm1, $0xb8;
	[tilespmem:$0xB380] =	vst v63  }
0x22: {  	s30 =	sadd.s32 $0x6B00, s2;
	s31 =	simm.s32 $0x2  }
0x23: {  	[hbm4b:s13+s4] =	stream.indirect_vreg.scatter [tilespmem:s30], [sflag:$0x2], $0x80, v15, vm1, $0xb8;
	[tilespmem:$0xB380] =	vst v63  }
0x24: {  	_ =	swait.ge [sflag:s31], $0x4000  }
0x25: {  	[sflag:s31] =	ssyncset.done $0x0  }
0x26: {  	s17 =	simm.s32 $0xB300;
	[sflag:s31] =	ssyncadd.s32 $0xFFFFC000  }
.LBB2_48:
0x27: {  	s28 =	sadd.s32 $0x1, s28;
	s0 =	rddreg [dreg:$0x8]  }
0x28: {  	p1 =	sne.s32 s28, s0  }
.Ltmp1:
0x29: {  	_ = 	snop;
	(pc) =	sbr.rel @!p1 .LBB2_49-.Ltmp1, $1  }
0x2a: {  	_ =	sdelay $0x3  }
.LBB2_1:
0x2b: {  	s0 =	rddreg [dreg:$0x0]  }
0x2c: {  	[tilespmem:s4], [sflag:$0x3] =	stream.linear.gather [hbm4b:s0+s4], $0x1000, $0x38;
	[tilespmem:$0xB380] =	vst v63  }
0x2d: {  	_ =	swait.ge [sflag:s21], $0x1000  }
0x2e: {  	[sflag:s21] =	ssyncset.done $0x0  }
0x2f: {  	[sflag:s21] =	ssyncadd.s32 $0xFFFFF000  }
0x30: {  	s1 =	simm.s32 $0x1000;
	s31 =	rddreg [dreg:$0x1]  }
0x31: {  	[tilespmem:s1], [sflag:$0x3] =	stream.linear.gather [hbm4b:s31+s4], $0x80, $0x38;
	[tilespmem:$0xB380] =	vst v63  }
0x32: {  	_ =	swait.ge [sflag:s21], $0x80  }
0x33: {  	[sflag:s21] =	ssyncset.done $0x0  }
0x34: {  	[sflag:s21] =	ssyncadd.s32 $0xFFFFFF80  }
0x35: {  	v13 =	vld [tilespmem:s4+$0x0];
	_ =	sdelay $0x4  }
0x36: {  	v14 =	vand.u32 $0x1F, v13  }
0x37: {  	vm2 =	veq.s32 v14, v0  }
0x38: {  	v14 =	vsel vm2, $0x1, v8  }
0x39: {  	(xrf0) =	vadd.scan.msk.s32 $0xffff, v14;
	_ =	sdelay $0x4  }
0x3a: {  	v14 =	vmov s4  }
0x3b: {  	v14 =	vadd.s32 $0xFFFFFFFF, v14;
	v15, _, _ =	vpop (xrf0)  }
0x3c: {  	v14 =	vbroadcast v14, $0x0;
	v16 =	vxor.u32 $0x80000000, v15  }
0x3d: {  	(xrf0) =	vmax.scan.msk.u32 $0xffff, v16  }
0x3e: {  	v14 =	vadd.s32 v15, v14;
	_ =	sdelay $0x1  }
0x3f: {  	v15 =	vor.u32 s4, v9;
	_ =	sdelay $0x2  }
0x40: {  	[tilespmem:v14+s23+$0x0] =	vst.idx.msk vm2, v15;
	v15, _, _ =	vpop (xrf0)  }
0x41: {  	(v2sf) =	vpush v15, $0xF;
	_ =	sdelay $0x1  }
0x42: {  	s0 =	simm.s32 $0x10;
	[tilespmem:v14+s24+$0x0] =	vst.idx.msk vm2, v13  }
0x43: {  	s2 =	simm.s32 $0x20;
	s5 =	simm.s32 $0x10;
	s1 =	simm.s32 $0x0;
	v13 =	vld [tilespmem:s0+$0x0]  }
.LBB2_2:
0x44: {  	p1 =	sne.s32 s2, $0xFF0;
	_ =	sdelay $0x3  }
0x45: {  	v14 =	vand.u32 $0x1F, v13  }
0x46: {  	vm2 =	veq.s32 v14, v0  }
0x47: {  	v14 =	vsel vm2, $0x1, v8  }
0x48: {  	(xrf0) =	vadd.scan.msk.s32 $0xffff, v14;
	_ =	sdelay $0x3  }
0x49: {  	s14 =	spop (v2sf)  }
0x4a: {  	s1 =	sadd.s32 s14, s1  }
0x4b: {  	v14, _, _ =	vpop (xrf0);
	s1 =	sadd.s32 $0x80000000, s1  }
0x4c: {  	v15 =	vmov s1;
	v16 =	vxor.u32 $0x80000000, v14  }
0x4d: {  	v15 =	vadd.s32 $0xFFFFFFFF, v15;
	(xrf0) =	vmax.scan.msk.u32 $0xffff, v16  }
0x4e: {  	v15 =	vbroadcast v15, $0x0;
	_ =	sdelay $0x1  }
0x4f: {  	v14 =	vadd.s32 v14, v15;
	_ =	sdelay $0x2  }
.Ltmp2:
0x50: {  	v15, _, _ =	vpop (xrf0);
	(pc) =	sbr.rel @p1 .LBB2_2-.Ltmp2, $4  }
0x51: {  	v16 =	vor.u32 s0, v9;
	s0 =	smov.u32 s2;
	(v2sf) =	vpush v15, $0xF  }
0x52: {  	[tilespmem:v14+s23+$0x0] =	vst.idx.msk vm2, v16  }
0x53: {  	s5 =	sadd.s32 $0x10, s5;
	[tilespmem:v14+s24+$0x0] =	vst.idx.msk vm2, v13  }
0x54: {  	s2 =	sadd.s32 $0x10, s2;
	v13 =	vld [tilespmem:s5+$0x0]  }
0x55: {  	_ =	sdelay $0x3  }
0x56: {  	v14 =	vand.u32 $0x1F, v13  }
0x57: {  	vm2 =	veq.s32 v14, v0  }
0x58: {  	v14 =	vsel vm2, $0x1, v8  }
0x59: {  	(xrf0) =	vadd.scan.msk.s32 $0xffff, v14;
	_ =	sdelay $0x5  }
0x5a: {  	v14, _, _ =	vpop (xrf0)  }
0x5b: {  	v15 =	vxor.u32 $0x80000000, v14  }
0x5c: {  	(xrf0) =	vmax.scan.msk.u32 $0xffff, v15;
	_ =	sdelay $0x5  }
0x5d: {  	v15, _, _ =	vpop (xrf0)  }
0x5e: {  	(v2sf) =	vpush v15, $0xF;
	_ =	sdelay $0xa  }
0x5f: {  	s2 =	spop (v2sf)  }
0x60: {  	s1 =	sadd.s32 s2, s1  }
0x61: {  	s1 =	sadd.s32 $0x80000000, s1  }
0x62: {  	v15 =	vmov s1  }
0x63: {  	v15 =	vadd.s32 $0xFFFFFFFF, v15;
	s20 =	spop (v2sf)  }
0x64: {  	v15 =	vbroadcast v15, $0x0;
	s1 =	sadd.s32 s20, s1  }
0x65: {  	s29 =	sadd.s32 $0x80000000, s1  }
0x66: {  	v14 =	vadd.s32 v14, v15;
	s1 =	sadd.s32 $0xF, s29  }
0x67: {  	p1 =	slt.s32 s1, $0x10  }
.Ltmp3:
0x68: {  	_ = 	snop;
	(pc) =	sbr.rel @p1 .LBB2_10-.Ltmp3, $4  }
0x69: {  	s26 =	sshra.s32 s1, $0x1F  }
0x6a: {  	v15 =	vor.u32 s0, v9;
	s31 =	sshrl.u32 s26, $0x1C  }
0x6b: {  	[tilespmem:v14+s23+$0x0] =	vst.idx.msk vm2, v15;
	s0 =	sadd.s32 s31, s1  }
0x6c: {  	[tilespmem:v14+s24+$0x0] =	vst.idx.msk vm2, v13;
	s30 =	sshra.s32 s0, $0x4;
	s0 =	simm.s32 $0x0  }
0x6d: {  	p3 =	sne.s32 s30, $0x1  }
.Ltmp4:
0x6e: {  	_ = 	snop;
	(pc) =	sbr.rel @!p3 .LBB2_5-.Ltmp4, $3  }
0x6f: {  	_ =	sdelay $0x1  }
0x70: {  	s2 =	simm.s32 $0x2100;
	s1 =	simm.s32 $0x1080  }
0x71: {  	v13 =	vmov s29;
	s0 =	simm.s32 $0x0;
	p2 =	por $0x0, $0x0;
	v14 =	vld [tilespmem:s2+$0x0];
	s2 =	sadd.s32 $0xFFFFFFFF, s30  }
0x72: {  	_ =	sdelay $0x2  }
0x73: {  	v15 =	vor.u32 s0, v9  }
0x74: {  	vm3 =	vlt.s32 v15, v13;
	vm2 =	veq.s32 v14, v0  }
0x75: {  	vm2 =	vmand vm3, vm2  }
0x76: {  	v14 =	vsel vm2, $0x1, v8  }
0x77: {  	(xrf0) =	vadd.scan.msk.s32 $0xffff, v14;
	_ =	sdelay $0x5  }
0x78: {  	v15, _, _ =	vpop (xrf0)  }
0x79: {  	v16 =	vxor.u32 $0x80000000, v15  }
0x7a: {  	v14 =	vmov s0;
	(xrf0) =	vmax.scan.msk.u32 $0xffff, v16  }
0x7b: {  	v14 =	vadd.s32 $0xFFFFFFFF, v14  }
0x7c: {  	v14 =	vbroadcast v14, $0x0;
	_ =	sdelay $0x1  }
0x7d: {  	v63 =	vld [tilespmem:s1+$0x0];
	v14 =	vadd.s32 v15, v14  }
0x7e: {  	p3 =	sne.s32 s2, $0x1  }
.Ltmp5:
0x7f: {  	v15, _, _ =	vpop (xrf0);
	(pc) =	sbr.rel @!p3 .LBB2_7-.Ltmp5, $3  }
0x80: {  	(v2sf) =	vpush v15, $0xF;
	_ =	sdelay $0x1  }
0x81: {  	s14 =	simm.s32 $0x2110;
	s15 =	sadd.s32 $0xFFFFFFFF, s2;
	p2 =	por $0x1, $0x1;
	[tilespmem:v14+s25+$0x0] =	vst.idx.msk vm2, v63  }
0x82: {  	s2 =	simm.s32 $0x0;
	s31 =	simm.s32 $0x0;
	s5 =	simm.s32 $0x1080;
	v14 =	vld [tilespmem:s14+$0x0]  }
.LBB2_8:
0x83: {  	p3 =	sne.s32 s15, $0x1;
	_ =	sdelay $0x1  }
0x84: {  	s2 =	sadd.s32 $0x10, s2  }
0x85: {  	v15 =	vor.u32 s2, v9  }
0x86: {  	vm3 =	vlt.s32 v15, v13;
	vm2 =	veq.s32 v14, v0  }
0x87: {  	vm2 =	vmand vm3, vm2  }
0x88: {  	v14 =	vsel vm2, $0x1, v8  }
0x89: {  	(xrf0) =	vadd.scan.msk.s32 $0xffff, v14;
	_ =	sdelay $0x3  }
0x8a: {  	s16 =	spop (v2sf)  }
0x8b: {  	s16 =	sadd.s32 s16, s31  }
0x8c: {  	v14, _, _ =	vpop (xrf0);
	s31 =	sadd.s32 $0x80000000, s16  }
0x8d: {  	v15 =	vmov s31;
	v16 =	vxor.u32 $0x80000000, v14  }
0x8e: {  	v15 =	vadd.s32 $0xFFFFFFFF, v15;
	(xrf0) =	vmax.scan.msk.u32 $0xffff, v16  }
0x8f: {  	v15 =	vbroadcast v15, $0x0  }
0x90: {  	s5 =	sadd.s32 $0x10, s5  }
0x91: {  	v16 =	vld [tilespmem:s5+$0x0];
	v14 =	vadd.s32 v14, v15;
	_ =	sdelay $0x2  }
.Ltmp6:
0x92: {  	v15, _, _ =	vpop (xrf0);
	(pc) =	sbr.rel @p3 .LBB2_8-.Ltmp6, $4  }
0x93: {  	(v2sf) =	vpush v15, $0xF  }
0x94: {  	[tilespmem:v14+s25+$0x0] =	vst.idx.msk vm2, v16  }
0x95: {  	s14 =	sadd.s32 $0x10, s14  }
0x96: {  	s15 =	sadd.s32 $0xFFFFFFFF, s15;
	v14 =	vld [tilespmem:s14+$0x0]  }
.LBB2_9:
0x97: {  	_ = 	snop  }
0x98: {  	s2 =	sadd.s32 @p2 $0x10, s2;
	s14 =	simm.s32 $0x0  }
0x99: {  	s14 =	smov.u32 @p2 s2  }
0x9a: {  	v15 =	vor.u32 s14, v9  }
0x9b: {  	vm3 =	vlt.s32 v15, v13;
	vm2 =	veq.s32 v14, v0  }
0x9c: {  	vm2 =	vmand vm3, vm2  }
0x9d: {  	v13 =	vsel vm2, $0x1, v8  }
0x9e: {  	(xrf0) =	vadd.scan.msk.s32 $0xffff, v13;
	_ =	sdelay $0x5  }
0x9f: {  	v13, _, _ =	vpop (xrf0)  }
0xa0: {  	v14 =	vxor.u32 $0x80000000, v13  }
0xa1: {  	(xrf0) =	vmax.scan.msk.u32 $0xffff, v14;
	_ =	sdelay $0x5  }
0xa2: {  	v14, _, _ =	vpop (xrf0)  }
0xa3: {  	(v2sf) =	vpush v14, $0xF;
	_ =	sdelay $0x3  }
0xa4: {  	s2 =	spop @p2 (v2sf)  }
0xa5: {  	s2 =	sadd.s32 @p2 s2, s31  }
0xa6: {  	s2 =	sadd.s32 @p2 $0x80000000, s2  }
0xa7: {  	s0 =	smov.u32 @p2 s2  }
0xa8: {  	v14 =	vmov s0  }
0xa9: {  	v14 =	vadd.s32 $0xFFFFFFFF, v14  }
0xaa: {  	s2 =	sadd.s32 @p2 $0x10, s5;
	v14 =	vbroadcast v14, $0x0  }
0xab: {  	s1 =	smov.u32 @p2 s2  }
0xac: {  	v15 =	vld [tilespmem:s1+$0x0];
	v13 =	vadd.s32 v13, v14;
	_ =	sdelay $0x2  }
0xad: {  	s31 =	spop (v2sf)  }
0xae: {  	s0 =	sadd.s32 s31, s0  }
0xaf: {  	[tilespmem:v13+s25+$0x0] =	vst.idx.msk vm2, v15;
	s0 =	sadd.s32 $0x80000000, s0  }
.LBB2_10:
0xb0: {  	s1 =	rddreg [dreg:$0x9]  }
0xb1: {  	v13 =	vld [tilespmem:s1+$0x1000];
	_ =	sdelay $0x4  }
0xb2: {  	v13 =	vnsel vm0, $0x0, v13  }
0xb3: {  	(xrf0) =	vadd.scan.msk.s32 $0xffff, v13;
	_ =	sdelay $0x5  }
0xb4: {  	v14, _, _ =	vpop (xrf0)  }
0xb5: {  	(v2sf) =	vpush v14, $0xF;
	_ =	sdelay $0xe  }
0xb6: {  	s26 =	spop (v2sf)  }
0xb7: {  	s1 =	sadd.s32 s0, s26  }
0xb8: {  	s2 =	sshra.s32 s1, $0x1F  }
0xb9: {  	s2 =	sshrl.u32 s2, $0x18  }
0xba: {  	s2 =	sadd.s32 s2, s1  }
0xbb: {  	s2 =	sand.u32 $0xFFFFFF00, s2  }
0xbc: {  	s1 =	ssub.s32 s1, s2  }
0xbd: {  	v13 =	vmov s1;
	s1 =	sadd.s32 $0xF, s0  }
0xbe: {  	p2 =	slt.s32 s1, $0x10  }
.Ltmp7:
0xbf: {  	s31 =	rddreg [dreg:$0x5];
	[tilespmem:$0xB300] =	vst v13;
	(pc) =	sbr.rel @p2 .LBB2_14-.Ltmp7, $4  }
0xc0: {  	[hbm4b:s31+s4] =	stream.linear.scatter [tilespmem:s17], [sflag:$0x3], $0x80, $0x38;
	[tilespmem:$0xB380] =	vst v63  }
0xc1: {  	_ =	swait.ge [sflag:s21], $0x80  }
0xc2: {  	[sflag:s21] =	ssyncset.done $0x0  }
0xc3: {  	[sflag:s21] =	ssyncadd.s32 $0xFFFFFF80  }
0xc4: {  	s0 =	sadd.s32 $0xFFFFFFFF, s0  }
0xc5: {  	v13 =	vmov s0  }
0xc6: {  	vm2 =	vlt.s32 v13, v9  }
0xc7: {  	v15 =	vsel vm2, s0, v9;
	_ =	sdelay $0x4  }
0xc8: {  	v15 =	vld.idx.msk [tilespmem:v15+s25+$0x0], $0xffff;
	_ =	sdelay $0x4  }
0xc9: {  	v16 =	vshll.u32 v15, $0x3  }
0xca: {  	v15 =	vand.u32 $0x7, v15;
	v16 =	vand.u32 $0xFFFFFFC0, v16  }
0xcb: {  	v15 =	vor.u32 v15, v16  }
0xcc: {  	v16 =	vperm.xlane v15, v10;
	_ =	sdelay $0x1  }
0xcd: {  	v16 =	vadd.s32 v11, v16;
	_ =	sdelay $0x3  }
0xce: {  	s31 =	simm.s32 $0x0;
	s26 =	simm.s32 $0x3300  }
0xcf: {  	[tilespmem:s26], [sflag:$0x1] =	stream.indirect_vreg.gather [hbm4b:s6+s31], $0x80, v16, vm1, $0xb8;
	[tilespmem:$0xB380] =	vst v63  }
0xd0: {  	s2 =	simm.s32 $0x3B00;
	s7 =	sshra.s32 s1, $0x1F;
	v15 =	vperm.xlane v15, v12  }
0xd1: {  	[tilespmem:s2], [sflag:$0x1] =	stream.indirect_vreg.gather [hbm4b:s8+s31], $0x80, v16, vm1, $0xb8;
	[tilespmem:$0xB380] =	vst v63  }
0xd2: {  	s5 =	simm.s32 $0x4300;
	s0 =	sshrl.u32 s7, $0x1C;
	v15 =	vadd.s32 v11, v15  }
0xd3: {  	[tilespmem:s5], [sflag:$0x1] =	stream.indirect_vreg.gather [hbm4b:s9+s31], $0x80, v16, vm1, $0xb8;
	[tilespmem:$0xB380] =	vst v63  }
0xd4: {  	s0 =	sadd.s32 s0, s1;
	s2 =	simm.s32 $0x4B00  }
0xd5: {  	[tilespmem:s2], [sflag:$0x1] =	stream.indirect_vreg.gather [hbm4b:s10+s31], $0x80, v16, vm1, $0xb8;
	[tilespmem:$0xB380] =	vst v63  }
0xd6: {  	s14 =	simm.s32 $0x5300;
	s0 =	sshra.s32 s0, $0x4  }
0xd7: {  	[tilespmem:s14], [sflag:$0x1] =	stream.indirect_vreg.gather [hbm4b:s6+s31], $0x80, v15, vm1, $0xb8;
	[tilespmem:$0xB380] =	vst v63  }
0xd8: {  	s15 =	simm.s32 $0x5B00;
	p2 =	sle.s32 s0, $0x1  }
0xd9: {  	[tilespmem:s15], [sflag:$0x1] =	stream.indirect_vreg.gather [hbm4b:s8+s31], $0x80, v15, vm1, $0xb8;
	[tilespmem:$0xB380] =	vst v63  }
0xda: {  	s16 =	simm.s32 $0x6300;
	s1 =	simm.s32 @!p2 $0x10;
	v16 =	vlaneseq.u32 @!p2  }
0xdb: {  	v17 =	vor.u32 @!p2 s1, v16;
	[tilespmem:s16], [sflag:$0x1] =	stream.indirect_vreg.gather [hbm4b:s9+s31], $0x80, v15, vm1, $0xb8;
	[tilespmem:$0xB380] =	vst v63  }
0xdc: {  	s17 =	simm.s32 $0x6B00;
	p3 =	por $0x1, $0x1;
	vm2 =	vlt.s32 @!p2 v17, v13  }
0xdd: {  	[tilespmem:s17], [sflag:$0x1] =	stream.indirect_vreg.gather [hbm4b:s10+s31], $0x80, v15, vm1, $0xb8;
	v15 =	vsel @!p2 vm2, v17, v13;
	[tilespmem:$0xB380] =	vst v63  }
0xde: {  	s1 =	simm.s32 @!p3 $0x2  }
0xdf: {  	_ =	swait.ge @!p3 [sflag:s1], $0x4000  }
0xe0: {  	[sflag:s1] =	ssyncset.done @!p3 $0x0  }
0xe1: {  	[sflag:s1] =	ssyncadd.s32 @!p3 $0xFFFFC000;
	s1 =	simm.s32 @!p2 $0x3180  }
0xe2: {  	v15 =	vld.idx.msk @!p2 [tilespmem:v15+s1+$0x0], $0xffff;
	_ =	sdelay $0x4  }
0xe3: {  	v17 =	vshll.u32 @!p2 v15, $0x3  }
0xe4: {  	v15 =	vand.u32 @!p2 $0x7, v15;
	v17 =	vand.u32 @!p2 $0xFFFFFFC0, v17  }
0xe5: {  	v18 =	vand.u32 @!p2 $0x7, v16;
	v19 =	vshrl.u32 @!p2 v16, $0x3;
	v15 =	vor.u32 @!p2 v15, v17  }
0xe6: {  	v17 =	vperm.xlane @!p2 v15, v18;
	v18 =	vmul.u32 @!p2 $0x8, v19;
	_ =	sdelay $0x1  }
0xe7: {  	v17 =	vadd.s32 @!p2 v18, v17;
	_ =	sdelay $0x1  }
0xe8: {  	s1 =	simm.s32 @!p2 $0x4000;
	v19 =	vor.u32 s31, v9  }
0xe9: {  	v14 =	vbroadcast v14, $0xF;
	s1 =	sand.u32 @!p2 $0x4000, s1;
	vm2 =	vlt.s32 v19, v13  }
0xea: {  	s5 =	simm.s32 @!p2 $0x0;
	s2 =	sor.u32 @!p2 $0x3300, s1;
	v19 =	vsel vm2, v19, v13;
	vm2 =	vmmov @!p2 $0xffff  }
0xeb: {  	v16 =	vor.u32 @!p2 $0x8, v16;
	v19 =	vadd.s32 v14, v19;
	[tilespmem:s2], [sflag:$0x1] =	stream.indirect_vreg.gather @!p2 [hbm4b:s6+s5], $0x80, v17, vm2, $0xb8;
	[tilespmem:$0xB380] =	vst v63  }
0xec: {  	v15 =	vperm.xlane @!p2 v15, v16;
	v16 =	vshra.s32 v19, $0x1F;
	s2 =	sor.u32 @!p2 $0x3B00, s1  }
0xed: {  	v16 =	vshrl.u32 v16, $0x18;
	[tilespmem:s2], [sflag:$0x1] =	stream.indirect_vreg.gather @!p2 [hbm4b:s8+s5], $0x80, v17, vm2, $0xb8;
	[tilespmem:$0xB380] =	vst v63  }
0xee: {  	v15 =	vadd.s32 @!p2 v18, v15;
	v16 =	vadd.s32 v16, v19;
	s2 =	sadd.s32 @!p2 $0x4300, s1  }
0xef: {  	v16 =	vshrl.u32 v16, $0x8;
	[tilespmem:s2], [sflag:$0x1] =	stream.indirect_vreg.gather @!p2 [hbm4b:s9+s5], $0x80, v17, vm2, $0xb8;
	[tilespmem:$0xB380] =	vst v63  }
0xf0: {  	v16 =	vshll.u32 v16, $0x8;
	s2 =	sadd.s32 @!p2 $0x4B00, s1  }
0xf1: {  	v16 =	vsub.s32 v19, v16;
	[tilespmem:s2], [sflag:$0x1] =	stream.indirect_vreg.gather @!p2 [hbm4b:s10+s5], $0x80, v17, vm2, $0xb8;
	[tilespmem:$0xB380] =	vst v63  }
0xf2: {  	s2 =	sadd.s32 @!p2 $0x5300, s1;
	v17 =	vadd.s32 v1, v16  }
0xf3: {  	v17 =	vshll.u32 v17, $0x3;
	[tilespmem:s2], [sflag:$0x1] =	stream.indirect_vreg.gather @!p2 [hbm4b:s6+s5], $0x80, v15, vm2, $0xb8;
	[tilespmem:$0xB380] =	vst v63  }
0xf4: {  	v16 =	vand.u32 $0x7, v16;
	s2 =	sadd.s32 @!p2 $0x5B00, s1;
	v17 =	vand.u32 $0xFFFFFFC0, v17  }
0xf5: {  	v17 =	vor.u32 v16, v17;
	[tilespmem:s2], [sflag:$0x1] =	stream.indirect_vreg.gather @!p2 [hbm4b:s8+s5], $0x80, v15, vm2, $0xb8;
	[tilespmem:$0xB380] =	vst v63  }
0xf6: {  	s2 =	sadd.s32 @!p2 $0x6300, s1;
	v16 =	vperm.xlane v17, v10  }
0xf7: {  	[tilespmem:s2], [sflag:$0x1] =	stream.indirect_vreg.gather @!p2 [hbm4b:s9+s5], $0x80, v15, vm2, $0xb8;
	[tilespmem:$0xB380] =	vst v63  }
0xf8: {  	s18 =	simm.s32 $0x0;
	s1 =	sadd.s32 @!p2 $0x6B00, s1;
	v16 =	vadd.s32 v11, v16  }
0xf9: {  	[tilespmem:s1], [sflag:$0x1] =	stream.indirect_vreg.gather @!p2 [hbm4b:s10+s5], $0x80, v15, vm2, $0xb8;
	[tilespmem:$0xB380] =	vst v63  }
0xfa: {  	s19 =	sand.u32 $0x10000, s18;
	_ =	swait.ge [sflag:s22], $0x4000  }
0xfb: {  	s2 =	sshrl.u32 s19, $0x2;
	[sflag:s22] =	ssyncset.done $0x0  }
0xfc: {  	s1 =	sor.u32 $0x3300, s2;
	p2 =	sne.s32 s0, $0x1;
	[sflag:s22] =	ssyncadd.s32 $0xFFFFC000  }
0xfd: {  	[hbm4b:s3+s4] =	stream.indirect_vreg.scatter [tilespmem:s1], [sflag:$0x2], $0x80, v16, vm1, $0xb8;
	[tilespmem:$0xB380] =	vst v63  }
.Ltmp8:
0xfe: {  	_ = 	snop;
	(pc) =	sbr.rel @!p2 .LBB2_13-.Ltmp8, $4  }
0xff: {  	s20 =	sor.u32 $0x3B00, s2;
	s26 =	sadd.s32 $0x4300, s2  }
0x100: {  	v15 =	vperm.xlane v17, v12;
	[hbm4b:s11+s4] =	stream.indirect_vreg.scatter [tilespmem:s20], [sflag:$0x2], $0x80, v16, vm1, $0xb8;
	[tilespmem:$0xB380] =	vst v63  }
0x101: {  	s14 =	sadd.s32 $0x4B00, s2;
	s5 =	simm.s32 $0x10000;
	s1 =	simm.s32 $0x1  }
0x102: {  	v15 =	vadd.s32 v11, v15;
	[hbm4b:s12+s4] =	stream.indirect_vreg.scatter [tilespmem:s26], [sflag:$0x2], $0x80, v16, vm1, $0xb8;
	[tilespmem:$0xB380] =	vst v63  }
.LBB2_12:
0x103: {  	s31 =	sadd.s32 $0x10, s31;
	s15 =	smov.u32 s1;
	s1 =	sadd.s32 $0x1, s1  }
0x104: {  	[hbm4b:s13+s4] =	stream.indirect_vreg.scatter [tilespmem:s14], [sflag:$0x2], $0x80, v16, vm1, $0xb8;
	[tilespmem:$0xB380] =	vst v63  }
0x105: {  	s5 =	sadd.s32 $0x10000, s5;
	p2 =	sge.s32 s1, s0;
	s14 =	sadd.s32 $0x5300, s2  }
0x106: {  	s18 =	sadd.s32 $0x5B00, s2;
	s16 =	sadd.s32 @!p2 $0x10, s31;
	v16 =	vlaneseq.u32 @!p2;
	s17 =	sshrl.u32 @!p2 s5, $0x2  }
0x107: {  	v17 =	vor.u32 @!p2 s16, v16;
	v18 =	vand.u32 @!p2 $0x7, v16;
	v19 =	vshrl.u32 @!p2 v16, $0x3;
	[hbm4b:s3+s4] =	stream.indirect_vreg.scatter [tilespmem:s14], [sflag:$0x2], $0x80, v15, vm1, $0xb8;
	[tilespmem:$0xB380] =	vst v63  }
0x108: {  	s16 =	sand.u32 @!p2 $0x4000, s17;
	v16 =	vor.u32 @!p2 $0x8, v16;
	vm2 =	vlt.s32 @!p2 v17, v13;
	s14 =	sadd.s32 $0x6300, s2;
	s2 =	sadd.s32 $0x6B00, s2  }
0x109: {  	v17 =	vsel @!p2 vm2, v17, v13;
	[hbm4b:s11+s4] =	stream.indirect_vreg.scatter [tilespmem:s18], [sflag:$0x2], $0x80, v15, vm1, $0xb8;
	[tilespmem:$0xB380] =	vst v63  }
0x10a: {  	p3 =	seq.s32 s15, $0x0;
	s17 =	sor.u32 @!p2 $0x3300, s16;
	s18 =	sor.u32 @!p2 $0x3B00, s16  }
0x10b: {  	[hbm4b:s12+s4] =	stream.indirect_vreg.scatter [tilespmem:s14], [sflag:$0x2], $0x80, v15, vm1, $0xb8;
	[tilespmem:$0xB380] =	vst v63  }
0x10c: {  	s19 =	simm.s32 @!p3 $0x2;
	s7 =	sadd.s32 @!p2 $0x4300, s16;
	s26 =	sadd.s32 @!p2 $0x4B00, s16  }
0x10d: {  	[hbm4b:s13+s4] =	stream.indirect_vreg.scatter [tilespmem:s2], [sflag:$0x2], $0x80, v15, vm1, $0xb8;
	[tilespmem:$0xB380] =	vst v63  }
0x10e: {  	s20 =	sadd.s32 @!p2 $0x5300, s16;
	s15 =	sadd.s32 @!p2 $0x5B00, s16;
	_ =	swait.ge @!p3 [sflag:s19], $0x4000  }
0x10f: {  	s14 =	sadd.s32 @!p2 $0x6300, s16;
	s2 =	sadd.s32 @!p2 $0x6B00, s16;
	[sflag:s19] =	ssyncset.done @!p3 $0x0  }
0x110: {  	s16 =	simm.s32 @!p2 $0x3180;
	[sflag:s19] =	ssyncadd.s32 @!p3 $0xFFFFC000;
	p3 =	sne.s32 s0, s1  }
0x111: {  	v15 =	vld.idx.msk @!p2 [tilespmem:v17+s16+$0x0], $0xffff;
	_ =	sdelay $0x5  }
0x112: {  	v17 =	vand.u32 @!p2 $0x7, v15;
	v15 =	vshll.u32 @!p2 v15, $0x3  }
0x113: {  	v15 =	vand.u32 @!p2 $0xFFFFFFC0, v15  }
0x114: {  	v15 =	vor.u32 @!p2 v17, v15  }
0x115: {  	v17 =	vperm.xlane @!p2 v15, v18;
	v18 =	vmul.u32 @!p2 $0x8, v19;
	v15 =	vperm.xlane @!p2 v15, v16;
	_ =	sdelay $0x1  }
0x116: {  	v16 =	vadd.s32 @!p2 v18, v17;
	_ =	sdelay $0x1  }
0x117: {  	v17 =	vor.u32 s31, v9  }
0x118: {  	vm3 =	vlt.s32 v17, v13  }
0x119: {  	vm2 =	vmmov @!p2 $0xffff;
	s16 =	simm.s32 @!p2 $0x0;
	v17 =	vsel vm3, v17, v13  }
0x11a: {  	v17 =	vadd.s32 v14, v17;
	[tilespmem:s17], [sflag:$0x1] =	stream.indirect_vreg.gather @!p2 [hbm4b:s6+s16], $0x80, v16, vm2, $0xb8;
	[tilespmem:$0xB380] =	vst v63  }
0x11b: {  	v19 =	vshra.s32 v17, $0x1F  }
0x11c: {  	v19 =	vshrl.u32 v19, $0x18;
	[tilespmem:s18], [sflag:$0x1] =	stream.indirect_vreg.gather @!p2 [hbm4b:s8+s16], $0x80, v16, vm2, $0xb8;
	[tilespmem:$0xB380] =	vst v63  }
0x11d: {  	v15 =	vadd.s32 @!p2 v18, v15;
	v18 =	vadd.s32 v19, v17  }
0x11e: {  	v18 =	vshrl.u32 v18, $0x8;
	[tilespmem:s7], [sflag:$0x1] =	stream.indirect_vreg.gather @!p2 [hbm4b:s9+s16], $0x80, v16, vm2, $0xb8;
	[tilespmem:$0xB380] =	vst v63  }
0x11f: {  	v18 =	vshll.u32 v18, $0x8  }
0x120: {  	[tilespmem:s26], [sflag:$0x1] =	stream.indirect_vreg.gather @!p2 [hbm4b:s10+s16], $0x80, v16, vm2, $0xb8;
	v16 =	vsub.s32 v17, v18;
	[tilespmem:$0xB380] =	vst v63  }
0x121: {  	v17 =	vadd.s32 v1, v16  }
0x122: {  	[tilespmem:s20], [sflag:$0x1] =	stream.indirect_vreg.gather @!p2 [hbm4b:s6+s16], $0x80, v15, vm2, $0xb8;
	v17 =	vshll.u32 v17, $0x3;
	[tilespmem:$0xB380] =	vst v63  }
0x123: {  	v16 =	vand.u32 $0x7, v16;
	v17 =	vand.u32 $0xFFFFFFC0, v17  }
0x124: {  	[tilespmem:s15], [sflag:$0x1] =	stream.indirect_vreg.gather @!p2 [hbm4b:s8+s16], $0x80, v15, vm2, $0xb8;
	v16 =	vor.u32 v16, v17;
	[tilespmem:$0xB380] =	vst v63  }
0x125: {  	v17 =	vperm.xlane v16, v10;
	v18 =	vperm.xlane v16, v12  }
0x126: {  	[tilespmem:s14], [sflag:$0x1] =	stream.indirect_vreg.gather @!p2 [hbm4b:s9+s16], $0x80, v15, vm2, $0xb8;
	[tilespmem:$0xB380] =	vst v63  }
0x127: {  	s7 =	sadd.s32 $0xFFFF0000, s5;
	v16 =	vadd.s32 v11, v17  }
0x128: {  	[tilespmem:s2], [sflag:$0x1] =	stream.indirect_vreg.gather @!p2 [hbm4b:s10+s16], $0x80, v15, vm2, $0xb8;
	[tilespmem:$0xB380] =	vst v63  }
0x129: {  	s2 =	sand.u32 $0x10000, s7;
	_ =	swait.ge [sflag:s22], $0x4000  }
0x12a: {  	s2 =	sshrl.u32 s2, $0x2;
	[sflag:s22] =	ssyncset.done $0x0  }
0x12b: {  	s7 =	sor.u32 $0x3300, s2;
	s14 =	sadd.s32 $0x4B00, s2;
	[sflag:s22] =	ssyncadd.s32 $0xFFFFC000  }
0x12c: {  	[hbm4b:s3+s4] =	stream.indirect_vreg.scatter [tilespmem:s7], [sflag:$0x2], $0x80, v16, vm1, $0xb8;
	[tilespmem:$0xB380] =	vst v63  }
.Ltmp9:
0x12d: {  	_ = 	snop;
	(pc) =	sbr.rel @p3 .LBB2_12-.Ltmp9, $4  }
0x12e: {  	s7 =	sor.u32 $0x3B00, s2  }
0x12f: {  	[hbm4b:s11+s4] =	stream.indirect_vreg.scatter [tilespmem:s7], [sflag:$0x2], $0x80, v16, vm1, $0xb8;
	[tilespmem:$0xB380] =	vst v63  }
0x130: {  	v15 =	vadd.s32 v11, v18;
	s7 =	sadd.s32 $0x4300, s2  }
0x131: {  	[hbm4b:s12+s4] =	stream.indirect_vreg.scatter [tilespmem:s7], [sflag:$0x2], $0x80, v16, vm1, $0xb8;
	[tilespmem:$0xB380] =	vst v63  }
.LBB2_13:
0x132: {  	_ =	sdelay $0x3  }
0x133: {  	[hbm4b:s13+s4] =	stream.indirect_vreg.scatter [tilespmem:s14], [sflag:$0x2], $0x80, v16, vm1, $0xb8;
	[tilespmem:$0xB380] =	vst v63  }
0x134: {  	s0 =	sadd.s32 $0x5300, s2  }
0x135: {  	[hbm4b:s3+s4] =	stream.indirect_vreg.scatter [tilespmem:s0], [sflag:$0x2], $0x80, v15, vm1, $0xb8;
	[tilespmem:$0xB380] =	vst v63  }
0x136: {  	s19 =	sadd.s32 $0x5B00, s2  }
0x137: {  	[hbm4b:s11+s4] =	stream.indirect_vreg.scatter [tilespmem:s19], [sflag:$0x2], $0x80, v15, vm1, $0xb8;
	[tilespmem:$0xB380] =	vst v63  }
0x138: {  	s20 =	sadd.s32 $0x6300, s2  }
0x139: {  	[hbm4b:s12+s4] =	stream.indirect_vreg.scatter [tilespmem:s20], [sflag:$0x2], $0x80, v15, vm1, $0xb8;
	[tilespmem:$0xB380] =	vst v63  }
0x13a: {  	s26 =	sadd.s32 $0x6B00, s2;
	s31 =	simm.s32 $0x2  }
0x13b: {  	[hbm4b:s13+s4] =	stream.indirect_vreg.scatter [tilespmem:s26], [sflag:$0x2], $0x80, v15, vm1, $0xb8;
	[tilespmem:$0xB380] =	vst v63  }
0x13c: {  	_ =	swait.ge [sflag:s31], $0x4000  }
0x13d: {  	[sflag:s31] =	ssyncset.done $0x0  }
0x13e: {  	s17 =	simm.s32 $0xB300;
	[sflag:s31] =	ssyncadd.s32 $0xFFFFC000  }
.LBB2_14:
.Ltmp10:
0x13f: {  	(pc) =	sbr.rel @p1 .LBB2_21-.Ltmp10, $2  }
0x140: {  	_ =	sdelay $0x2  }
0x141: {  	s0 =	simm.s32 $0x0  }
0x142: {  	p3 =	sne.s32 s30, $0x1  }
.Ltmp11:
0x143: {  	_ = 	snop;
	(pc) =	sbr.rel @!p3 .LBB2_16-.Ltmp11, $3  }
0x144: {  	_ =	sdelay $0x1  }
0x145: {  	s2 =	simm.s32 $0x2100;
	s1 =	simm.s32 $0x1080  }
0x146: {  	v13 =	vmov s29;
	s0 =	simm.s32 $0x0;
	p2 =	por $0x0, $0x0;
	v14 =	vld [tilespmem:s2+$0x0];
	s2 =	sadd.s32 $0xFFFFFFFF, s30  }
0x147: {  	_ =	sdelay $0x2  }
0x148: {  	v15 =	vor.u32 s0, v9  }
0x149: {  	vm3 =	vlt.s32 v15, v13;
	vm2 =	veq.s32 v14, v2  }
0x14a: {  	vm2 =	vmand vm3, vm2  }
0x14b: {  	v14 =	vsel vm2, $0x1, v8  }
0x14c: {  	(xrf0) =	vadd.scan.msk.s32 $0xffff, v14;
	_ =	sdelay $0x5  }
0x14d: {  	v15, _, _ =	vpop (xrf0)  }
0x14e: {  	v16 =	vxor.u32 $0x80000000, v15  }
0x14f: {  	v14 =	vmov s0;
	(xrf0) =	vmax.scan.msk.u32 $0xffff, v16  }
0x150: {  	v14 =	vadd.s32 $0xFFFFFFFF, v14  }
0x151: {  	v14 =	vbroadcast v14, $0x0;
	_ =	sdelay $0x1  }
0x152: {  	v63 =	vld [tilespmem:s1+$0x0];
	v14 =	vadd.s32 v15, v14  }
0x153: {  	p3 =	sne.s32 s2, $0x1  }
.Ltmp12:
0x154: {  	v15, _, _ =	vpop (xrf0);
	(pc) =	sbr.rel @!p3 .LBB2_18-.Ltmp12, $3  }
0x155: {  	(v2sf) =	vpush v15, $0xF;
	_ =	sdelay $0x1  }
0x156: {  	s14 =	simm.s32 $0x2110;
	s15 =	sadd.s32 $0xFFFFFFFF, s2;
	p2 =	por $0x1, $0x1;
	[tilespmem:v14+s25+$0x0] =	vst.idx.msk vm2, v63  }
0x157: {  	s2 =	simm.s32 $0x0;
	s31 =	simm.s32 $0x0;
	s5 =	simm.s32 $0x1080;
	v14 =	vld [tilespmem:s14+$0x0]  }
.LBB2_19:
0x158: {  	p3 =	sne.s32 s15, $0x1;
	_ =	sdelay $0x1  }
0x159: {  	s2 =	sadd.s32 $0x10, s2  }
0x15a: {  	v15 =	vor.u32 s2, v9  }
0x15b: {  	vm3 =	vlt.s32 v15, v13;
	vm2 =	veq.s32 v14, v2  }
0x15c: {  	vm2 =	vmand vm3, vm2  }
0x15d: {  	v14 =	vsel vm2, $0x1, v8  }
0x15e: {  	(xrf0) =	vadd.scan.msk.s32 $0xffff, v14;
	_ =	sdelay $0x3  }
0x15f: {  	s7 =	spop (v2sf)  }
0x160: {  	s7 =	sadd.s32 s7, s31  }
0x161: {  	v14, _, _ =	vpop (xrf0);
	s31 =	sadd.s32 $0x80000000, s7  }
0x162: {  	v15 =	vmov s31;
	v16 =	vxor.u32 $0x80000000, v14  }
0x163: {  	v15 =	vadd.s32 $0xFFFFFFFF, v15;
	(xrf0) =	vmax.scan.msk.u32 $0xffff, v16  }
0x164: {  	v15 =	vbroadcast v15, $0x0  }
0x165: {  	s5 =	sadd.s32 $0x10, s5  }
0x166: {  	v16 =	vld [tilespmem:s5+$0x0];
	v14 =	vadd.s32 v14, v15;
	_ =	sdelay $0x2  }
.Ltmp13:
0x167: {  	v15, _, _ =	vpop (xrf0);
	(pc) =	sbr.rel @p3 .LBB2_19-.Ltmp13, $4  }
0x168: {  	(v2sf) =	vpush v15, $0xF  }
0x169: {  	[tilespmem:v14+s25+$0x0] =	vst.idx.msk vm2, v16  }
0x16a: {  	s14 =	sadd.s32 $0x10, s14  }
0x16b: {  	s15 =	sadd.s32 $0xFFFFFFFF, s15;
	v14 =	vld [tilespmem:s14+$0x0]  }
.LBB2_20:
0x16c: {  	_ = 	snop  }
0x16d: {  	s2 =	sadd.s32 @p2 $0x10, s2;
	s7 =	simm.s32 $0x0  }
0x16e: {  	s7 =	smov.u32 @p2 s2  }
0x16f: {  	v15 =	vor.u32 s7, v9  }
0x170: {  	vm3 =	vlt.s32 v15, v13;
	vm2 =	veq.s32 v14, v2  }
0x171: {  	vm2 =	vmand vm3, vm2  }
0x172: {  	v13 =	vsel vm2, $0x1, v8  }
0x173: {  	(xrf0) =	vadd.scan.msk.s32 $0xffff, v13;
	_ =	sdelay $0x5  }
0x174: {  	v13, _, _ =	vpop (xrf0)  }
0x175: {  	v14 =	vxor.u32 $0x80000000, v13  }
0x176: {  	(xrf0) =	vmax.scan.msk.u32 $0xffff, v14;
	_ =	sdelay $0x5  }
0x177: {  	v14, _, _ =	vpop (xrf0)  }
0x178: {  	(v2sf) =	vpush v14, $0xF;
	_ =	sdelay $0x3  }
0x179: {  	s2 =	spop @p2 (v2sf)  }
0x17a: {  	s2 =	sadd.s32 @p2 s2, s31  }
0x17b: {  	s2 =	sadd.s32 @p2 $0x80000000, s2  }
0x17c: {  	s0 =	smov.u32 @p2 s2  }
0x17d: {  	v14 =	vmov s0  }
0x17e: {  	v14 =	vadd.s32 $0xFFFFFFFF, v14  }
0x17f: {  	s2 =	sadd.s32 @p2 $0x10, s5;
	v14 =	vbroadcast v14, $0x0  }
0x180: {  	s1 =	smov.u32 @p2 s2  }
0x181: {  	v15 =	vld [tilespmem:s1+$0x0];
	v13 =	vadd.s32 v13, v14;
	_ =	sdelay $0x2  }
0x182: {  	s31 =	spop (v2sf)  }
0x183: {  	s0 =	sadd.s32 s31, s0  }
0x184: {  	[tilespmem:v13+s25+$0x0] =	vst.idx.msk vm2, v15;
	s0 =	sadd.s32 $0x80000000, s0  }
.LBB2_21:
0x185: {  	s1 =	rddreg [dreg:$0xa]  }
0x186: {  	v13 =	vld [tilespmem:s1+$0x1000];
	_ =	sdelay $0x4  }
0x187: {  	v13 =	vnsel vm0, $0x0, v13  }
0x188: {  	(xrf0) =	vadd.scan.msk.s32 $0xffff, v13;
	_ =	sdelay $0x5  }
0x189: {  	v14, _, _ =	vpop (xrf0)  }
0x18a: {  	(v2sf) =	vpush v14, $0xF;
	_ =	sdelay $0xe  }
0x18b: {  	s26 =	spop (v2sf)  }
0x18c: {  	s1 =	sadd.s32 s0, s26  }
0x18d: {  	s2 =	sshra.s32 s1, $0x1F  }
0x18e: {  	s2 =	sshrl.u32 s2, $0x18  }
0x18f: {  	s2 =	sadd.s32 s2, s1  }
0x190: {  	s2 =	sand.u32 $0xFFFFFF00, s2  }
0x191: {  	s1 =	ssub.s32 s1, s2  }
0x192: {  	v13 =	vmov s1;
	s1 =	sadd.s32 $0xF, s0  }
0x193: {  	p2 =	slt.s32 s1, $0x10  }
.Ltmp14:
0x194: {  	s31 =	rddreg [dreg:$0x6];
	[tilespmem:$0xB300] =	vst v13;
	(pc) =	sbr.rel @p2 .LBB2_25-.Ltmp14, $4  }
0x195: {  	[hbm4b:s31+s4] =	stream.linear.scatter [tilespmem:s17], [sflag:$0x3], $0x80, $0x38;
	[tilespmem:$0xB380] =	vst v63  }
0x196: {  	_ =	swait.ge [sflag:s21], $0x80  }
0x197: {  	[sflag:s21] =	ssyncset.done $0x0  }
0x198: {  	[sflag:s21] =	ssyncadd.s32 $0xFFFFFF80  }
0x199: {  	s0 =	sadd.s32 $0xFFFFFFFF, s0  }
0x19a: {  	v13 =	vmov s0  }
0x19b: {  	vm2 =	vlt.s32 v13, v9  }
0x19c: {  	v15 =	vsel vm2, s0, v9;
	_ =	sdelay $0x4  }
0x19d: {  	v15 =	vld.idx.msk [tilespmem:v15+s25+$0x0], $0xffff;
	_ =	sdelay $0x4  }
0x19e: {  	v16 =	vshll.u32 v15, $0x3  }
0x19f: {  	v15 =	vand.u32 $0x7, v15;
	v16 =	vand.u32 $0xFFFFFFC0, v16  }
0x1a0: {  	v15 =	vor.u32 v15, v16  }
0x1a1: {  	v16 =	vperm.xlane v15, v10;
	_ =	sdelay $0x1  }
0x1a2: {  	v16 =	vadd.s32 v11, v16;
	_ =	sdelay $0x3  }
0x1a3: {  	s31 =	simm.s32 $0x0;
	s26 =	simm.s32 $0x3300  }
0x1a4: {  	[tilespmem:s26], [sflag:$0x1] =	stream.indirect_vreg.gather [hbm4b:s6+s31], $0x80, v16, vm1, $0xb8;
	[tilespmem:$0xB380] =	vst v63  }
0x1a5: {  	s2 =	simm.s32 $0x3B00;
	s7 =	sshra.s32 s1, $0x1F;
	v15 =	vperm.xlane v15, v12  }
0x1a6: {  	[tilespmem:s2], [sflag:$0x1] =	stream.indirect_vreg.gather [hbm4b:s8+s31], $0x80, v16, vm1, $0xb8;
	[tilespmem:$0xB380] =	vst v63  }
0x1a7: {  	s5 =	simm.s32 $0x4300;
	s0 =	sshrl.u32 s7, $0x1C;
	v15 =	vadd.s32 v11, v15  }
0x1a8: {  	[tilespmem:s5], [sflag:$0x1] =	stream.indirect_vreg.gather [hbm4b:s9+s31], $0x80, v16, vm1, $0xb8;
	[tilespmem:$0xB380] =	vst v63  }
0x1a9: {  	s0 =	sadd.s32 s0, s1;
	s2 =	simm.s32 $0x4B00  }
0x1aa: {  	[tilespmem:s2], [sflag:$0x1] =	stream.indirect_vreg.gather [hbm4b:s10+s31], $0x80, v16, vm1, $0xb8;
	[tilespmem:$0xB380] =	vst v63  }
0x1ab: {  	s14 =	simm.s32 $0x5300;
	s0 =	sshra.s32 s0, $0x4  }
0x1ac: {  	[tilespmem:s14], [sflag:$0x1] =	stream.indirect_vreg.gather [hbm4b:s6+s31], $0x80, v15, vm1, $0xb8;
	[tilespmem:$0xB380] =	vst v63  }
0x1ad: {  	s15 =	simm.s32 $0x5B00;
	p2 =	sle.s32 s0, $0x1  }
0x1ae: {  	[tilespmem:s15], [sflag:$0x1] =	stream.indirect_vreg.gather [hbm4b:s8+s31], $0x80, v15, vm1, $0xb8;
	[tilespmem:$0xB380] =	vst v63  }
0x1af: {  	s16 =	simm.s32 $0x6300;
	s1 =	simm.s32 @!p2 $0x10;
	v16 =	vlaneseq.u32 @!p2  }
0x1b0: {  	v17 =	vor.u32 @!p2 s1, v16;
	[tilespmem:s16], [sflag:$0x1] =	stream.indirect_vreg.gather [hbm4b:s9+s31], $0x80, v15, vm1, $0xb8;
	[tilespmem:$0xB380] =	vst v63  }
0x1b1: {  	s17 =	simm.s32 $0x6B00;
	p3 =	por $0x1, $0x1;
	vm2 =	vlt.s32 @!p2 v17, v13  }
0x1b2: {  	[tilespmem:s17], [sflag:$0x1] =	stream.indirect_vreg.gather [hbm4b:s10+s31], $0x80, v15, vm1, $0xb8;
	v15 =	vsel @!p2 vm2, v17, v13;
	[tilespmem:$0xB380] =	vst v63  }
0x1b3: {  	s1 =	simm.s32 @!p3 $0x2  }
0x1b4: {  	_ =	swait.ge @!p3 [sflag:s1], $0x4000  }
0x1b5: {  	[sflag:s1] =	ssyncset.done @!p3 $0x0  }
0x1b6: {  	[sflag:s1] =	ssyncadd.s32 @!p3 $0xFFFFC000;
	s1 =	simm.s32 @!p2 $0x3180  }
0x1b7: {  	v15 =	vld.idx.msk @!p2 [tilespmem:v15+s1+$0x0], $0xffff;
	_ =	sdelay $0x4  }
0x1b8: {  	v17 =	vshll.u32 @!p2 v15, $0x3  }
0x1b9: {  	v15 =	vand.u32 @!p2 $0x7, v15;
	v17 =	vand.u32 @!p2 $0xFFFFFFC0, v17  }
0x1ba: {  	v18 =	vand.u32 @!p2 $0x7, v16;
	v19 =	vshrl.u32 @!p2 v16, $0x3;
	v15 =	vor.u32 @!p2 v15, v17  }
0x1bb: {  	v17 =	vperm.xlane @!p2 v15, v18;
	v18 =	vmul.u32 @!p2 $0x8, v19;
	_ =	sdelay $0x1  }
0x1bc: {  	v17 =	vadd.s32 @!p2 v18, v17;
	_ =	sdelay $0x1  }
0x1bd: {  	s1 =	simm.s32 @!p2 $0x4000;
	v19 =	vor.u32 s31, v9  }
0x1be: {  	v14 =	vbroadcast v14, $0xF;
	s1 =	sand.u32 @!p2 $0x4000, s1;
	vm2 =	vlt.s32 v19, v13  }
0x1bf: {  	s5 =	simm.s32 @!p2 $0x0;
	s2 =	sor.u32 @!p2 $0x3300, s1;
	v19 =	vsel vm2, v19, v13;
	vm2 =	vmmov @!p2 $0xffff  }
0x1c0: {  	v16 =	vor.u32 @!p2 $0x8, v16;
	v19 =	vadd.s32 v14, v19;
	[tilespmem:s2], [sflag:$0x1] =	stream.indirect_vreg.gather @!p2 [hbm4b:s6+s5], $0x80, v17, vm2, $0xb8;
	[tilespmem:$0xB380] =	vst v63  }
0x1c1: {  	v15 =	vperm.xlane @!p2 v15, v16;
	v16 =	vshra.s32 v19, $0x1F;
	s2 =	sor.u32 @!p2 $0x3B00, s1  }
0x1c2: {  	v16 =	vshrl.u32 v16, $0x18;
	[tilespmem:s2], [sflag:$0x1] =	stream.indirect_vreg.gather @!p2 [hbm4b:s8+s5], $0x80, v17, vm2, $0xb8;
	[tilespmem:$0xB380] =	vst v63  }
0x1c3: {  	v15 =	vadd.s32 @!p2 v18, v15;
	v16 =	vadd.s32 v16, v19;
	s2 =	sadd.s32 @!p2 $0x4300, s1  }
0x1c4: {  	v16 =	vshrl.u32 v16, $0x8;
	[tilespmem:s2], [sflag:$0x1] =	stream.indirect_vreg.gather @!p2 [hbm4b:s9+s5], $0x80, v17, vm2, $0xb8;
	[tilespmem:$0xB380] =	vst v63  }
0x1c5: {  	v16 =	vshll.u32 v16, $0x8;
	s2 =	sadd.s32 @!p2 $0x4B00, s1  }
0x1c6: {  	v16 =	vsub.s32 v19, v16;
	[tilespmem:s2], [sflag:$0x1] =	stream.indirect_vreg.gather @!p2 [hbm4b:s10+s5], $0x80, v17, vm2, $0xb8;
	[tilespmem:$0xB380] =	vst v63  }
0x1c7: {  	s2 =	sadd.s32 @!p2 $0x5300, s1;
	v17 =	vadd.s32 v3, v16  }
0x1c8: {  	v17 =	vshll.u32 v17, $0x3;
	[tilespmem:s2], [sflag:$0x1] =	stream.indirect_vreg.gather @!p2 [hbm4b:s6+s5], $0x80, v15, vm2, $0xb8;
	[tilespmem:$0xB380] =	vst v63  }
0x1c9: {  	v16 =	vand.u32 $0x7, v16;
	s2 =	sadd.s32 @!p2 $0x5B00, s1;
	v17 =	vand.u32 $0xFFFFFFC0, v17  }
0x1ca: {  	v17 =	vor.u32 v16, v17;
	[tilespmem:s2], [sflag:$0x1] =	stream.indirect_vreg.gather @!p2 [hbm4b:s8+s5], $0x80, v15, vm2, $0xb8;
	[tilespmem:$0xB380] =	vst v63  }
0x1cb: {  	s2 =	sadd.s32 @!p2 $0x6300, s1;
	v16 =	vperm.xlane v17, v10  }
0x1cc: {  	[tilespmem:s2], [sflag:$0x1] =	stream.indirect_vreg.gather @!p2 [hbm4b:s9+s5], $0x80, v15, vm2, $0xb8;
	[tilespmem:$0xB380] =	vst v63  }
0x1cd: {  	s18 =	simm.s32 $0x0;
	s1 =	sadd.s32 @!p2 $0x6B00, s1;
	v16 =	vadd.s32 v11, v16  }
0x1ce: {  	[tilespmem:s1], [sflag:$0x1] =	stream.indirect_vreg.gather @!p2 [hbm4b:s10+s5], $0x80, v15, vm2, $0xb8;
	[tilespmem:$0xB380] =	vst v63  }
0x1cf: {  	s19 =	sand.u32 $0x10000, s18;
	_ =	swait.ge [sflag:s22], $0x4000  }
0x1d0: {  	s2 =	sshrl.u32 s19, $0x2;
	[sflag:s22] =	ssyncset.done $0x0  }
0x1d1: {  	s1 =	sor.u32 $0x3300, s2;
	p2 =	sne.s32 s0, $0x1;
	[sflag:s22] =	ssyncadd.s32 $0xFFFFC000  }
0x1d2: {  	[hbm4b:s3+s4] =	stream.indirect_vreg.scatter [tilespmem:s1], [sflag:$0x2], $0x80, v16, vm1, $0xb8;
	[tilespmem:$0xB380] =	vst v63  }
.Ltmp15:
0x1d3: {  	_ = 	snop;
	(pc) =	sbr.rel @!p2 .LBB2_24-.Ltmp15, $4  }
0x1d4: {  	s20 =	sor.u32 $0x3B00, s2;
	s26 =	sadd.s32 $0x4300, s2  }
0x1d5: {  	v15 =	vperm.xlane v17, v12;
	[hbm4b:s11+s4] =	stream.indirect_vreg.scatter [tilespmem:s20], [sflag:$0x2], $0x80, v16, vm1, $0xb8;
	[tilespmem:$0xB380] =	vst v63  }
0x1d6: {  	s14 =	sadd.s32 $0x4B00, s2;
	s5 =	simm.s32 $0x10000;
	s1 =	simm.s32 $0x1  }
0x1d7: {  	v15 =	vadd.s32 v11, v15;
	[hbm4b:s12+s4] =	stream.indirect_vreg.scatter [tilespmem:s26], [sflag:$0x2], $0x80, v16, vm1, $0xb8;
	[tilespmem:$0xB380] =	vst v63  }
.LBB2_23:
0x1d8: {  	s31 =	sadd.s32 $0x10, s31;
	s7 =	smov.u32 s1;
	s1 =	sadd.s32 $0x1, s1  }
0x1d9: {  	[hbm4b:s13+s4] =	stream.indirect_vreg.scatter [tilespmem:s14], [sflag:$0x2], $0x80, v16, vm1, $0xb8;
	[tilespmem:$0xB380] =	vst v63  }
0x1da: {  	s5 =	sadd.s32 $0x10000, s5;
	p2 =	sge.s32 s1, s0;
	s14 =	sadd.s32 $0x5300, s2  }
0x1db: {  	s17 =	sadd.s32 $0x5B00, s2;
	s15 =	sadd.s32 @!p2 $0x10, s31;
	v16 =	vlaneseq.u32 @!p2;
	s16 =	sshrl.u32 @!p2 s5, $0x2  }
0x1dc: {  	v17 =	vor.u32 @!p2 s15, v16;
	v18 =	vand.u32 @!p2 $0x7, v16;
	v19 =	vshrl.u32 @!p2 v16, $0x3;
	[hbm4b:s3+s4] =	stream.indirect_vreg.scatter [tilespmem:s14], [sflag:$0x2], $0x80, v15, vm1, $0xb8;
	[tilespmem:$0xB380] =	vst v63  }
0x1dd: {  	s16 =	sand.u32 @!p2 $0x4000, s16;
	v16 =	vor.u32 @!p2 $0x8, v16;
	vm2 =	vlt.s32 @!p2 v17, v13;
	s14 =	sadd.s32 $0x6300, s2;
	s2 =	sadd.s32 $0x6B00, s2  }
0x1de: {  	v17 =	vsel @!p2 vm2, v17, v13;
	[hbm4b:s11+s4] =	stream.indirect_vreg.scatter [tilespmem:s17], [sflag:$0x2], $0x80, v15, vm1, $0xb8;
	[tilespmem:$0xB380] =	vst v63  }
0x1df: {  	p3 =	seq.s32 s7, $0x0;
	s7 =	sor.u32 @!p2 $0x3300, s16;
	s17 =	sor.u32 @!p2 $0x3B00, s16  }
0x1e0: {  	[hbm4b:s12+s4] =	stream.indirect_vreg.scatter [tilespmem:s14], [sflag:$0x2], $0x80, v15, vm1, $0xb8;
	[tilespmem:$0xB380] =	vst v63  }
0x1e1: {  	s18 =	simm.s32 @!p3 $0x2;
	s19 =	sadd.s32 @!p2 $0x4300, s16;
	s20 =	sadd.s32 @!p2 $0x4B00, s16  }
0x1e2: {  	[hbm4b:s13+s4] =	stream.indirect_vreg.scatter [tilespmem:s2], [sflag:$0x2], $0x80, v15, vm1, $0xb8;
	[tilespmem:$0xB380] =	vst v63  }
0x1e3: {  	s26 =	sadd.s32 @!p2 $0x5300, s16;
	s15 =	sadd.s32 @!p2 $0x5B00, s16;
	_ =	swait.ge @!p3 [sflag:s18], $0x4000  }
0x1e4: {  	s14 =	sadd.s32 @!p2 $0x6300, s16;
	s2 =	sadd.s32 @!p2 $0x6B00, s16;
	[sflag:s18] =	ssyncset.done @!p3 $0x0  }
0x1e5: {  	s16 =	simm.s32 @!p2 $0x3180;
	[sflag:s18] =	ssyncadd.s32 @!p3 $0xFFFFC000;
	p3 =	sne.s32 s0, s1  }
0x1e6: {  	v15 =	vld.idx.msk @!p2 [tilespmem:v17+s16+$0x0], $0xffff;
	_ =	sdelay $0x5  }
0x1e7: {  	v17 =	vand.u32 @!p2 $0x7, v15;
	v15 =	vshll.u32 @!p2 v15, $0x3  }
0x1e8: {  	v15 =	vand.u32 @!p2 $0xFFFFFFC0, v15  }
0x1e9: {  	v15 =	vor.u32 @!p2 v17, v15  }
0x1ea: {  	v17 =	vperm.xlane @!p2 v15, v18;
	v18 =	vmul.u32 @!p2 $0x8, v19;
	v15 =	vperm.xlane @!p2 v15, v16;
	_ =	sdelay $0x1  }
0x1eb: {  	v16 =	vadd.s32 @!p2 v18, v17;
	_ =	sdelay $0x1  }
0x1ec: {  	v17 =	vor.u32 s31, v9  }
0x1ed: {  	vm3 =	vlt.s32 v17, v13  }
0x1ee: {  	vm2 =	vmmov @!p2 $0xffff;
	s16 =	simm.s32 @!p2 $0x0;
	v17 =	vsel vm3, v17, v13  }
0x1ef: {  	v17 =	vadd.s32 v14, v17;
	[tilespmem:s7], [sflag:$0x1] =	stream.indirect_vreg.gather @!p2 [hbm4b:s6+s16], $0x80, v16, vm2, $0xb8;
	[tilespmem:$0xB380] =	vst v63  }
0x1f0: {  	v19 =	vshra.s32 v17, $0x1F  }
0x1f1: {  	v19 =	vshrl.u32 v19, $0x18;
	[tilespmem:s17], [sflag:$0x1] =	stream.indirect_vreg.gather @!p2 [hbm4b:s8+s16], $0x80, v16, vm2, $0xb8;
	[tilespmem:$0xB380] =	vst v63  }
0x1f2: {  	v15 =	vadd.s32 @!p2 v18, v15;
	v18 =	vadd.s32 v19, v17  }
0x1f3: {  	v18 =	vshrl.u32 v18, $0x8;
	[tilespmem:s19], [sflag:$0x1] =	stream.indirect_vreg.gather @!p2 [hbm4b:s9+s16], $0x80, v16, vm2, $0xb8;
	[tilespmem:$0xB380] =	vst v63  }
0x1f4: {  	v18 =	vshll.u32 v18, $0x8  }
0x1f5: {  	[tilespmem:s20], [sflag:$0x1] =	stream.indirect_vreg.gather @!p2 [hbm4b:s10+s16], $0x80, v16, vm2, $0xb8;
	v16 =	vsub.s32 v17, v18;
	[tilespmem:$0xB380] =	vst v63  }
0x1f6: {  	v17 =	vadd.s32 v3, v16  }
0x1f7: {  	[tilespmem:s26], [sflag:$0x1] =	stream.indirect_vreg.gather @!p2 [hbm4b:s6+s16], $0x80, v15, vm2, $0xb8;
	v17 =	vshll.u32 v17, $0x3;
	[tilespmem:$0xB380] =	vst v63  }
0x1f8: {  	v16 =	vand.u32 $0x7, v16;
	v17 =	vand.u32 $0xFFFFFFC0, v17  }
0x1f9: {  	[tilespmem:s15], [sflag:$0x1] =	stream.indirect_vreg.gather @!p2 [hbm4b:s8+s16], $0x80, v15, vm2, $0xb8;
	v16 =	vor.u32 v16, v17;
	[tilespmem:$0xB380] =	vst v63  }
0x1fa: {  	v17 =	vperm.xlane v16, v10;
	v18 =	vperm.xlane v16, v12  }
0x1fb: {  	[tilespmem:s14], [sflag:$0x1] =	stream.indirect_vreg.gather @!p2 [hbm4b:s9+s16], $0x80, v15, vm2, $0xb8;
	[tilespmem:$0xB380] =	vst v63  }
0x1fc: {  	s7 =	sadd.s32 $0xFFFF0000, s5;
	v16 =	vadd.s32 v11, v17  }
0x1fd: {  	[tilespmem:s2], [sflag:$0x1] =	stream.indirect_vreg.gather @!p2 [hbm4b:s10+s16], $0x80, v15, vm2, $0xb8;
	[tilespmem:$0xB380] =	vst v63  }
0x1fe: {  	s2 =	sand.u32 $0x10000, s7;
	_ =	swait.ge [sflag:s22], $0x4000  }
0x1ff: {  	s2 =	sshrl.u32 s2, $0x2;
	[sflag:s22] =	ssyncset.done $0x0  }
0x200: {  	s7 =	sor.u32 $0x3300, s2;
	s14 =	sadd.s32 $0x4B00, s2;
	[sflag:s22] =	ssyncadd.s32 $0xFFFFC000  }
0x201: {  	[hbm4b:s3+s4] =	stream.indirect_vreg.scatter [tilespmem:s7], [sflag:$0x2], $0x80, v16, vm1, $0xb8;
	[tilespmem:$0xB380] =	vst v63  }
.Ltmp16:
0x202: {  	_ = 	snop;
	(pc) =	sbr.rel @p3 .LBB2_23-.Ltmp16, $4  }
0x203: {  	s7 =	sor.u32 $0x3B00, s2  }
0x204: {  	[hbm4b:s11+s4] =	stream.indirect_vreg.scatter [tilespmem:s7], [sflag:$0x2], $0x80, v16, vm1, $0xb8;
	[tilespmem:$0xB380] =	vst v63  }
0x205: {  	v15 =	vadd.s32 v11, v18;
	s7 =	sadd.s32 $0x4300, s2  }
0x206: {  	[hbm4b:s12+s4] =	stream.indirect_vreg.scatter [tilespmem:s7], [sflag:$0x2], $0x80, v16, vm1, $0xb8;
	[tilespmem:$0xB380] =	vst v63  }
.LBB2_24:
0x207: {  	_ =	sdelay $0x3  }
0x208: {  	[hbm4b:s13+s4] =	stream.indirect_vreg.scatter [tilespmem:s14], [sflag:$0x2], $0x80, v16, vm1, $0xb8;
	[tilespmem:$0xB380] =	vst v63  }
0x209: {  	s0 =	sadd.s32 $0x5300, s2  }
0x20a: {  	[hbm4b:s3+s4] =	stream.indirect_vreg.scatter [tilespmem:s0], [sflag:$0x2], $0x80, v15, vm1, $0xb8;
	[tilespmem:$0xB380] =	vst v63  }
0x20b: {  	s19 =	sadd.s32 $0x5B00, s2  }
0x20c: {  	[hbm4b:s11+s4] =	stream.indirect_vreg.scatter [tilespmem:s19], [sflag:$0x2], $0x80, v15, vm1, $0xb8;
	[tilespmem:$0xB380] =	vst v63  }
0x20d: {  	s20 =	sadd.s32 $0x6300, s2  }
0x20e: {  	[hbm4b:s12+s4] =	stream.indirect_vreg.scatter [tilespmem:s20], [sflag:$0x2], $0x80, v15, vm1, $0xb8;
	[tilespmem:$0xB380] =	vst v63  }
0x20f: {  	s26 =	sadd.s32 $0x6B00, s2;
	s31 =	simm.s32 $0x2  }
0x210: {  	[hbm4b:s13+s4] =	stream.indirect_vreg.scatter [tilespmem:s26], [sflag:$0x2], $0x80, v15, vm1, $0xb8;
	[tilespmem:$0xB380] =	vst v63  }
0x211: {  	_ =	swait.ge [sflag:s31], $0x4000  }
0x212: {  	[sflag:s31] =	ssyncset.done $0x0  }
0x213: {  	s17 =	simm.s32 $0xB300;
	[sflag:s31] =	ssyncadd.s32 $0xFFFFC000  }
.LBB2_25:
.Ltmp17:
0x214: {  	(pc) =	sbr.rel @p1 .LBB2_32-.Ltmp17, $2  }
0x215: {  	_ =	sdelay $0x2  }
0x216: {  	s0 =	simm.s32 $0x0  }
0x217: {  	p3 =	sne.s32 s30, $0x1  }
.Ltmp18:
0x218: {  	_ = 	snop;
	(pc) =	sbr.rel @!p3 .LBB2_27-.Ltmp18, $3  }
0x219: {  	_ =	sdelay $0x1  }
0x21a: {  	s2 =	simm.s32 $0x2100;
	s1 =	simm.s32 $0x1080  }
0x21b: {  	v13 =	vmov s29;
	s0 =	simm.s32 $0x0;
	p2 =	por $0x0, $0x0;
	v14 =	vld [tilespmem:s2+$0x0];
	s2 =	sadd.s32 $0xFFFFFFFF, s30  }
0x21c: {  	_ =	sdelay $0x2  }
0x21d: {  	v15 =	vor.u32 s0, v9  }
0x21e: {  	vm3 =	vlt.s32 v15, v13;
	vm2 =	veq.s32 v14, v4  }
0x21f: {  	vm2 =	vmand vm3, vm2  }
0x220: {  	v14 =	vsel vm2, $0x1, v8  }
0x221: {  	(xrf0) =	vadd.scan.msk.s32 $0xffff, v14;
	_ =	sdelay $0x5  }
0x222: {  	v15, _, _ =	vpop (xrf0)  }
0x223: {  	v16 =	vxor.u32 $0x80000000, v15  }
0x224: {  	v14 =	vmov s0;
	(xrf0) =	vmax.scan.msk.u32 $0xffff, v16  }
0x225: {  	v14 =	vadd.s32 $0xFFFFFFFF, v14  }
0x226: {  	v14 =	vbroadcast v14, $0x0;
	_ =	sdelay $0x1  }
0x227: {  	v63 =	vld [tilespmem:s1+$0x0];
	v14 =	vadd.s32 v15, v14  }
0x228: {  	p3 =	sne.s32 s2, $0x1  }
.Ltmp19:
0x229: {  	v15, _, _ =	vpop (xrf0);
	(pc) =	sbr.rel @!p3 .LBB2_29-.Ltmp19, $3  }
0x22a: {  	(v2sf) =	vpush v15, $0xF;
	_ =	sdelay $0x1  }
0x22b: {  	s14 =	simm.s32 $0x2110;
	s15 =	sadd.s32 $0xFFFFFFFF, s2;
	p2 =	por $0x1, $0x1;
	[tilespmem:v14+s25+$0x0] =	vst.idx.msk vm2, v63  }
0x22c: {  	s2 =	simm.s32 $0x0;
	s31 =	simm.s32 $0x0;
	s5 =	simm.s32 $0x1080;
	v14 =	vld [tilespmem:s14+$0x0]  }
.LBB2_30:
0x22d: {  	p3 =	sne.s32 s15, $0x1;
	_ =	sdelay $0x1  }
0x22e: {  	s2 =	sadd.s32 $0x10, s2  }
0x22f: {  	v15 =	vor.u32 s2, v9  }
0x230: {  	vm3 =	vlt.s32 v15, v13;
	vm2 =	veq.s32 v14, v4  }
0x231: {  	vm2 =	vmand vm3, vm2  }
0x232: {  	v14 =	vsel vm2, $0x1, v8  }
0x233: {  	(xrf0) =	vadd.scan.msk.s32 $0xffff, v14;
	_ =	sdelay $0x3  }
0x234: {  	s7 =	spop (v2sf)  }
0x235: {  	s7 =	sadd.s32 s7, s31  }
0x236: {  	v14, _, _ =	vpop (xrf0);
	s31 =	sadd.s32 $0x80000000, s7  }
0x237: {  	v15 =	vmov s31;
	v16 =	vxor.u32 $0x80000000, v14  }
0x238: {  	v15 =	vadd.s32 $0xFFFFFFFF, v15;
	(xrf0) =	vmax.scan.msk.u32 $0xffff, v16  }
0x239: {  	v15 =	vbroadcast v15, $0x0  }
0x23a: {  	s5 =	sadd.s32 $0x10, s5  }
0x23b: {  	v16 =	vld [tilespmem:s5+$0x0];
	v14 =	vadd.s32 v14, v15;
	_ =	sdelay $0x2  }
.Ltmp20:
0x23c: {  	v15, _, _ =	vpop (xrf0);
	(pc) =	sbr.rel @p3 .LBB2_30-.Ltmp20, $4  }
0x23d: {  	(v2sf) =	vpush v15, $0xF  }
0x23e: {  	[tilespmem:v14+s25+$0x0] =	vst.idx.msk vm2, v16  }
0x23f: {  	s14 =	sadd.s32 $0x10, s14  }
0x240: {  	s15 =	sadd.s32 $0xFFFFFFFF, s15;
	v14 =	vld [tilespmem:s14+$0x0]  }
.LBB2_31:
0x241: {  	_ = 	snop  }
0x242: {  	s2 =	sadd.s32 @p2 $0x10, s2;
	s7 =	simm.s32 $0x0  }
0x243: {  	s7 =	smov.u32 @p2 s2  }
0x244: {  	v15 =	vor.u32 s7, v9  }
0x245: {  	vm3 =	vlt.s32 v15, v13;
	vm2 =	veq.s32 v14, v4  }
0x246: {  	vm2 =	vmand vm3, vm2  }
0x247: {  	v13 =	vsel vm2, $0x1, v8  }
0x248: {  	(xrf0) =	vadd.scan.msk.s32 $0xffff, v13;
	_ =	sdelay $0x5  }
0x249: {  	v13, _, _ =	vpop (xrf0)  }
0x24a: {  	v14 =	vxor.u32 $0x80000000, v13  }
0x24b: {  	(xrf0) =	vmax.scan.msk.u32 $0xffff, v14;
	_ =	sdelay $0x5  }
0x24c: {  	v14, _, _ =	vpop (xrf0)  }
0x24d: {  	(v2sf) =	vpush v14, $0xF;
	_ =	sdelay $0x3  }
0x24e: {  	s2 =	spop @p2 (v2sf)  }
0x24f: {  	s2 =	sadd.s32 @p2 s2, s31  }
0x250: {  	s2 =	sadd.s32 @p2 $0x80000000, s2  }
0x251: {  	s0 =	smov.u32 @p2 s2  }
0x252: {  	v14 =	vmov s0  }
0x253: {  	v14 =	vadd.s32 $0xFFFFFFFF, v14  }
0x254: {  	s2 =	sadd.s32 @p2 $0x10, s5;
	v14 =	vbroadcast v14, $0x0  }
0x255: {  	s1 =	smov.u32 @p2 s2  }
0x256: {  	v15 =	vld [tilespmem:s1+$0x0];
	v13 =	vadd.s32 v13, v14;
	_ =	sdelay $0x2  }
0x257: {  	s31 =	spop (v2sf)  }
0x258: {  	s0 =	sadd.s32 s31, s0  }
0x259: {  	[tilespmem:v13+s25+$0x0] =	vst.idx.msk vm2, v15;
	s0 =	sadd.s32 $0x80000000, s0  }
.LBB2_32:
0x25a: {  	s1 =	rddreg [dreg:$0xb]  }
0x25b: {  	v13 =	vld [tilespmem:s1+$0x1000];
	_ =	sdelay $0x4  }
0x25c: {  	v13 =	vnsel vm0, $0x0, v13  }
0x25d: {  	(xrf0) =	vadd.scan.msk.s32 $0xffff, v13;
	_ =	sdelay $0x5  }
0x25e: {  	v14, _, _ =	vpop (xrf0)  }
0x25f: {  	(v2sf) =	vpush v14, $0xF;
	_ =	sdelay $0xe  }
0x260: {  	s26 =	spop (v2sf)  }
0x261: {  	s1 =	sadd.s32 s0, s26  }
0x262: {  	s2 =	sshra.s32 s1, $0x1F  }
0x263: {  	s2 =	sshrl.u32 s2, $0x18  }
0x264: {  	s2 =	sadd.s32 s2, s1  }
0x265: {  	s2 =	sand.u32 $0xFFFFFF00, s2  }
0x266: {  	s1 =	ssub.s32 s1, s2  }
0x267: {  	v13 =	vmov s1;
	s1 =	sadd.s32 $0xF, s0  }
0x268: {  	p2 =	slt.s32 s1, $0x10  }
.Ltmp21:
0x269: {  	s31 =	rddreg [dreg:$0x7];
	[tilespmem:$0xB300] =	vst v13;
	(pc) =	sbr.rel @p2 .LBB2_36-.Ltmp21, $4  }
0x26a: {  	[hbm4b:s31+s4] =	stream.linear.scatter [tilespmem:s17], [sflag:$0x3], $0x80, $0x38;
	[tilespmem:$0xB380] =	vst v63  }
0x26b: {  	_ =	swait.ge [sflag:s21], $0x80  }
0x26c: {  	[sflag:s21] =	ssyncset.done $0x0  }
0x26d: {  	[sflag:s21] =	ssyncadd.s32 $0xFFFFFF80  }
0x26e: {  	s0 =	sadd.s32 $0xFFFFFFFF, s0  }
0x26f: {  	v13 =	vmov s0  }
0x270: {  	vm2 =	vlt.s32 v13, v9  }
0x271: {  	v15 =	vsel vm2, s0, v9;
	_ =	sdelay $0x4  }
0x272: {  	v15 =	vld.idx.msk [tilespmem:v15+s25+$0x0], $0xffff;
	_ =	sdelay $0x4  }
0x273: {  	v16 =	vshll.u32 v15, $0x3  }
0x274: {  	v15 =	vand.u32 $0x7, v15;
	v16 =	vand.u32 $0xFFFFFFC0, v16  }
0x275: {  	v15 =	vor.u32 v15, v16  }
0x276: {  	v16 =	vperm.xlane v15, v10;
	_ =	sdelay $0x1  }
0x277: {  	v16 =	vadd.s32 v11, v16;
	_ =	sdelay $0x3  }
0x278: {  	s31 =	simm.s32 $0x0;
	s26 =	simm.s32 $0x3300  }
0x279: {  	[tilespmem:s26], [sflag:$0x1] =	stream.indirect_vreg.gather [hbm4b:s6+s31], $0x80, v16, vm1, $0xb8;
	[tilespmem:$0xB380] =	vst v63  }
0x27a: {  	s2 =	simm.s32 $0x3B00;
	s7 =	sshra.s32 s1, $0x1F;
	v15 =	vperm.xlane v15, v12  }
0x27b: {  	[tilespmem:s2], [sflag:$0x1] =	stream.indirect_vreg.gather [hbm4b:s8+s31], $0x80, v16, vm1, $0xb8;
	[tilespmem:$0xB380] =	vst v63  }
0x27c: {  	s5 =	simm.s32 $0x4300;
	s0 =	sshrl.u32 s7, $0x1C;
	v15 =	vadd.s32 v11, v15  }
0x27d: {  	[tilespmem:s5], [sflag:$0x1] =	stream.indirect_vreg.gather [hbm4b:s9+s31], $0x80, v16, vm1, $0xb8;
	[tilespmem:$0xB380] =	vst v63  }
0x27e: {  	s0 =	sadd.s32 s0, s1;
	s2 =	simm.s32 $0x4B00  }
0x27f: {  	[tilespmem:s2], [sflag:$0x1] =	stream.indirect_vreg.gather [hbm4b:s10+s31], $0x80, v16, vm1, $0xb8;
	[tilespmem:$0xB380] =	vst v63  }
0x280: {  	s14 =	simm.s32 $0x5300;
	s0 =	sshra.s32 s0, $0x4  }
0x281: {  	[tilespmem:s14], [sflag:$0x1] =	stream.indirect_vreg.gather [hbm4b:s6+s31], $0x80, v15, vm1, $0xb8;
	[tilespmem:$0xB380] =	vst v63  }
0x282: {  	s15 =	simm.s32 $0x5B00;
	p2 =	sle.s32 s0, $0x1  }
0x283: {  	[tilespmem:s15], [sflag:$0x1] =	stream.indirect_vreg.gather [hbm4b:s8+s31], $0x80, v15, vm1, $0xb8;
	[tilespmem:$0xB380] =	vst v63  }
0x284: {  	s16 =	simm.s32 $0x6300;
	s1 =	simm.s32 @!p2 $0x10;
	v16 =	vlaneseq.u32 @!p2  }
0x285: {  	v17 =	vor.u32 @!p2 s1, v16;
	[tilespmem:s16], [sflag:$0x1] =	stream.indirect_vreg.gather [hbm4b:s9+s31], $0x80, v15, vm1, $0xb8;
	[tilespmem:$0xB380] =	vst v63  }
0x286: {  	s17 =	simm.s32 $0x6B00;
	p3 =	por $0x1, $0x1;
	vm2 =	vlt.s32 @!p2 v17, v13  }
0x287: {  	[tilespmem:s17], [sflag:$0x1] =	stream.indirect_vreg.gather [hbm4b:s10+s31], $0x80, v15, vm1, $0xb8;
	v15 =	vsel @!p2 vm2, v17, v13;
	[tilespmem:$0xB380] =	vst v63  }
0x288: {  	s1 =	simm.s32 @!p3 $0x2  }
0x289: {  	_ =	swait.ge @!p3 [sflag:s1], $0x4000  }
0x28a: {  	[sflag:s1] =	ssyncset.done @!p3 $0x0  }
0x28b: {  	[sflag:s1] =	ssyncadd.s32 @!p3 $0xFFFFC000;
	s1 =	simm.s32 @!p2 $0x3180  }
0x28c: {  	v15 =	vld.idx.msk @!p2 [tilespmem:v15+s1+$0x0], $0xffff;
	_ =	sdelay $0x4  }
0x28d: {  	v17 =	vshll.u32 @!p2 v15, $0x3  }
0x28e: {  	v15 =	vand.u32 @!p2 $0x7, v15;
	v17 =	vand.u32 @!p2 $0xFFFFFFC0, v17  }
0x28f: {  	v18 =	vand.u32 @!p2 $0x7, v16;
	v19 =	vshrl.u32 @!p2 v16, $0x3;
	v15 =	vor.u32 @!p2 v15, v17  }
0x290: {  	v17 =	vperm.xlane @!p2 v15, v18;
	v18 =	vmul.u32 @!p2 $0x8, v19;
	_ =	sdelay $0x1  }
0x291: {  	v17 =	vadd.s32 @!p2 v18, v17;
	_ =	sdelay $0x1  }
0x292: {  	s1 =	simm.s32 @!p2 $0x4000;
	v19 =	vor.u32 s31, v9  }
0x293: {  	v14 =	vbroadcast v14, $0xF;
	s1 =	sand.u32 @!p2 $0x4000, s1;
	vm2 =	vlt.s32 v19, v13  }
0x294: {  	s5 =	simm.s32 @!p2 $0x0;
	s2 =	sor.u32 @!p2 $0x3300, s1;
	v19 =	vsel vm2, v19, v13;
	vm2 =	vmmov @!p2 $0xffff  }
0x295: {  	v16 =	vor.u32 @!p2 $0x8, v16;
	v19 =	vadd.s32 v14, v19;
	[tilespmem:s2], [sflag:$0x1] =	stream.indirect_vreg.gather @!p2 [hbm4b:s6+s5], $0x80, v17, vm2, $0xb8;
	[tilespmem:$0xB380] =	vst v63  }
0x296: {  	v15 =	vperm.xlane @!p2 v15, v16;
	v16 =	vshra.s32 v19, $0x1F;
	s2 =	sor.u32 @!p2 $0x3B00, s1  }
0x297: {  	v16 =	vshrl.u32 v16, $0x18;
	[tilespmem:s2], [sflag:$0x1] =	stream.indirect_vreg.gather @!p2 [hbm4b:s8+s5], $0x80, v17, vm2, $0xb8;
	[tilespmem:$0xB380] =	vst v63  }
0x298: {  	v15 =	vadd.s32 @!p2 v18, v15;
	v16 =	vadd.s32 v16, v19;
	s2 =	sadd.s32 @!p2 $0x4300, s1  }
0x299: {  	v16 =	vshrl.u32 v16, $0x8;
	[tilespmem:s2], [sflag:$0x1] =	stream.indirect_vreg.gather @!p2 [hbm4b:s9+s5], $0x80, v17, vm2, $0xb8;
	[tilespmem:$0xB380] =	vst v63  }
0x29a: {  	v16 =	vshll.u32 v16, $0x8;
	s2 =	sadd.s32 @!p2 $0x4B00, s1  }
0x29b: {  	v16 =	vsub.s32 v19, v16;
	[tilespmem:s2], [sflag:$0x1] =	stream.indirect_vreg.gather @!p2 [hbm4b:s10+s5], $0x80, v17, vm2, $0xb8;
	[tilespmem:$0xB380] =	vst v63  }
0x29c: {  	s2 =	sadd.s32 @!p2 $0x5300, s1;
	v17 =	vadd.s32 v5, v16  }
0x29d: {  	v17 =	vshll.u32 v17, $0x3;
	[tilespmem:s2], [sflag:$0x1] =	stream.indirect_vreg.gather @!p2 [hbm4b:s6+s5], $0x80, v15, vm2, $0xb8;
	[tilespmem:$0xB380] =	vst v63  }
0x29e: {  	v16 =	vand.u32 $0x7, v16;
	s2 =	sadd.s32 @!p2 $0x5B00, s1;
	v17 =	vand.u32 $0xFFFFFFC0, v17  }
0x29f: {  	v17 =	vor.u32 v16, v17;
	[tilespmem:s2], [sflag:$0x1] =	stream.indirect_vreg.gather @!p2 [hbm4b:s8+s5], $0x80, v15, vm2, $0xb8;
	[tilespmem:$0xB380] =	vst v63  }
0x2a0: {  	s2 =	sadd.s32 @!p2 $0x6300, s1;
	v16 =	vperm.xlane v17, v10  }
0x2a1: {  	[tilespmem:s2], [sflag:$0x1] =	stream.indirect_vreg.gather @!p2 [hbm4b:s9+s5], $0x80, v15, vm2, $0xb8;
	[tilespmem:$0xB380] =	vst v63  }
0x2a2: {  	s18 =	simm.s32 $0x0;
	s1 =	sadd.s32 @!p2 $0x6B00, s1;
	v16 =	vadd.s32 v11, v16  }
0x2a3: {  	[tilespmem:s1], [sflag:$0x1] =	stream.indirect_vreg.gather @!p2 [hbm4b:s10+s5], $0x80, v15, vm2, $0xb8;
	[tilespmem:$0xB380] =	vst v63  }
0x2a4: {  	s19 =	sand.u32 $0x10000, s18;
	_ =	swait.ge [sflag:s22], $0x4000  }
0x2a5: {  	s2 =	sshrl.u32 s19, $0x2;
	[sflag:s22] =	ssyncset.done $0x0  }
0x2a6: {  	s1 =	sor.u32 $0x3300, s2;
	p2 =	sne.s32 s0, $0x1;
	[sflag:s22] =	ssyncadd.s32 $0xFFFFC000  }
0x2a7: {  	[hbm4b:s3+s4] =	stream.indirect_vreg.scatter [tilespmem:s1], [sflag:$0x2], $0x80, v16, vm1, $0xb8;
	[tilespmem:$0xB380] =	vst v63  }
.Ltmp22:
0x2a8: {  	_ = 	snop;
	(pc) =	sbr.rel @!p2 .LBB2_35-.Ltmp22, $4  }
0x2a9: {  	s20 =	sor.u32 $0x3B00, s2;
	s26 =	sadd.s32 $0x4300, s2  }
0x2aa: {  	v15 =	vperm.xlane v17, v12;
	[hbm4b:s11+s4] =	stream.indirect_vreg.scatter [tilespmem:s20], [sflag:$0x2], $0x80, v16, vm1, $0xb8;
	[tilespmem:$0xB380] =	vst v63  }
0x2ab: {  	s14 =	sadd.s32 $0x4B00, s2;
	s5 =	simm.s32 $0x10000;
	s1 =	simm.s32 $0x1  }
0x2ac: {  	v15 =	vadd.s32 v11, v15;
	[hbm4b:s12+s4] =	stream.indirect_vreg.scatter [tilespmem:s26], [sflag:$0x2], $0x80, v16, vm1, $0xb8;
	[tilespmem:$0xB380] =	vst v63  }
.LBB2_34:
0x2ad: {  	s31 =	sadd.s32 $0x10, s31;
	s7 =	smov.u32 s1;
	s1 =	sadd.s32 $0x1, s1  }
0x2ae: {  	[hbm4b:s13+s4] =	stream.indirect_vreg.scatter [tilespmem:s14], [sflag:$0x2], $0x80, v16, vm1, $0xb8;
	[tilespmem:$0xB380] =	vst v63  }
0x2af: {  	s5 =	sadd.s32 $0x10000, s5;
	p2 =	sge.s32 s1, s0;
	s14 =	sadd.s32 $0x5300, s2  }
0x2b0: {  	s17 =	sadd.s32 $0x5B00, s2;
	s15 =	sadd.s32 @!p2 $0x10, s31;
	v16 =	vlaneseq.u32 @!p2;
	s16 =	sshrl.u32 @!p2 s5, $0x2  }
0x2b1: {  	v17 =	vor.u32 @!p2 s15, v16;
	v18 =	vand.u32 @!p2 $0x7, v16;
	v19 =	vshrl.u32 @!p2 v16, $0x3;
	[hbm4b:s3+s4] =	stream.indirect_vreg.scatter [tilespmem:s14], [sflag:$0x2], $0x80, v15, vm1, $0xb8;
	[tilespmem:$0xB380] =	vst v63  }
0x2b2: {  	s16 =	sand.u32 @!p2 $0x4000, s16;
	v16 =	vor.u32 @!p2 $0x8, v16;
	vm2 =	vlt.s32 @!p2 v17, v13;
	s14 =	sadd.s32 $0x6300, s2;
	s2 =	sadd.s32 $0x6B00, s2  }
0x2b3: {  	v17 =	vsel @!p2 vm2, v17, v13;
	[hbm4b:s11+s4] =	stream.indirect_vreg.scatter [tilespmem:s17], [sflag:$0x2], $0x80, v15, vm1, $0xb8;
	[tilespmem:$0xB380] =	vst v63  }
0x2b4: {  	p3 =	seq.s32 s7, $0x0;
	s7 =	sor.u32 @!p2 $0x3300, s16;
	s17 =	sor.u32 @!p2 $0x3B00, s16  }
0x2b5: {  	[hbm4b:s12+s4] =	stream.indirect_vreg.scatter [tilespmem:s14], [sflag:$0x2], $0x80, v15, vm1, $0xb8;
	[tilespmem:$0xB380] =	vst v63  }
0x2b6: {  	s18 =	simm.s32 @!p3 $0x2;
	s19 =	sadd.s32 @!p2 $0x4300, s16;
	s20 =	sadd.s32 @!p2 $0x4B00, s16  }
0x2b7: {  	[hbm4b:s13+s4] =	stream.indirect_vreg.scatter [tilespmem:s2], [sflag:$0x2], $0x80, v15, vm1, $0xb8;
	[tilespmem:$0xB380] =	vst v63  }
0x2b8: {  	s26 =	sadd.s32 @!p2 $0x5300, s16;
	s15 =	sadd.s32 @!p2 $0x5B00, s16;
	_ =	swait.ge @!p3 [sflag:s18], $0x4000  }
0x2b9: {  	s14 =	sadd.s32 @!p2 $0x6300, s16;
	s2 =	sadd.s32 @!p2 $0x6B00, s16;
	[sflag:s18] =	ssyncset.done @!p3 $0x0  }
0x2ba: {  	s16 =	simm.s32 @!p2 $0x3180;
	[sflag:s18] =	ssyncadd.s32 @!p3 $0xFFFFC000;
	p3 =	sne.s32 s0, s1  }
0x2bb: {  	v15 =	vld.idx.msk @!p2 [tilespmem:v17+s16+$0x0], $0xffff;
	_ =	sdelay $0x5  }
0x2bc: {  	v17 =	vand.u32 @!p2 $0x7, v15;
	v15 =	vshll.u32 @!p2 v15, $0x3  }
0x2bd: {  	v15 =	vand.u32 @!p2 $0xFFFFFFC0, v15  }
0x2be: {  	v15 =	vor.u32 @!p2 v17, v15  }
0x2bf: {  	v17 =	vperm.xlane @!p2 v15, v18;
	v18 =	vmul.u32 @!p2 $0x8, v19;
	v15 =	vperm.xlane @!p2 v15, v16;
	_ =	sdelay $0x1  }
0x2c0: {  	v16 =	vadd.s32 @!p2 v18, v17;
	_ =	sdelay $0x1  }
0x2c1: {  	v17 =	vor.u32 s31, v9  }
0x2c2: {  	vm3 =	vlt.s32 v17, v13  }
0x2c3: {  	vm2 =	vmmov @!p2 $0xffff;
	s16 =	simm.s32 @!p2 $0x0;
	v17 =	vsel vm3, v17, v13  }
0x2c4: {  	v17 =	vadd.s32 v14, v17;
	[tilespmem:s7], [sflag:$0x1] =	stream.indirect_vreg.gather @!p2 [hbm4b:s6+s16], $0x80, v16, vm2, $0xb8;
	[tilespmem:$0xB380] =	vst v63  }
0x2c5: {  	v19 =	vshra.s32 v17, $0x1F  }
0x2c6: {  	v19 =	vshrl.u32 v19, $0x18;
	[tilespmem:s17], [sflag:$0x1] =	stream.indirect_vreg.gather @!p2 [hbm4b:s8+s16], $0x80, v16, vm2, $0xb8;
	[tilespmem:$0xB380] =	vst v63  }
0x2c7: {  	v15 =	vadd.s32 @!p2 v18, v15;
	v18 =	vadd.s32 v19, v17  }
0x2c8: {  	v18 =	vshrl.u32 v18, $0x8;
	[tilespmem:s19], [sflag:$0x1] =	stream.indirect_vreg.gather @!p2 [hbm4b:s9+s16], $0x80, v16, vm2, $0xb8;
	[tilespmem:$0xB380] =	vst v63  }
0x2c9: {  	v18 =	vshll.u32 v18, $0x8  }
0x2ca: {  	[tilespmem:s20], [sflag:$0x1] =	stream.indirect_vreg.gather @!p2 [hbm4b:s10+s16], $0x80, v16, vm2, $0xb8;
	v16 =	vsub.s32 v17, v18;
	[tilespmem:$0xB380] =	vst v63  }
0x2cb: {  	v17 =	vadd.s32 v5, v16  }
0x2cc: {  	[tilespmem:s26], [sflag:$0x1] =	stream.indirect_vreg.gather @!p2 [hbm4b:s6+s16], $0x80, v15, vm2, $0xb8;
	v17 =	vshll.u32 v17, $0x3;
	[tilespmem:$0xB380] =	vst v63  }
0x2cd: {  	v16 =	vand.u32 $0x7, v16;
	v17 =	vand.u32 $0xFFFFFFC0, v17  }
0x2ce: {  	[tilespmem:s15], [sflag:$0x1] =	stream.indirect_vreg.gather @!p2 [hbm4b:s8+s16], $0x80, v15, vm2, $0xb8;
	v16 =	vor.u32 v16, v17;
	[tilespmem:$0xB380] =	vst v63  }
0x2cf: {  	v17 =	vperm.xlane v16, v10;
	v18 =	vperm.xlane v16, v12  }
0x2d0: {  	[tilespmem:s14], [sflag:$0x1] =	stream.indirect_vreg.gather @!p2 [hbm4b:s9+s16], $0x80, v15, vm2, $0xb8;
	[tilespmem:$0xB380] =	vst v63  }
0x2d1: {  	s7 =	sadd.s32 $0xFFFF0000, s5;
	v16 =	vadd.s32 v11, v17  }
0x2d2: {  	[tilespmem:s2], [sflag:$0x1] =	stream.indirect_vreg.gather @!p2 [hbm4b:s10+s16], $0x80, v15, vm2, $0xb8;
	[tilespmem:$0xB380] =	vst v63  }
0x2d3: {  	s2 =	sand.u32 $0x10000, s7;
	_ =	swait.ge [sflag:s22], $0x4000  }
0x2d4: {  	s2 =	sshrl.u32 s2, $0x2;
	[sflag:s22] =	ssyncset.done $0x0  }
0x2d5: {  	s7 =	sor.u32 $0x3300, s2;
	s14 =	sadd.s32 $0x4B00, s2;
	[sflag:s22] =	ssyncadd.s32 $0xFFFFC000  }
0x2d6: {  	[hbm4b:s3+s4] =	stream.indirect_vreg.scatter [tilespmem:s7], [sflag:$0x2], $0x80, v16, vm1, $0xb8;
	[tilespmem:$0xB380] =	vst v63  }
.Ltmp23:
0x2d7: {  	_ = 	snop;
	(pc) =	sbr.rel @p3 .LBB2_34-.Ltmp23, $4  }
0x2d8: {  	s7 =	sor.u32 $0x3B00, s2  }
0x2d9: {  	[hbm4b:s11+s4] =	stream.indirect_vreg.scatter [tilespmem:s7], [sflag:$0x2], $0x80, v16, vm1, $0xb8;
	[tilespmem:$0xB380] =	vst v63  }
0x2da: {  	v15 =	vadd.s32 v11, v18;
	s7 =	sadd.s32 $0x4300, s2  }
0x2db: {  	[hbm4b:s12+s4] =	stream.indirect_vreg.scatter [tilespmem:s7], [sflag:$0x2], $0x80, v16, vm1, $0xb8;
	[tilespmem:$0xB380] =	vst v63  }
.LBB2_35:
0x2dc: {  	_ =	sdelay $0x3  }
0x2dd: {  	[hbm4b:s13+s4] =	stream.indirect_vreg.scatter [tilespmem:s14], [sflag:$0x2], $0x80, v16, vm1, $0xb8;
	[tilespmem:$0xB380] =	vst v63  }
0x2de: {  	s0 =	sadd.s32 $0x5300, s2  }
0x2df: {  	[hbm4b:s3+s4] =	stream.indirect_vreg.scatter [tilespmem:s0], [sflag:$0x2], $0x80, v15, vm1, $0xb8;
	[tilespmem:$0xB380] =	vst v63  }
0x2e0: {  	s19 =	sadd.s32 $0x5B00, s2  }
0x2e1: {  	[hbm4b:s11+s4] =	stream.indirect_vreg.scatter [tilespmem:s19], [sflag:$0x2], $0x80, v15, vm1, $0xb8;
	[tilespmem:$0xB380] =	vst v63  }
0x2e2: {  	s20 =	sadd.s32 $0x6300, s2  }
0x2e3: {  	[hbm4b:s12+s4] =	stream.indirect_vreg.scatter [tilespmem:s20], [sflag:$0x2], $0x80, v15, vm1, $0xb8;
	[tilespmem:$0xB380] =	vst v63  }
0x2e4: {  	s26 =	sadd.s32 $0x6B00, s2;
	s31 =	simm.s32 $0x2  }
0x2e5: {  	[hbm4b:s13+s4] =	stream.indirect_vreg.scatter [tilespmem:s26], [sflag:$0x2], $0x80, v15, vm1, $0xb8;
	[tilespmem:$0xB380] =	vst v63  }
0x2e6: {  	_ =	swait.ge [sflag:s31], $0x4000  }
0x2e7: {  	[sflag:s31] =	ssyncset.done $0x0  }
0x2e8: {  	s17 =	simm.s32 $0xB300;
	[sflag:s31] =	ssyncadd.s32 $0xFFFFC000  }
.LBB2_36:
.Ltmp24:
0x2e9: {  	(pc) =	sbr.rel @p0 .LBB2_48-.Ltmp24, $1  }
0x2ea: {  	_ =	sdelay $0x3  }
.Ltmp25:
0x2eb: {  	(pc) =	sbr.rel @p1 .LBB2_44-.Ltmp25, $2  }
0x2ec: {  	_ =	sdelay $0x2  }
0x2ed: {  	s0 =	simm.s32 $0x0  }
0x2ee: {  	p2 =	sne.s32 s30, $0x1  }
.Ltmp26:
0x2ef: {  	_ = 	snop;
	(pc) =	sbr.rel @!p2 .LBB2_39-.Ltmp26, $3  }
0x2f0: {  	_ =	sdelay $0x1  }
0x2f1: {  	s2 =	simm.s32 $0x2100;
	s1 =	simm.s32 $0x1080  }
0x2f2: {  	v13 =	vmov s29;
	s0 =	simm.s32 $0x0;
	p1 =	por $0x0, $0x0;
	v14 =	vld [tilespmem:s2+$0x0];
	s2 =	sadd.s32 $0xFFFFFFFF, s30  }
0x2f3: {  	_ =	sdelay $0x2  }
0x2f4: {  	v15 =	vor.u32 s0, v9  }
0x2f5: {  	vm3 =	vlt.s32 v15, v13;
	vm2 =	veq.s32 v14, v6  }
0x2f6: {  	vm2 =	vmand vm3, vm2  }
0x2f7: {  	v14 =	vsel vm2, $0x1, v8  }
0x2f8: {  	(xrf0) =	vadd.scan.msk.s32 $0xffff, v14;
	_ =	sdelay $0x5  }
0x2f9: {  	v15, _, _ =	vpop (xrf0)  }
0x2fa: {  	v16 =	vxor.u32 $0x80000000, v15  }
0x2fb: {  	v14 =	vmov s0;
	(xrf0) =	vmax.scan.msk.u32 $0xffff, v16  }
0x2fc: {  	v14 =	vadd.s32 $0xFFFFFFFF, v14  }
0x2fd: {  	v14 =	vbroadcast v14, $0x0;
	_ =	sdelay $0x1  }
0x2fe: {  	v63 =	vld [tilespmem:s1+$0x0];
	v14 =	vadd.s32 v15, v14  }
0x2ff: {  	p2 =	sne.s32 s2, $0x1  }
.Ltmp27:
0x300: {  	v15, _, _ =	vpop (xrf0);
	(pc) =	sbr.rel @!p2 .LBB2_41-.Ltmp27, $3  }
0x301: {  	(v2sf) =	vpush v15, $0xF;
	_ =	sdelay $0x1  }
0x302: {  	s14 =	simm.s32 $0x2110;
	s15 =	sadd.s32 $0xFFFFFFFF, s2;
	p1 =	por $0x1, $0x1;
	[tilespmem:v14+s25+$0x0] =	vst.idx.msk vm2, v63  }
0x303: {  	s2 =	simm.s32 $0x0;
	s29 =	simm.s32 $0x0;
	s5 =	simm.s32 $0x1080;
	v14 =	vld [tilespmem:s14+$0x0]  }
.LBB2_42:
0x304: {  	p2 =	sne.s32 s15, $0x1;
	_ =	sdelay $0x1  }
0x305: {  	s2 =	sadd.s32 $0x10, s2  }
0x306: {  	v15 =	vor.u32 s2, v9  }
0x307: {  	vm3 =	vlt.s32 v15, v13;
	vm2 =	veq.s32 v14, v6  }
0x308: {  	vm2 =	vmand vm3, vm2  }
0x309: {  	v14 =	vsel vm2, $0x1, v8  }
0x30a: {  	(xrf0) =	vadd.scan.msk.s32 $0xffff, v14;
	_ =	sdelay $0x3  }
0x30b: {  	s7 =	spop (v2sf)  }
0x30c: {  	s7 =	sadd.s32 s7, s29  }
0x30d: {  	v14, _, _ =	vpop (xrf0);
	s29 =	sadd.s32 $0x80000000, s7  }
0x30e: {  	v15 =	vmov s29;
	v16 =	vxor.u32 $0x80000000, v14  }
0x30f: {  	v15 =	vadd.s32 $0xFFFFFFFF, v15;
	(xrf0) =	vmax.scan.msk.u32 $0xffff, v16  }
0x310: {  	v15 =	vbroadcast v15, $0x0  }
0x311: {  	s5 =	sadd.s32 $0x10, s5  }
0x312: {  	v16 =	vld [tilespmem:s5+$0x0];
	v14 =	vadd.s32 v14, v15;
	_ =	sdelay $0x2  }
.Ltmp28:
0x313: {  	v15, _, _ =	vpop (xrf0);
	(pc) =	sbr.rel @p2 .LBB2_42-.Ltmp28, $4  }
0x314: {  	(v2sf) =	vpush v15, $0xF  }
0x315: {  	[tilespmem:v14+s25+$0x0] =	vst.idx.msk vm2, v16  }
0x316: {  	s14 =	sadd.s32 $0x10, s14  }
0x317: {  	s15 =	sadd.s32 $0xFFFFFFFF, s15;
	v14 =	vld [tilespmem:s14+$0x0]  }
.LBB2_43:
0x318: {  	_ = 	snop  }
0x319: {  	s2 =	sadd.s32 @p1 $0x10, s2;
	s7 =	simm.s32 $0x0  }
0x31a: {  	s7 =	smov.u32 @p1 s2  }
0x31b: {  	v15 =	vor.u32 s7, v9  }
0x31c: {  	vm3 =	vlt.s32 v15, v13;
	vm2 =	veq.s32 v14, v6  }
0x31d: {  	vm2 =	vmand vm3, vm2  }
0x31e: {  	v13 =	vsel vm2, $0x1, v8  }
0x31f: {  	(xrf0) =	vadd.scan.msk.s32 $0xffff, v13;
	_ =	sdelay $0x5  }
0x320: {  	v13, _, _ =	vpop (xrf0)  }
0x321: {  	v14 =	vxor.u32 $0x80000000, v13  }
0x322: {  	(xrf0) =	vmax.scan.msk.u32 $0xffff, v14;
	_ =	sdelay $0x5  }
0x323: {  	v14, _, _ =	vpop (xrf0)  }
0x324: {  	(v2sf) =	vpush v14, $0xF;
	_ =	sdelay $0x3  }
0x325: {  	s2 =	spop @p1 (v2sf)  }
0x326: {  	s2 =	sadd.s32 @p1 s2, s29  }
0x327: {  	s2 =	sadd.s32 @p1 $0x80000000, s2  }
0x328: {  	s0 =	smov.u32 @p1 s2  }
0x329: {  	v14 =	vmov s0  }
0x32a: {  	v14 =	vadd.s32 $0xFFFFFFFF, v14  }
0x32b: {  	s2 =	sadd.s32 @p1 $0x10, s5;
	v14 =	vbroadcast v14, $0x0  }
0x32c: {  	s1 =	smov.u32 @p1 s2  }
0x32d: {  	v15 =	vld [tilespmem:s1+$0x0];
	v13 =	vadd.s32 v13, v14;
	_ =	sdelay $0x2  }
0x32e: {  	s31 =	spop (v2sf)  }
0x32f: {  	s0 =	sadd.s32 s31, s0  }
0x330: {  	[tilespmem:v13+s25+$0x0] =	vst.idx.msk vm2, v15;
	s0 =	sadd.s32 $0x80000000, s0  }
.LBB2_44:
0x331: {  	v13 =	vld [tilespmem:$0x1060];
	_ =	sdelay $0x4  }
0x332: {  	v13 =	vnsel vm0, $0x0, v13  }
0x333: {  	(xrf0) =	vadd.scan.msk.s32 $0xffff, v13;
	_ =	sdelay $0x5  }
0x334: {  	v14, _, _ =	vpop (xrf0)  }
0x335: {  	(v2sf) =	vpush v14, $0xF;
	_ =	sdelay $0xe  }
0x336: {  	s1 =	spop (v2sf)  }
0x337: {  	s1 =	sadd.s32 s0, s1  }
0x338: {  	s2 =	sshra.s32 s1, $0x1F  }
0x339: {  	s2 =	sshrl.u32 s2, $0x18  }
0x33a: {  	s2 =	sadd.s32 s2, s1  }
0x33b: {  	s2 =	sand.u32 $0xFFFFFF00, s2  }
0x33c: {  	s1 =	ssub.s32 s1, s2  }
0x33d: {  	v13 =	vmov s1;
	s1 =	sadd.s32 $0xF, s0  }
0x33e: {  	p1 =	slt.s32 s1, $0x10  }
.Ltmp29:
0x33f: {  	s31 =	rddreg [dreg:$0xc];
	[tilespmem:$0xB300] =	vst v13;
	(pc) =	sbr.rel @p1 .LBB2_48-.Ltmp29, $4  }
0x340: {  	[hbm4b:s31+s4] =	stream.linear.scatter [tilespmem:s17], [sflag:$0x3], $0x80, $0x38;
	[tilespmem:$0xB380] =	vst v63  }
0x341: {  	_ =	swait.ge [sflag:s21], $0x80  }
0x342: {  	[sflag:s21] =	ssyncset.done $0x0  }
0x343: {  	[sflag:s21] =	ssyncadd.s32 $0xFFFFFF80  }
0x344: {  	s0 =	sadd.s32 $0xFFFFFFFF, s0  }
0x345: {  	v13 =	vmov s0  }
0x346: {  	vm2 =	vlt.s32 v13, v9  }
0x347: {  	v15 =	vsel vm2, s0, v9;
	_ =	sdelay $0x4  }
0x348: {  	v15 =	vld.idx.msk [tilespmem:v15+s25+$0x0], $0xffff;
	_ =	sdelay $0x4  }
0x349: {  	v16 =	vshll.u32 v15, $0x3  }
0x34a: {  	v15 =	vand.u32 $0x7, v15;
	v16 =	vand.u32 $0xFFFFFFC0, v16  }
0x34b: {  	v15 =	vor.u32 v15, v16  }
0x34c: {  	v16 =	vperm.xlane v15, v10;
	_ =	sdelay $0x1  }
0x34d: {  	v16 =	vadd.s32 v11, v16;
	_ =	sdelay $0x3  }
0x34e: {  	s29 =	simm.s32 $0x0;
	s5 =	simm.s32 $0x3300  }
0x34f: {  	[tilespmem:s5], [sflag:$0x1] =	stream.indirect_vreg.gather [hbm4b:s6+s29], $0x80, v16, vm1, $0xb8;
	[tilespmem:$0xB380] =	vst v63  }
0x350: {  	s7 =	simm.s32 $0x3B00;
	s15 =	sshra.s32 s1, $0x1F;
	v15 =	vperm.xlane v15, v12  }
0x351: {  	[tilespmem:s7], [sflag:$0x1] =	stream.indirect_vreg.gather [hbm4b:s8+s29], $0x80, v16, vm1, $0xb8;
	[tilespmem:$0xB380] =	vst v63  }
0x352: {  	s14 =	simm.s32 $0x4300;
	s0 =	sshrl.u32 s15, $0x1C;
	v15 =	vadd.s32 v11, v15  }
0x353: {  	[tilespmem:s14], [sflag:$0x1] =	stream.indirect_vreg.gather [hbm4b:s9+s29], $0x80, v16, vm1, $0xb8;
	[tilespmem:$0xB380] =	vst v63  }
0x354: {  	s2 =	simm.s32 $0x4B00;
	s0 =	sadd.s32 s0, s1  }
0x355: {  	[tilespmem:s2], [sflag:$0x1] =	stream.indirect_vreg.gather [hbm4b:s10+s29], $0x80, v16, vm1, $0xb8;
	[tilespmem:$0xB380] =	vst v63  }
0x356: {  	s16 =	simm.s32 $0x5300;
	s0 =	sshra.s32 s0, $0x4  }
0x357: {  	[tilespmem:s16], [sflag:$0x1] =	stream.indirect_vreg.gather [hbm4b:s6+s29], $0x80, v15, vm1, $0xb8;
	[tilespmem:$0xB380] =	vst v63  }
0x358: {  	s17 =	simm.s32 $0x5B00;
	p1 =	sle.s32 s0, $0x1  }
0x359: {  	[tilespmem:s17], [sflag:$0x1] =	stream.indirect_vreg.gather [hbm4b:s8+s29], $0x80, v15, vm1, $0xb8;
	[tilespmem:$0xB380] =	vst v63  }
0x35a: {  	s18 =	simm.s32 $0x6300;
	s1 =	simm.s32 @!p1 $0x10;
	v16 =	vlaneseq.u32 @!p1  }
0x35b: {  	v17 =	vor.u32 @!p1 s1, v16;
	[tilespmem:s18], [sflag:$0x1] =	stream.indirect_vreg.gather [hbm4b:s9+s29], $0x80, v15, vm1, $0xb8;
	[tilespmem:$0xB380] =	vst v63  }
0x35c: {  	s19 =	simm.s32 $0x6B00;
	p2 =	por $0x1, $0x1;
	vm2 =	vlt.s32 @!p1 v17, v13  }
0x35d: {  	[tilespmem:s19], [sflag:$0x1] =	stream.indirect_vreg.gather [hbm4b:s10+s29], $0x80, v15, vm1, $0xb8;
	v15 =	vsel @!p1 vm2, v17, v13;
	[tilespmem:$0xB380] =	vst v63  }
0x35e: {  	s1 =	simm.s32 @!p2 $0x2  }
0x35f: {  	_ =	swait.ge @!p2 [sflag:s1], $0x4000  }
0x360: {  	[sflag:s1] =	ssyncset.done @!p2 $0x0  }
0x361: {  	[sflag:s1] =	ssyncadd.s32 @!p2 $0xFFFFC000;
	s1 =	simm.s32 @!p1 $0x3180  }
0x362: {  	v15 =	vld.idx.msk @!p1 [tilespmem:v15+s1+$0x0], $0xffff;
	_ =	sdelay $0x4  }
0x363: {  	v17 =	vshll.u32 @!p1 v15, $0x3  }
0x364: {  	v15 =	vand.u32 @!p1 $0x7, v15;
	v17 =	vand.u32 @!p1 $0xFFFFFFC0, v17  }
0x365: {  	v18 =	vand.u32 @!p1 $0x7, v16;
	v19 =	vshrl.u32 @!p1 v16, $0x3;
	v15 =	vor.u32 @!p1 v15, v17  }
0x366: {  	v17 =	vperm.xlane @!p1 v15, v18;
	v18 =	vmul.u32 @!p1 $0x8, v19;
	_ =	sdelay $0x1  }
0x367: {  	v17 =	vadd.s32 @!p1 v18, v17;
	_ =	sdelay $0x1  }
0x368: {  	s1 =	simm.s32 @!p1 $0x4000;
	v19 =	vor.u32 s29, v9  }
0x369: {  	v14 =	vbroadcast v14, $0xF;
	s1 =	sand.u32 @!p1 $0x4000, s1;
	vm2 =	vlt.s32 v19, v13  }
0x36a: {  	s5 =	simm.s32 @!p1 $0x0;
	s2 =	sor.u32 @!p1 $0x3300, s1;
	v19 =	vsel vm2, v19, v13;
	vm2 =	vmmov @!p1 $0xffff  }
0x36b: {  	v16 =	vor.u32 @!p1 $0x8, v16;
	v19 =	vadd.s32 v14, v19;
	[tilespmem:s2], [sflag:$0x1] =	stream.indirect_vreg.gather @!p1 [hbm4b:s6+s5], $0x80, v17, vm2, $0xb8;
	[tilespmem:$0xB380] =	vst v63  }
0x36c: {  	v15 =	vperm.xlane @!p1 v15, v16;
	v16 =	vshra.s32 v19, $0x1F;
	s2 =	sor.u32 @!p1 $0x3B00, s1  }
0x36d: {  	v16 =	vshrl.u32 v16, $0x18;
	[tilespmem:s2], [sflag:$0x1] =	stream.indirect_vreg.gather @!p1 [hbm4b:s8+s5], $0x80, v17, vm2, $0xb8;
	[tilespmem:$0xB380] =	vst v63  }
0x36e: {  	v15 =	vadd.s32 @!p1 v18, v15;
	v16 =	vadd.s32 v16, v19;
	s2 =	sadd.s32 @!p1 $0x4300, s1  }
0x36f: {  	v16 =	vshrl.u32 v16, $0x8;
	[tilespmem:s2], [sflag:$0x1] =	stream.indirect_vreg.gather @!p1 [hbm4b:s9+s5], $0x80, v17, vm2, $0xb8;
	[tilespmem:$0xB380] =	vst v63  }
0x370: {  	v16 =	vshll.u32 v16, $0x8;
	s2 =	sadd.s32 @!p1 $0x4B00, s1  }
0x371: {  	v16 =	vsub.s32 v19, v16;
	[tilespmem:s2], [sflag:$0x1] =	stream.indirect_vreg.gather @!p1 [hbm4b:s10+s5], $0x80, v17, vm2, $0xb8;
	[tilespmem:$0xB380] =	vst v63  }
0x372: {  	s2 =	sadd.s32 @!p1 $0x5300, s1;
	v17 =	vadd.s32 v7, v16  }
0x373: {  	v17 =	vshll.u32 v17, $0x3;
	[tilespmem:s2], [sflag:$0x1] =	stream.indirect_vreg.gather @!p1 [hbm4b:s6+s5], $0x80, v15, vm2, $0xb8;
	[tilespmem:$0xB380] =	vst v63  }
0x374: {  	v16 =	vand.u32 $0x7, v16;
	s2 =	sadd.s32 @!p1 $0x5B00, s1;
	v17 =	vand.u32 $0xFFFFFFC0, v17  }
0x375: {  	v17 =	vor.u32 v16, v17;
	[tilespmem:s2], [sflag:$0x1] =	stream.indirect_vreg.gather @!p1 [hbm4b:s8+s5], $0x80, v15, vm2, $0xb8;
	[tilespmem:$0xB380] =	vst v63  }
0x376: {  	s2 =	sadd.s32 @!p1 $0x6300, s1;
	v16 =	vperm.xlane v17, v10  }
0x377: {  	[tilespmem:s2], [sflag:$0x1] =	stream.indirect_vreg.gather @!p1 [hbm4b:s9+s5], $0x80, v15, vm2, $0xb8;
	[tilespmem:$0xB380] =	vst v63  }
0x378: {  	s20 =	simm.s32 $0x0;
	s1 =	sadd.s32 @!p1 $0x6B00, s1;
	v16 =	vadd.s32 v11, v16  }
0x379: {  	[tilespmem:s1], [sflag:$0x1] =	stream.indirect_vreg.gather @!p1 [hbm4b:s10+s5], $0x80, v15, vm2, $0xb8;
	[tilespmem:$0xB380] =	vst v63  }
0x37a: {  	s26 =	sand.u32 $0x10000, s20;
	_ =	swait.ge [sflag:s22], $0x4000  }
0x37b: {  	s2 =	sshrl.u32 s26, $0x2;
	[sflag:s22] =	ssyncset.done $0x0  }
0x37c: {  	s1 =	sor.u32 $0x3300, s2;
	p1 =	sne.s32 s0, $0x1;
	[sflag:s22] =	ssyncadd.s32 $0xFFFFC000  }
0x37d: {  	[hbm4b:s3+s4] =	stream.indirect_vreg.scatter [tilespmem:s1], [sflag:$0x2], $0x80, v16, vm1, $0xb8;
	[tilespmem:$0xB380] =	vst v63  }
.Ltmp30:
0x37e: {  	_ = 	snop;
	(pc) =	sbr.rel @!p1 .LBB2_47-.Ltmp30, $4  }
0x37f: {  	s30 =	sor.u32 $0x3B00, s2;
	s31 =	sadd.s32 $0x4300, s2  }
0x380: {  	v15 =	vperm.xlane v17, v12;
	[hbm4b:s11+s4] =	stream.indirect_vreg.scatter [tilespmem:s30], [sflag:$0x2], $0x80, v16, vm1, $0xb8;
	[tilespmem:$0xB380] =	vst v63  }
0x381: {  	s14 =	sadd.s32 $0x4B00, s2;
	s5 =	simm.s32 $0x10000;
	s1 =	simm.s32 $0x1  }
0x382: {  	v15 =	vadd.s32 v11, v15;
	[hbm4b:s12+s4] =	stream.indirect_vreg.scatter [tilespmem:s31], [sflag:$0x2], $0x80, v16, vm1, $0xb8;
	[tilespmem:$0xB380] =	vst v63  }
.LBB2_46:
0x383: {  	s29 =	sadd.s32 $0x10, s29;
	s7 =	smov.u32 s1;
	s1 =	sadd.s32 $0x1, s1  }
0x384: {  	[hbm4b:s13+s4] =	stream.indirect_vreg.scatter [tilespmem:s14], [sflag:$0x2], $0x80, v16, vm1, $0xb8;
	[tilespmem:$0xB380] =	vst v63  }
0x385: {  	s5 =	sadd.s32 $0x10000, s5;
	p1 =	sge.s32 s1, s0;
	s14 =	sadd.s32 $0x5300, s2  }
0x386: {  	s17 =	sadd.s32 $0x5B00, s2;
	s15 =	sadd.s32 @!p1 $0x10, s29;
	v16 =	vlaneseq.u32 @!p1;
	s16 =	sshrl.u32 @!p1 s5, $0x2  }
0x387: {  	v17 =	vor.u32 @!p1 s15, v16;
	v18 =	vand.u32 @!p1 $0x7, v16;
	v19 =	vshrl.u32 @!p1 v16, $0x3;
	[hbm4b:s3+s4] =	stream.indirect_vreg.scatter [tilespmem:s14], [sflag:$0x2], $0x80, v15, vm1, $0xb8;
	[tilespmem:$0xB380] =	vst v63  }
0x388: {  	s16 =	sand.u32 @!p1 $0x4000, s16;
	v16 =	vor.u32 @!p1 $0x8, v16;
	vm2 =	vlt.s32 @!p1 v17, v13;
	s14 =	sadd.s32 $0x6300, s2;
	s2 =	sadd.s32 $0x6B00, s2  }
0x389: {  	v17 =	vsel @!p1 vm2, v17, v13;
	[hbm4b:s11+s4] =	stream.indirect_vreg.scatter [tilespmem:s17], [sflag:$0x2], $0x80, v15, vm1, $0xb8;
	[tilespmem:$0xB380] =	vst v63  }
0x38a: {  	p2 =	seq.s32 s7, $0x0;
	s7 =	sor.u32 @!p1 $0x3300, s16;
	s17 =	sor.u32 @!p1 $0x3B00, s16  }
0x38b: {  	[hbm4b:s12+s4] =	stream.indirect_vreg.scatter [tilespmem:s14], [sflag:$0x2], $0x80, v15, vm1, $0xb8;
	[tilespmem:$0xB380] =	vst v63  }
0x38c: {  	s18 =	simm.s32 @!p2 $0x2;
	s19 =	sadd.s32 @!p1 $0x4300, s16;
	s20 =	sadd.s32 @!p1 $0x4B00, s16  }
0x38d: {  	[hbm4b:s13+s4] =	stream.indirect_vreg.scatter [tilespmem:s2], [sflag:$0x2], $0x80, v15, vm1, $0xb8;
	[tilespmem:$0xB380] =	vst v63  }
0x38e: {  	s26 =	sadd.s32 @!p1 $0x5300, s16;
	s15 =	sadd.s32 @!p1 $0x5B00, s16;
	_ =	swait.ge @!p2 [sflag:s18], $0x4000  }
0x38f: {  	s14 =	sadd.s32 @!p1 $0x6300, s16;
	s2 =	sadd.s32 @!p1 $0x6B00, s16;
	[sflag:s18] =	ssyncset.done @!p2 $0x0  }
0x390: {  	s16 =	simm.s32 @!p1 $0x3180;
	[sflag:s18] =	ssyncadd.s32 @!p2 $0xFFFFC000;
	p2 =	sne.s32 s0, s1  }
0x391: {  	v15 =	vld.idx.msk @!p1 [tilespmem:v17+s16+$0x0], $0xffff;
	_ =	sdelay $0x5  }
0x392: {  	v17 =	vand.u32 @!p1 $0x7, v15;
	v15 =	vshll.u32 @!p1 v15, $0x3  }
0x393: {  	v15 =	vand.u32 @!p1 $0xFFFFFFC0, v15  }
0x394: {  	v15 =	vor.u32 @!p1 v17, v15  }
0x395: {  	v17 =	vperm.xlane @!p1 v15, v18;
	v18 =	vmul.u32 @!p1 $0x8, v19;
	v15 =	vperm.xlane @!p1 v15, v16;
	_ =	sdelay $0x1  }
0x396: {  	v16 =	vadd.s32 @!p1 v18, v17;
	_ =	sdelay $0x1  }
0x397: {  	v17 =	vor.u32 s29, v9  }
0x398: {  	vm3 =	vlt.s32 v17, v13  }
0x399: {  	vm2 =	vmmov @!p1 $0xffff;
	s16 =	simm.s32 @!p1 $0x0;
	v17 =	vsel vm3, v17, v13  }
0x39a: {  	v17 =	vadd.s32 v14, v17;
	[tilespmem:s7], [sflag:$0x1] =	stream.indirect_vreg.gather @!p1 [hbm4b:s6+s16], $0x80, v16, vm2, $0xb8;
	[tilespmem:$0xB380] =	vst v63  }
0x39b: {  	v19 =	vshra.s32 v17, $0x1F  }
0x39c: {  	v19 =	vshrl.u32 v19, $0x18;
	[tilespmem:s17], [sflag:$0x1] =	stream.indirect_vreg.gather @!p1 [hbm4b:s8+s16], $0x80, v16, vm2, $0xb8;
	[tilespmem:$0xB380] =	vst v63  }
0x39d: {  	v15 =	vadd.s32 @!p1 v18, v15;
	v18 =	vadd.s32 v19, v17  }
0x39e: {  	v18 =	vshrl.u32 v18, $0x8;
	[tilespmem:s19], [sflag:$0x1] =	stream.indirect_vreg.gather @!p1 [hbm4b:s9+s16], $0x80, v16, vm2, $0xb8;
	[tilespmem:$0xB380] =	vst v63  }
0x39f: {  	v18 =	vshll.u32 v18, $0x8  }
0x3a0: {  	[tilespmem:s20], [sflag:$0x1] =	stream.indirect_vreg.gather @!p1 [hbm4b:s10+s16], $0x80, v16, vm2, $0xb8;
	v16 =	vsub.s32 v17, v18;
	[tilespmem:$0xB380] =	vst v63  }
0x3a1: {  	v17 =	vadd.s32 v7, v16  }
0x3a2: {  	[tilespmem:s26], [sflag:$0x1] =	stream.indirect_vreg.gather @!p1 [hbm4b:s6+s16], $0x80, v15, vm2, $0xb8;
	v17 =	vshll.u32 v17, $0x3;
	[tilespmem:$0xB380] =	vst v63  }
0x3a3: {  	v16 =	vand.u32 $0x7, v16;
	v17 =	vand.u32 $0xFFFFFFC0, v17  }
0x3a4: {  	[tilespmem:s15], [sflag:$0x1] =	stream.indirect_vreg.gather @!p1 [hbm4b:s8+s16], $0x80, v15, vm2, $0xb8;
	v16 =	vor.u32 v16, v17;
	[tilespmem:$0xB380] =	vst v63  }
0x3a5: {  	v17 =	vperm.xlane v16, v10;
	v18 =	vperm.xlane v16, v12  }
0x3a6: {  	[tilespmem:s14], [sflag:$0x1] =	stream.indirect_vreg.gather @!p1 [hbm4b:s9+s16], $0x80, v15, vm2, $0xb8;
	[tilespmem:$0xB380] =	vst v63  }
0x3a7: {  	s7 =	sadd.s32 $0xFFFF0000, s5;
	v16 =	vadd.s32 v11, v17  }
0x3a8: {  	[tilespmem:s2], [sflag:$0x1] =	stream.indirect_vreg.gather @!p1 [hbm4b:s10+s16], $0x80, v15, vm2, $0xb8;
	[tilespmem:$0xB380] =	vst v63  }
0x3a9: {  	s2 =	sand.u32 $0x10000, s7;
	_ =	swait.ge [sflag:s22], $0x4000  }
0x3aa: {  	s2 =	sshrl.u32 s2, $0x2;
	[sflag:s22] =	ssyncset.done $0x0  }
0x3ab: {  	s7 =	sor.u32 $0x3300, s2;
	s14 =	sadd.s32 $0x4B00, s2;
	[sflag:s22] =	ssyncadd.s32 $0xFFFFC000  }
0x3ac: {  	[hbm4b:s3+s4] =	stream.indirect_vreg.scatter [tilespmem:s7], [sflag:$0x2], $0x80, v16, vm1, $0xb8;
	[tilespmem:$0xB380] =	vst v63  }
.Ltmp31:
0x3ad: {  	_ = 	snop;
	(pc) =	sbr.rel @p2 .LBB2_46-.Ltmp31, $4  }
0x3ae: {  	s7 =	sor.u32 $0x3B00, s2  }
0x3af: {  	[hbm4b:s11+s4] =	stream.indirect_vreg.scatter [tilespmem:s7], [sflag:$0x2], $0x80, v16, vm1, $0xb8;
	[tilespmem:$0xB380] =	vst v63  }
0x3b0: {  	v15 =	vadd.s32 v11, v18;
	s7 =	sadd.s32 $0x4300, s2  }
0x3b1: {  	[hbm4b:s12+s4] =	stream.indirect_vreg.scatter [tilespmem:s7], [sflag:$0x2], $0x80, v16, vm1, $0xb8;
	[tilespmem:$0xB380] =	vst v63  }
.Ltmp32:
0x3b2: {  	_ = 	snop;
	(pc) =	sbr.rel .LBB2_47-.Ltmp32, $1  }
0x3b3: {  	_ =	sdelay $0x3  }
.LBB2_5:
.Ltmp33:
0x3b4: {  	(pc) =	sbr.rel .LBB2_9-.Ltmp33, $2  }
0x3b5: {  	_ =	sdelay $0x2  }
0x3b6: {  	s2 =	simm.s32 $0x0;
	s31 =	simm.s32 $0x0;
	s5 =	simm.s32 $0x1080  }
.LBB2_16:
.Ltmp34:
0x3b7: {  	(pc) =	sbr.rel .LBB2_20-.Ltmp34, $2  }
0x3b8: {  	_ =	sdelay $0x2  }
0x3b9: {  	s2 =	simm.s32 $0x0;
	s31 =	simm.s32 $0x0;
	s5 =	simm.s32 $0x1080  }
.LBB2_27:
.Ltmp35:
0x3ba: {  	(pc) =	sbr.rel .LBB2_31-.Ltmp35, $2  }
0x3bb: {  	_ =	sdelay $0x2  }
0x3bc: {  	s2 =	simm.s32 $0x0;
	s31 =	simm.s32 $0x0;
	s5 =	simm.s32 $0x1080  }
.LBB2_7:
.Ltmp36:
0x3bd: {  	(pc) =	sbr.rel .LBB2_9-.Ltmp36, $2  }
0x3be: {  	_ =	sdelay $0x2  }
0x3bf: {  	s2 =	simm.s32 $0x0;
	s31 =	simm.s32 $0x0;
	s5 =	simm.s32 $0x1080  }
.LBB2_18:
.Ltmp37:
0x3c0: {  	(pc) =	sbr.rel .LBB2_20-.Ltmp37, $2  }
0x3c1: {  	_ =	sdelay $0x2  }
0x3c2: {  	s2 =	simm.s32 $0x0;
	s31 =	simm.s32 $0x0;
	s5 =	simm.s32 $0x1080  }
.LBB2_29:
.Ltmp38:
0x3c3: {  	(pc) =	sbr.rel .LBB2_31-.Ltmp38, $2  }
0x3c4: {  	_ =	sdelay $0x2  }
0x3c5: {  	s2 =	simm.s32 $0x0;
	s31 =	simm.s32 $0x0;
	s5 =	simm.s32 $0x1080  }
.LBB2_39:
.Ltmp39:
0x3c6: {  	(pc) =	sbr.rel .LBB2_43-.Ltmp39, $2  }
0x3c7: {  	_ =	sdelay $0x2  }
0x3c8: {  	s2 =	simm.s32 $0x0;
	s29 =	simm.s32 $0x0;
	s5 =	simm.s32 $0x1080  }
.LBB2_41:
.Ltmp40:
0x3c9: {  	(pc) =	sbr.rel .LBB2_43-.Ltmp40, $2  }
0x3ca: {  	_ =	sdelay $0x2  }
0x3cb: {  	s2 =	simm.s32 $0x0;
	s29 =	simm.s32 $0x0;
	s5 =	simm.s32 $0x1080  }
.LBB2_49:
0x3cc: {  	_ =	sfence.sel $0x180000  }
0x3cd: {  	[bflag:$0x0] =	sbarrier.arrive $0xFFFF  }
0x3ce: {  	_ =	strace $0x90000047  }
0x3cf: {  	s0 =	stileid.u32;
	[bflag:$0x2] =	sbarrier.arrive $0xFFFF  }
0x3d0: {  	p0 =	sne.s32 s0, $0x0;
	s0 =	rddreg [dreg:$0x4]  }
0x3d1: {  	s0 =	sadd.s32 @!p0 $0x100000, s0  }
0x3d2: {  	[sflag:s0] =	ssyncadd.tile.s32 @!p0 $0x1;
	_ =	shalt  }
.Lfunc_end2:
_tile_overlayer_lowered:
.L_overlay_start_2:
0x3d3: {  	(tag) =	ssettag $0x2  }
0x3d4: {  	s0 =	rddreg [dreg:$0x0];
	s2 =	stileid.u32  }
0x3d5: {  	s1 =	rddreg [dreg:$0x1];
	p0 =	sne.s32 s2, $0x0  }
0x3d6: {  	s3 =	rddreg [dreg:$0x2];
	[bflag:$0x3] =	sbarrier.arrive $0xFFFF;
	s2 =	simm.s32 @!p0 $0x1C03  }
0x3d7: {  	[timem:s3], [sflag:s2] =	dma.local @!p0 [hbm:s0], s1  }
0x3d8: {  	s0 =	simm.s32 @!p0 $0x3  }
0x3d9: {  	_ =	swait.ge @!p0 [sflag:s0], s1  }
0x3da: {  	s1 =	ssub.s32 @!p0 $0x0, s1;
	[sflag:s0] =	ssyncset.done @!p0 $0x0  }
0x3db: {  	[sflag:s0] =	ssyncadd.s32 @!p0 s1  }
0x3dc: {  	[bflag:$0x3] =	sbarrier.arrive $0xFFFF  }
0x3dd: {  	_ =	shalt  }

</sc_bundles>
